<compile_context>
chip_gen: v7x
topology: tpu7x:2x2x1
jax: 0.10.2.dev20260603
libtpu: 0.0.44.dev20260713+nightly
codegen_flags: <defaults>
</compile_context>

<pallas_src>
import functools

import jax
import jax.numpy as jnp
from jax.experimental import pallas as pl
from jax.experimental.pallas import tpu as pltpu
from jax.experimental.pallas import tpu_sc as plsc

HUMAN_IDX = 0
NUM_CLASSES = 117
NMS_THRESH = 0.5
MAX_HUMAN = 10
MAX_OBJECT = 10
IMG_SIZE = 1024.0
STRIDE = 16.0
POOL = 7
N_BOXES = 5000
C_FEAT = 256

NP_PAD = 5120
ROWS = 40
COLS = 128


TD = 128


def _make_sc_order_gather():
    info = plsc.get_sparse_core_info()
    nw = info.num_cores * info.num_subcores
    b_per_w = NP_PAD // nw
    mesh = plsc.VectorSubcoreMesh(core_axis_name="c", subcore_axis_name="s")

    @functools.partial(
        pl.kernel, mesh=mesh,
        out_type=jax.ShapeDtypeStruct((NP_PAD, TD), jnp.float32),
        scratch_types=[
            pltpu.VMEM((b_per_w,), jnp.int32),
            pltpu.VMEM((b_per_w, TD), jnp.float32),
            pltpu.SemaphoreType.DMA,
        ],
    )
    def sc_gather(table_hbm, idx_hbm, out_hbm, idx_v, rows_v, sem):
        wid = (jax.lax.axis_index("s") * info.num_cores
               + jax.lax.axis_index("c"))
        base = wid * b_per_w
        pltpu.sync_copy(idx_hbm.at[pl.ds(base, b_per_w)], idx_v)
        pltpu.async_copy(table_hbm.at[idx_v], rows_v, sem).wait()
        pltpu.sync_copy(rows_v, out_hbm.at[pl.ds(base, b_per_w)])

    return sc_gather


_SC_CACHE = {}


def _sc_order_gather(table, idx):
    if "g" not in _SC_CACHE:
        _SC_CACHE["g"] = _make_sc_order_gather()
    return _SC_CACHE["g"](table, idx)


def _nms_kernel(x1_ref, y1_ref, x2_ref, y2_ref, nht_ref, keep_ref):
    x1 = x1_ref[...]
    y1 = y1_ref[...]
    x2 = x2_ref[...]
    y2 = y2_ref[...]
    nhtot = nht_ref[0, 0]
    area = (x2 - x1) * (y2 - y1)
    gidx = (jax.lax.broadcasted_iota(jnp.int32, (ROWS, COLS), 0) * COLS
            + jax.lax.broadcasted_iota(jnp.int32, (ROWS, COLS), 1))

    def body_at(i, keep):
        sel = (gidx == i).astype(jnp.float32)
        x1i = jnp.sum(x1 * sel)
        y1i = jnp.sum(y1 * sel)
        x2i = jnp.sum(x2 * sel)
        y2i = jnp.sum(y2 * sel)
        keep_i = jnp.sum(keep * sel)
        area_i = (x2i - x1i) * (y2i - y1i)
        ltx = jnp.maximum(x1i, x1)
        lty = jnp.maximum(y1i, y1)
        rbx = jnp.minimum(x2i, x2)
        rby = jnp.minimum(y2i, y2)
        wx = jnp.clip(rbx - ltx, 0.0)
        wy = jnp.clip(rby - lty, 0.0)
        inter = wx * wy
        union = area_i + area - inter
        iou = inter / jnp.maximum(union, 1e-6)
        sup = ((iou > NMS_THRESH) & (gidx > i)).astype(jnp.float32) * keep_i
        return keep_i, keep * (1.0 - sup)

    def scan_segment(start, end, keep):
        def cond(c):
            i, cnt, _ = c
            return (i < end) & (cnt < MAX_HUMAN)

        def body(c):
            i, cnt, keep = c
            keep_i, keep = body_at(i, keep)
            return i + 1, cnt + keep_i, keep

        _, _, keep = jax.lax.while_loop(
            cond, body, (start, jnp.float32(0), keep))
        return keep

    keep = jnp.ones((ROWS, COLS), jnp.float32)
    keep = scan_segment(jnp.int32(0), nhtot, keep)
    keep = scan_segment(nhtot, jnp.int32(N_BOXES), keep)
    keep_ref[...] = keep


def _head_kernel(feat_ref, box_ref, prior_ref, w1_ref, b1_ref, w2_ref, b2_ref,
                 out_ref):
    b = box_ref[...]
    x1 = b[:, 0:1] / STRIDE
    y1 = b[:, 1:2] / STRIDE
    x2 = b[:, 2:3] / STRIDE
    y2 = b[:, 3:4] / STRIDE
    p49 = jax.lax.broadcasted_iota(jnp.int32, (1, POOL * POOL), 1)
    prow = (p49 // POOL).astype(jnp.float32)
    pcol = (p49 % POOL).astype(jnp.float32)
    gy = y1 + (prow + 0.5) * (y2 - y1) / POOL
    gx = x1 + (pcol + 0.5) * (x2 - x1) / POOL
    y0 = jnp.clip(jnp.floor(gy), 0.0, 62.0)
    x0 = jnp.clip(jnp.floor(gx), 0.0, 62.0)
    wy = jnp.clip(gy - y0, 0.0, 1.0)
    wx = jnp.clip(gx - x0, 0.0, 1.0)
    pos00 = y0.astype(jnp.int32) * 64 + x0.astype(jnp.int32)
    col = jax.lax.broadcasted_iota(jnp.int32, (1, 64 * 64), 1)

    s_mat = jnp.zeros((2 * MAX_HUMAN, 64 * 64), jnp.float32)
    for p in range(POOL * POOL):
        base = pos00[:, p:p + 1]
        wyp = wy[:, p:p + 1]
        wxp = wx[:, p:p + 1]
        s_mat = s_mat + (col == base).astype(jnp.float32) * ((1 - wyp) * (1 - wxp))
        s_mat = s_mat + (col == base + 1).astype(jnp.float32) * ((1 - wyp) * wxp)
        s_mat = s_mat + (col == base + 64).astype(jnp.float32) * (wyp * (1 - wxp))
        s_mat = s_mat + (col == base + 65).astype(jnp.float32) * (wyp * wxp)

    pooled = jax.lax.dot_general(
        s_mat, feat_ref[...], (((1,), (1,)), ((), ())),
        preferred_element_type=jnp.float32) * (1.0 / (POOL * POOL))

    h_feat = pooled[0:MAX_HUMAN, :]
    o_feat = pooled[MAX_HUMAN:, :]
    w1a = w1_ref[0:C_FEAT, :]
    w1b = w1_ref[C_FEAT:, :]
    hp = jnp.dot(h_feat, w1a, preferred_element_type=jnp.float32)
    op = jnp.dot(o_feat, w1b, preferred_element_type=jnp.float32)

    pidx = jax.lax.broadcasted_iota(jnp.int32, (MAX_HUMAN * MAX_OBJECT, 1), 0)
    k10 = jax.lax.broadcasted_iota(jnp.int32, (1, MAX_HUMAN), 1)
    e_h = (pidx // MAX_OBJECT == k10).astype(jnp.float32)
    e_o = (pidx % MAX_OBJECT == k10).astype(jnp.float32)
    h_exp = jnp.dot(e_h, hp, preferred_element_type=jnp.float32)
    o_exp = jnp.dot(e_o, op, preferred_element_type=jnp.float32)
    hidden = jax.nn.relu(h_exp + o_exp + b1_ref[...])
    logits = jnp.dot(hidden, w2_ref[...], preferred_element_type=jnp.float32) + b2_ref[...]
    out_ref[...] = jax.nn.sigmoid(logits) * prior_ref[...]


def kernel(features, boxes, scores, labels, W1, b1, W2, b2):
    n = N_BOXES
    labels_f = labels.astype(jnp.float32)
    bo = boxes + labels_f[:, None] * (IMG_SIZE + 2.0)

    npad = NP_PAD - n
    px1 = 1e7 + jnp.arange(npad, dtype=jnp.float32) * 100.0
    pads = jnp.stack([px1, jnp.zeros((npad,), jnp.float32),
                      px1 + 1.0, jnp.ones((npad,), jnp.float32)], axis=1)
    hf_col = (labels == HUMAN_IDX).astype(jnp.float32)[:, None]
    table = jnp.concatenate([
        jnp.concatenate([bo, hf_col, 1.0 - hf_col,
                         jnp.zeros((n, TD - 6), jnp.float32)], axis=1),
        jnp.concatenate([pads, jnp.zeros((npad, TD - 4), jnp.float32)], axis=1),
    ], axis=0)
    hmask = labels == HUMAN_IDX
    okey = jnp.where(hmask, -scores, 2.0 - scores)
    order_part = jnp.argsort(okey).astype(jnp.int32)
    nhtot = jnp.sum(hmask.astype(jnp.int32))
    idx_pad = jnp.concatenate([order_part,
                               jnp.arange(n, NP_PAD, dtype=jnp.int32)])
    g = _sc_order_gather(table, idx_pad)
    x1 = g[:, 0].reshape(ROWS, COLS)
    y1 = g[:, 1].reshape(ROWS, COLS)
    x2 = g[:, 2].reshape(ROWS, COLS)
    y2 = g[:, 3].reshape(ROWS, COLS)

    keep_f = pl.pallas_call(
        _nms_kernel,
        out_shape=jax.ShapeDtypeStruct((ROWS, COLS), jnp.float32),
    )(x1, y1, x2, y2, nhtot.reshape(1, 1))
    keep = keep_f.reshape(-1)[:n] > 0.5

    pidx = jnp.arange(n)
    kept_h = keep & (pidx < nhtot)
    kept_o = keep & (pidx >= nhtot)
    (h_pos,) = jnp.nonzero(kept_h, size=MAX_HUMAN, fill_value=n)
    (o_pos,) = jnp.nonzero(kept_o, size=MAX_OBJECT, fill_value=n)
    pos_part = jnp.concatenate([h_pos, o_pos])
    c1 = order_part[jnp.clip(nhtot - 1, 0, n - 1)]
    c2 = order_part[n - 1]
    s1 = scores[c1]
    s2 = scores[c2]
    fb = jnp.where(nhtot == 0, c2,
                   jnp.where(nhtot == n, c1,
                             jnp.where(s1 < s2, c1,
                                       jnp.where(s2 < s1, c2,
                                                 jnp.maximum(c1, c2)))))
    sel = jnp.where(pos_part >= n, fb,
                    order_part[jnp.minimum(pos_part, n - 1)])
    b_s = boxes[sel]
    s_s = scores[sel]
    l_s = labels[sel]
    nh = MAX_HUMAN

    no = MAX_OBJECT
    hi = jnp.arange(nh * no) // no
    oi = jnp.arange(nh * no) % no
    prior = (s_s[:nh][hi] * s_s[nh:][oi])[:, None]

    pred = pl.pallas_call(
        _head_kernel,
        out_shape=jax.ShapeDtypeStruct((nh * no, NUM_CLASSES), jnp.float32),
    )(features.reshape(C_FEAT, 64 * 64), b_s, prior,
      W1, b1.reshape(1, -1), W2, b2.reshape(1, -1))

    P = nh * no
    K = NUM_CLASSES
    x = (jnp.arange(P * K) // K).astype(jnp.int32)
    y = (jnp.arange(P * K) % K).astype(jnp.int32)
    pred_scores = pred.reshape(-1)
    boxes_h = b_s[:nh][hi]
    boxes_o = b_s[nh:][oi]
    return boxes_h, boxes_o, x, y, pred_scores, l_s[nh:][oi]

# --- scband reference (transcript-rebuilt; emitter-appended) ---
"""Pipeline reference for scband-interaction-head-28063316312826 (READ-ONLY COPY).

The authoritative reference and input builder live on the scoring server;
editing this copy changes nothing except your own understanding.
"""

import jax, jax.numpy as jnp
import numpy as np

HUMAN_IDX = 0
NUM_CLASSES = 117
NMS_THRESH = 0.5
MAX_HUMAN = 10
MAX_OBJECT = 10
IMG_SIZE = 1024.0
STRIDE = 16.0
POOL = 7
N_BOXES = 5000
C_FEAT = 256


def setup_inputs(seed: int = 0) -> dict:
    key = jax.random.key(seed)
    k1, k2, k3, k4, k5, k6 = jax.random.split(key, 6)
    raw = jax.random.uniform(k1, (N_BOXES, 4), dtype=jnp.float32)
    cx = raw[:, 0] * IMG_SIZE
    cy = raw[:, 1] * IMG_SIZE
    w = raw[:, 2] * 200.0 + 20.0
    h = raw[:, 3] * 200.0 + 20.0
    boxes = jnp.stack([
        jnp.clip(cx - w / 2, 0.0, IMG_SIZE - 2.0),
        jnp.clip(cy - h / 2, 0.0, IMG_SIZE - 2.0),
        jnp.clip(cx + w / 2, 1.0, IMG_SIZE),
        jnp.clip(cy + h / 2, 1.0, IMG_SIZE),
    ], axis=1)
    scores = jax.random.uniform(k2, (N_BOXES,), dtype=jnp.float32)
    labels = jax.random.randint(k3, (N_BOXES,), 0, 81)
    features = jax.random.normal(k4, (C_FEAT, 64, 64), dtype=jnp.float32)
    W1 = jax.random.normal(k5, (2 * C_FEAT, 1024), dtype=jnp.float32) * 0.02
    b1 = jnp.zeros((1024,), dtype=jnp.float32)
    W2 = jax.random.normal(k6, (1024, NUM_CLASSES), dtype=jnp.float32) * 0.02
    b2 = jnp.zeros((NUM_CLASSES,), dtype=jnp.float32)
    return dict(features=features, boxes=boxes, scores=scores, labels=labels,
                W1=W1, b1=b1, W2=W2, b2=b2)


def pairwise_iou(boxes):
    area = (boxes[:, 2] - boxes[:, 0]) * (boxes[:, 3] - boxes[:, 1])
    lt = jnp.maximum(boxes[:, None, :2], boxes[None, :, :2])
    rb = jnp.minimum(boxes[:, None, 2:], boxes[None, :, 2:])
    wh = jnp.clip(rb - lt, 0.0)
    inter = wh[..., 0] * wh[..., 1]
    union = area[:, None] + area[None, :] - inter
    return inter / jnp.maximum(union, 1e-6)


def batched_nms(boxes, scores, labels, thresh):
    # class-offset trick == torchvision.ops.batched_nms
    offset = labels.astype(jnp.float32)[:, None] * (IMG_SIZE + 2.0)
    b = boxes + offset
    order = jnp.argsort(-scores)
    bs = b[order]
    ious = pairwise_iou(bs)
    n = b.shape[0]
    idxs = jnp.arange(n)
    def body(i, keep):
        sup = (ious[i] > thresh) & (idxs > i) & keep[i]
        return keep & (~sup)
    keep = jax.lax.fori_loop(0, n, body, jnp.ones((n,), dtype=bool))
    return order, keep  # sorted-by-descending-score indices and keep mask


def roi_align(features, boxes):
    C, H, W = features.shape
    def one(box):
        x1, y1, x2, y2 = box[0] / STRIDE, box[1] / STRIDE, box[2] / STRIDE, box[3] / STRIDE
        ys = y1 + (jnp.arange(POOL, dtype=jnp.float32) + 0.5) * (y2 - y1) / POOL
        xs = x1 + (jnp.arange(POOL, dtype=jnp.float32) + 0.5) * (x2 - x1) / POOL
        gy, gx = jnp.meshgrid(ys, xs, indexing='ij')
        y0 = jnp.clip(jnp.floor(gy), 0.0, H - 2.0)
        x0 = jnp.clip(jnp.floor(gx), 0.0, W - 2.0)
        wy = jnp.clip(gy - y0, 0.0, 1.0)
        wx = jnp.clip(gx - x0, 0.0, 1.0)
        y0i = y0.astype(jnp.int32)
        x0i = x0.astype(jnp.int32)
        f00 = features[:, y0i, x0i]
        f01 = features[:, y0i, x0i + 1]
        f10 = features[:, y0i + 1, x0i]
        f11 = features[:, y0i + 1, x0i + 1]
        return f00 * (1 - wy) * (1 - wx) + f01 * (1 - wy) * wx + f10 * wy * (1 - wx) + f11 * wy * wx
    return jax.vmap(one)(boxes)


def reference(features, boxes, scores, labels, W1, b1, W2, b2):
    # --- preprocess: batched NMS + per-class-group topk ---
    order, keep = batched_nms(boxes, scores, labels, NMS_THRESH)
    n = order.shape[0]
    idx = jnp.arange(n)
    l_sorted = labels[order]
    kept_h = keep & (l_sorted == HUMAN_IDX)
    kept_o = keep & (l_sorted != HUMAN_IDX)
    h_pos = jnp.sort(jnp.where(kept_h, idx, n))[:MAX_HUMAN]
    o_pos = jnp.sort(jnp.where(kept_o, idx, n))[:MAX_OBJECT]
    sel_sorted = jnp.concatenate([h_pos, o_pos])
    sel = order[sel_sorted]
    b_s = boxes[sel]
    s_s = scores[sel]
    l_s = labels[sel]
    nh = MAX_HUMAN
    # --- box_roi_pool ---
    feats = roi_align(features, b_s)          # [M, C, 7, 7]
    pooled = feats.mean(axis=(2, 3))          # [M, C]
    # --- box_pair_head: all (human, object) pairs ---
    h_feat, o_feat = pooled[:nh], pooled[nh:]
    h_boxes, o_boxes = b_s[:nh], b_s[nh:]
    h_sc, o_sc = s_s[:nh], s_s[nh:]
    obj_cls = l_s[nh:]
    no = o_feat.shape[0]
    hi, oi = jnp.meshgrid(jnp.arange(nh), jnp.arange(no), indexing='ij')
    hi = hi.reshape(-1)
    oi = oi.reshape(-1)
    pair_feat = jnp.concatenate([h_feat[hi], o_feat[oi]], axis=1)  # [P, 2C]
    hidden = jax.nn.relu(pair_feat @ W1 + b1)
    # --- box_pair_predictor ---
    logits = hidden @ W2 + b2                 # [P, K]
    prior = (h_sc[hi] * o_sc[oi])[:, None] * jnp.ones((1, NUM_CLASSES), dtype=jnp.float32)
    # --- postprocess ---
    sc = jax.nn.sigmoid(logits)
    P, K = prior.shape
    xg, yg = jnp.meshgrid(jnp.arange(P), jnp.arange(K), indexing='ij')
    x = xg.reshape(-1)
    y = yg.reshape(-1)
    pred_scores = (sc * prior).reshape(-1)
    boxes_h = h_boxes[hi]
    boxes_o = o_boxes[oi]
    return boxes_h, boxes_o, x, y, pred_scores, obj_cls[oi]

if __name__ == "__main__":
    import jax
    _d = setup_inputs()
    print(jax.jit(kernel)(*tuple(_d.values())))

</pallas_src>

<mosaic_0001>
#map = affine_map<(d0, d1) -> (0, 0)>
#map1 = affine_map<(d0, d1) -> (0)>
module attributes {stable_mosaic.version = 14 : i64} {
  func.func @sc_gather(%arg0: i32, %arg1: i32, %arg2: memref<5120x128xf32, #tpu.memory_space<hbm>>, %arg3: memref<5120xi32, #tpu.memory_space<hbm>>, %arg4: memref<5120x128xf32, #tpu.memory_space<hbm>>, %arg5: memref<160xi32, #tpu.memory_space<vmem>>, %arg6: memref<160x128xf32, #tpu.memory_space<vmem>>, %arg7: memref<!tpu.dma_semaphore, #tpu.memory_space<semaphore_mem>>) attributes {dimension_semantics = [#tpu.dimension_semantics<core_parallel>, #tpu.dimension_semantics<subcore_parallel>], iteration_bounds = array<i64: 2, 16>, scalar_prefetch = 0 : i64, scratch_operands = 3 : i64, tpu.core_type = #tpu.core_type<sc_vector_subcore>, window_params = [{transform_indices = #map}, {transform_indices = #map1}, {transform_indices = #map}]} {
    %mul3A = arith.constant 2 : i32
    %mul3A_0 = arith.muli %arg1, %mul3A : i32
    %add3A = arith.addi %mul3A_0, %arg0 : i32
    %mul3A_1 = arith.constant 160 : i32
    %mul3A_2 = arith.muli %add3A, %mul3A_1 : i32
    "tpu.region"() ({
      %run_scoped3A = tpu.sem_alloc : memref<!tpu.dma_semaphore, #tpu.memory_space<semaphore_mem>>
      %dma_start3A_7 = tpu.memref_slice %arg3[%mul3A_2] : memref<5120xi32, #tpu.memory_space<hbm>> -> memref<160xi32, #tpu.memory_space<hbm>>
      %dma_start3A_8 = tpu.memref_slice %arg3[%mul3A_2] : memref<5120xi32, #tpu.memory_space<hbm>> -> memref<160xi32, #tpu.memory_space<hbm>>
      tpu.enqueue_dma source(%dma_start3A_8 : memref<160xi32, #tpu.memory_space<hbm>>) target(%arg5 : memref<160xi32, #tpu.memory_space<vmem>>) target_semaphore(%run_scoped3A : memref<!tpu.dma_semaphore, #tpu.memory_space<semaphore_mem>>)
      %dma_wait3A_9 = tpu.memref_slice %arg3[%mul3A_2] : memref<5120xi32, #tpu.memory_space<hbm>> -> memref<160xi32, #tpu.memory_space<hbm>>
      %dma_wait3A_10 = tpu.memref_slice %arg3[%mul3A_2] : memref<5120xi32, #tpu.memory_space<hbm>> -> memref<160xi32, #tpu.memory_space<hbm>>
      tpu.wait_dma2 semaphore(%run_scoped3A : memref<!tpu.dma_semaphore, #tpu.memory_space<semaphore_mem>>) src(%dma_wait3A_10 : memref<160xi32, #tpu.memory_space<hbm>>) dst(%arg5 : memref<160xi32, #tpu.memory_space<vmem>>)
      tpu.yield
    }) : () -> ()
    %dma_start3A = arith.constant 0 : i32
    %dma_start3A_3 = arith.constant 0 : i32
    %dma_start3A_4 = tpu.memref_slice %arg2[%dma_start3A, %dma_start3A_3] : memref<5120x128xf32, #tpu.memory_space<hbm>> -> memref<5120x128xf32, #tpu.memory_space<hbm>>
    tpu.enqueue_indirect_dma source(%dma_start3A_4 : memref<5120x128xf32, #tpu.memory_space<hbm>>) target(%arg6 : memref<160x128xf32, #tpu.memory_space<vmem>>) offsets(%arg5 : memref<160xi32, #tpu.memory_space<vmem>>) semaphore(%arg7 : memref<!tpu.dma_semaphore, #tpu.memory_space<semaphore_mem>>)
    %dma_wait3A = arith.constant 0 : i32
    %dma_wait3A_5 = arith.constant 0 : i32
    %dma_wait3A_6 = tpu.memref_slice %arg2[%dma_wait3A, %dma_wait3A_5] : memref<5120x128xf32, #tpu.memory_space<hbm>> -> memref<5120x128xf32, #tpu.memory_space<hbm>>
    tpu.wait_indirect_dma semaphore(%arg7 : memref<!tpu.dma_semaphore, #tpu.memory_space<semaphore_mem>>) src(%dma_wait3A_6 : memref<5120x128xf32, #tpu.memory_space<hbm>>) dst(%arg6 : memref<160x128xf32, #tpu.memory_space<vmem>>)
    "tpu.region"() ({
      %run_scoped3A = tpu.sem_alloc : memref<!tpu.dma_semaphore, #tpu.memory_space<semaphore_mem>>
      %dma_start3A_7 = arith.constant 0 : i32
      %dma_start3A_8 = tpu.memref_slice %arg4[%mul3A_2, %dma_start3A_7] : memref<5120x128xf32, #tpu.memory_space<hbm>> -> memref<160x128xf32, #tpu.memory_space<hbm>>
      %dma_start3A_9 = arith.constant 0 : i32
      %dma_start3A_10 = tpu.memref_slice %arg4[%mul3A_2, %dma_start3A_9] : memref<5120x128xf32, #tpu.memory_space<hbm>> -> memref<160x128xf32, #tpu.memory_space<hbm>>
      tpu.enqueue_dma source(%arg6 : memref<160x128xf32, #tpu.memory_space<vmem>>) target(%dma_start3A_10 : memref<160x128xf32, #tpu.memory_space<hbm>>) target_semaphore(%run_scoped3A : memref<!tpu.dma_semaphore, #tpu.memory_space<semaphore_mem>>)
      %dma_wait3A_11 = arith.constant 0 : i32
      %dma_wait3A_12 = tpu.memref_slice %arg4[%mul3A_2, %dma_wait3A_11] : memref<5120x128xf32, #tpu.memory_space<hbm>> -> memref<160x128xf32, #tpu.memory_space<hbm>>
      %dma_wait3A_13 = arith.constant 0 : i32
      %dma_wait3A_14 = tpu.memref_slice %arg4[%mul3A_2, %dma_wait3A_13] : memref<5120x128xf32, #tpu.memory_space<hbm>> -> memref<160x128xf32, #tpu.memory_space<hbm>>
      tpu.wait_dma2 semaphore(%run_scoped3A : memref<!tpu.dma_semaphore, #tpu.memory_space<semaphore_mem>>) src(%arg6 : memref<160x128xf32, #tpu.memory_space<vmem>>) dst(%dma_wait3A_14 : memref<160x128xf32, #tpu.memory_space<hbm>>)
      tpu.yield
    }) : () -> ()
    return
  }
}

module attributes {stable_mosaic.version = 14 : i64} {
  func.func @_nms_kernel(%arg0: memref<40x128xf32, #tpu.memory_space<vmem>>, %arg1: memref<40x128xf32, #tpu.memory_space<vmem>>, %arg2: memref<40x128xf32, #tpu.memory_space<vmem>>, %arg3: memref<40x128xf32, #tpu.memory_space<vmem>>, %arg4: memref<1x1xi32, #tpu.memory_space<vmem>>, %arg5: memref<40x128xf32, #tpu.memory_space<vmem>>) attributes {dimension_semantics = [], scalar_prefetch = 0 : i64, scratch_operands = 0 : i64, tpu.core_type = #tpu.core_type<tc>} {
    %get3A = arith.constant 0 : index
    %get3A_0 = arith.constant 0 : index
    %get3A_1 = vector.load %arg0[%get3A, %get3A_0] : memref<40x128xf32, #tpu.memory_space<vmem>>, vector<40x128xf32>
    %get3A_2 = arith.constant 0 : index
    %get3A_3 = arith.constant 0 : index
    %get3A_4 = vector.load %arg1[%get3A_2, %get3A_3] : memref<40x128xf32, #tpu.memory_space<vmem>>, vector<40x128xf32>
    %get3A_5 = arith.constant 0 : index
    %get3A_6 = arith.constant 0 : index
    %get3A_7 = vector.load %arg2[%get3A_5, %get3A_6] : memref<40x128xf32, #tpu.memory_space<vmem>>, vector<40x128xf32>
    %get3A_8 = arith.constant 0 : index
    %get3A_9 = arith.constant 0 : index
    %get3A_10 = vector.load %arg3[%get3A_8, %get3A_9] : memref<40x128xf32, #tpu.memory_space<vmem>>, vector<40x128xf32>
    %get3A_11 = arith.constant 0 : index
    %get3A_12 = arith.constant 0 : index
    %get3A_13 = vector.load %arg4[%get3A_11, %get3A_12] : memref<1x1xi32, #tpu.memory_space<vmem>>, vector<1x1xi32>
    %get3A_14 = vector.extract %get3A_13[0, 0] : i32 from vector<1x1xi32>
    %sub3A = arith.subf %get3A_7, %get3A_1 : vector<40x128xf32>
    %sub3A_15 = arith.subf %get3A_10, %get3A_4 : vector<40x128xf32>
    %mul3A = arith.mulf %sub3A, %sub3A_15 : vector<40x128xf32>
    %iota3A = tpu.iota {dimensions = array<i32: 0>} : vector<40x128xi32>
    %mul3A_16 = arith.constant 128 : i32
    %mul3A_17 = vector.broadcast %mul3A_16 : i32 to vector<40x128xi32>
    %mul3A_18 = arith.muli %iota3A, %mul3A_17 : vector<40x128xi32>
    %iota3A_19 = tpu.iota {dimensions = array<i32: 1>} : vector<40x128xi32>
    %add3A = arith.addi %mul3A_18, %iota3A_19 : vector<40x128xi32>
    %broadcast_in_dim3A = arith.constant 1.000000e+00 : f32
    %broadcast_in_dim3A_20 = vector.broadcast %broadcast_in_dim3A : f32 to vector<40x128xf32>
    %while3A = arith.constant 0 : i32
    %while3A_21 = arith.constant 0.000000e+00 : f32
    %while3A_22:3 = scf.while (%while3A_28 = %while3A, %while3A_29 = %while3A_21, %while3A_30 = %broadcast_in_dim3A_20) : (i32, f32, vector<40x128xf32>) -> (i32, f32, vector<40x128xf32>) {
      %lt3A = arith.cmpi slt, %while3A_28, %get3A_14 : i32
      %lt3A_31 = arith.constant 1.000000e+01 : f32
      %lt3A_32 = arith.cmpf olt, %while3A_29, %lt3A_31 : f32
      %and3A = arith.andi %lt3A, %lt3A_32 : i1
      scf.condition(%and3A) %while3A_28, %while3A_29, %while3A_30 : i32, f32, vector<40x128xf32>
    } do {
    ^bb0(%while3A_28: i32, %while3A_29: f32, %while3A_30: vector<40x128xf32>):
      %eq3A = vector.broadcast %while3A_28 : i32 to vector<40x128xi32>
      %eq3A_31 = arith.cmpi eq, %add3A, %eq3A : vector<40x128xi32>
      %convert_element_type3A = arith.extui %eq3A_31 : vector<40x128xi1> to vector<40x128xi32>
      %convert_element_type3A_32 = arith.sitofp %convert_element_type3A : vector<40x128xi32> to vector<40x128xf32>
      %mul3A_33 = arith.mulf %get3A_1, %convert_element_type3A_32 : vector<40x128xf32>
      %reduce_sum3A = vector.shape_cast %mul3A_33 : vector<40x128xf32> to vector<1x40x128xf32>
      %reduce_sum3A_34 = arith.constant dense<0.000000e+00> : vector<1xf32>
      %reduce_sum3A_35 = vector.multi_reduction <add>, %reduce_sum3A, %reduce_sum3A_34 [1, 2] : vector<1x40x128xf32> to vector<1xf32>
      %reduce_sum3A_36 = vector.shape_cast %reduce_sum3A_35 : vector<1xf32> to vector<1x1x1xf32>
      %reduce_sum3A_37 = vector.extract %reduce_sum3A_36[0, 0, 0] : f32 from vector<1x1x1xf32>
      %mul3A_38 = arith.mulf %get3A_4, %convert_element_type3A_32 : vector<40x128xf32>
      %reduce_sum3A_39 = vector.shape_cast %mul3A_38 : vector<40x128xf32> to vector<1x40x128xf32>
      %reduce_sum3A_40 = arith.constant dense<0.000000e+00> : vector<1xf32>
      %reduce_sum3A_41 = vector.multi_reduction <add>, %reduce_sum3A_39, %reduce_sum3A_40 [1, 2] : vector<1x40x128xf32> to vector<1xf32>
      %reduce_sum3A_42 = vector.shape_cast %reduce_sum3A_41 : vector<1xf32> to vector<1x1x1xf32>
      %reduce_sum3A_43 = vector.extract %reduce_sum3A_42[0, 0, 0] : f32 from vector<1x1x1xf32>
      %mul3A_44 = arith.mulf %get3A_7, %convert_element_type3A_32 : vector<40x128xf32>
      %reduce_sum3A_45 = vector.shape_cast %mul3A_44 : vector<40x128xf32> to vector<1x40x128xf32>
      %reduce_sum3A_46 = arith.constant dense<0.000000e+00> : vector<1xf32>
      %reduce_sum3A_47 = vector.multi_reduction <add>, %reduce_sum3A_45, %reduce_sum3A_46 [1, 2] : vector<1x40x128xf32> to vector<1xf32>
      %reduce_sum3A_48 = vector.shape_cast %reduce_sum3A_47 : vector<1xf32> to vector<1x1x1xf32>
      %reduce_sum3A_49 = vector.extract %reduce_sum3A_48[0, 0, 0] : f32 from vector<1x1x1xf32>
      %mul3A_50 = arith.mulf %get3A_10, %convert_element_type3A_32 : vector<40x128xf32>
      %reduce_sum3A_51 = vector.shape_cast %mul3A_50 : vector<40x128xf32> to vector<1x40x128xf32>
      %reduce_sum3A_52 = arith.constant dense<0.000000e+00> : vector<1xf32>
      %reduce_sum3A_53 = vector.multi_reduction <add>, %reduce_sum3A_51, %reduce_sum3A_52 [1, 2] : vector<1x40x128xf32> to vector<1xf32>
      %reduce_sum3A_54 = vector.shape_cast %reduce_sum3A_53 : vector<1xf32> to vector<1x1x1xf32>
      %reduce_sum3A_55 = vector.extract %reduce_sum3A_54[0, 0, 0] : f32 from vector<1x1x1xf32>
      %mul3A_56 = arith.mulf %while3A_30, %convert_element_type3A_32 : vector<40x128xf32>
      %reduce_sum3A_57 = vector.shape_cast %mul3A_56 : vector<40x128xf32> to vector<1x40x128xf32>
      %reduce_sum3A_58 = arith.constant dense<0.000000e+00> : vector<1xf32>
      %reduce_sum3A_59 = vector.multi_reduction <add>, %reduce_sum3A_57, %reduce_sum3A_58 [1, 2] : vector<1x40x128xf32> to vector<1xf32>
      %reduce_sum3A_60 = vector.shape_cast %reduce_sum3A_59 : vector<1xf32> to vector<1x1x1xf32>
      %reduce_sum3A_61 = vector.extract %reduce_sum3A_60[0, 0, 0] : f32 from vector<1x1x1xf32>
      %sub3A_62 = arith.subf %reduce_sum3A_49, %reduce_sum3A_37 : f32
      %sub3A_63 = arith.subf %reduce_sum3A_55, %reduce_sum3A_43 : f32
      %mul3A_64 = arith.mulf %sub3A_62, %sub3A_63 : f32
      %max3A = vector.broadcast %reduce_sum3A_37 : f32 to vector<40x128xf32>
      %max3A_65 = arith.maximumf %max3A, %get3A_1 : vector<40x128xf32>
      %max3A_66 = vector.broadcast %reduce_sum3A_43 : f32 to vector<40x128xf32>
      %max3A_67 = arith.maximumf %max3A_66, %get3A_4 : vector<40x128xf32>
      %min3A = vector.broadcast %reduce_sum3A_49 : f32 to vector<40x128xf32>
      %min3A_68 = arith.minimumf %min3A, %get3A_7 : vector<40x128xf32>
      %min3A_69 = vector.broadcast %reduce_sum3A_55 : f32 to vector<40x128xf32>
      %min3A_70 = arith.minimumf %min3A_69, %get3A_10 : vector<40x128xf32>
      %sub3A_71 = arith.subf %min3A_68, %max3A_65 : vector<40x128xf32>
      %jit3A = arith.constant 0.000000e+00 : f32
      %max3A_72 = vector.broadcast %jit3A : f32 to vector<40x128xf32>
      %max3A_73 = arith.maximumf %max3A_72, %sub3A_71 : vector<40x128xf32>
      %sub3A_74 = arith.subf %min3A_70, %max3A_67 : vector<40x128xf32>
      %jit3A_75 = arith.constant 0.000000e+00 : f32
      %max3A_76 = vector.broadcast %jit3A_75 : f32 to vector<40x128xf32>
      %max3A_77 = arith.maximumf %max3A_76, %sub3A_74 : vector<40x128xf32>
      %mul3A_78 = arith.mulf %max3A_73, %max3A_77 : vector<40x128xf32>
      %add3A_79 = vector.broadcast %mul3A_64 : f32 to vector<40x128xf32>
      %add3A_80 = arith.addf %add3A_79, %mul3A : vector<40x128xf32>
      %sub3A_81 = arith.subf %add3A_80, %mul3A_78 : vector<40x128xf32>
      %max3A_82 = arith.constant 9.99999997E-7 : f32
      %max3A_83 = vector.broadcast %max3A_82 : f32 to vector<40x128xf32>
      %max3A_84 = arith.maximumf %sub3A_81, %max3A_83 : vector<40x128xf32>
      %div3A = arith.divf %mul3A_78, %max3A_84 : vector<40x128xf32>
      %gt3A = arith.constant 5.000000e-01 : f32
      %gt3A_85 = vector.broadcast %gt3A : f32 to vector<40x128xf32>
      %gt3A_86 = arith.cmpf ogt, %div3A, %gt3A_85 : vector<40x128xf32>
      %gt3A_87 = vector.broadcast %while3A_28 : i32 to vector<40x128xi32>
      %gt3A_88 = arith.cmpi sgt, %add3A, %gt3A_87 : vector<40x128xi32>
      %and3A = arith.andi %gt3A_86, %gt3A_88 : vector<40x128xi1>
      %convert_element_type3A_89 = arith.extui %and3A : vector<40x128xi1> to vector<40x128xi32>
      %convert_element_type3A_90 = arith.sitofp %convert_element_type3A_89 : vector<40x128xi32> to vector<40x128xf32>
      %mul3A_91 = vector.broadcast %reduce_sum3A_61 : f32 to vector<40x128xf32>
      %mul3A_92 = arith.mulf %convert_element_type3A_90, %mul3A_91 : vector<40x128xf32>
      %sub3A_93 = arith.constant 1.000000e+00 : f32
      %sub3A_94 = vector.broadcast %sub3A_93 : f32 to vector<40x128xf32>
      %sub3A_95 = arith.subf %sub3A_94, %mul3A_92 : vector<40x128xf32>
      %mul3A_96 = arith.mulf %while3A_30, %sub3A_95 : vector<40x128xf32>
      %add3A_97 = arith.constant 1 : i32
      %add3A_98 = arith.addi %while3A_28, %add3A_97 : i32
      %add3A_99 = arith.addf %while3A_29, %reduce_sum3A_61 : f32
      scf.yield %add3A_98, %add3A_99, %mul3A_96 : i32, f32, vector<40x128xf32>
    }
    %while3A_23 = arith.constant 5000 : i32
    %while3A_24 = arith.constant 0.000000e+00 : f32
    %while3A_25:3 = scf.while (%while3A_28 = %get3A_14, %while3A_29 = %while3A_24, %while3A_30 = %while3A_22#2) : (i32, f32, vector<40x128xf32>) -> (i32, f32, vector<40x128xf32>) {
      %lt3A = arith.cmpi slt, %while3A_28, %while3A_23 : i32
      %lt3A_31 = arith.constant 1.000000e+01 : f32
      %lt3A_32 = arith.cmpf olt, %while3A_29, %lt3A_31 : f32
      %and3A = arith.andi %lt3A, %lt3A_32 : i1
      scf.condition(%and3A) %while3A_28, %while3A_29, %while3A_30 : i32, f32, vector<40x128xf32>
    } do {
    ^bb0(%while3A_28: i32, %while3A_29: f32, %while3A_30: vector<40x128xf32>):
      %eq3A = vector.broadcast %while3A_28 : i32 to vector<40x128xi32>
      %eq3A_31 = arith.cmpi eq, %add3A, %eq3A : vector<40x128xi32>
      %convert_element_type3A = arith.extui %eq3A_31 : vector<40x128xi1> to vector<40x128xi32>
      %convert_element_type3A_32 = arith.sitofp %convert_element_type3A : vector<40x128xi32> to vector<40x128xf32>
      %mul3A_33 = arith.mulf %get3A_1, %convert_element_type3A_32 : vector<40x128xf32>
      %reduce_sum3A = vector.shape_cast %mul3A_33 : vector<40x128xf32> to vector<1x40x128xf32>
      %reduce_sum3A_34 = arith.constant dense<0.000000e+00> : vector<1xf32>
      %reduce_sum3A_35 = vector.multi_reduction <add>, %reduce_sum3A, %reduce_sum3A_34 [1, 2] : vector<1x40x128xf32> to vector<1xf32>
      %reduce_sum3A_36 = vector.shape_cast %reduce_sum3A_35 : vector<1xf32> to vector<1x1x1xf32>
      %reduce_sum3A_37 = vector.extract %reduce_sum3A_36[0, 0, 0] : f32 from vector<1x1x1xf32>
      %mul3A_38 = arith.mulf %get3A_4, %convert_element_type3A_32 : vector<40x128xf32>
      %reduce_sum3A_39 = vector.shape_cast %mul3A_38 : vector<40x128xf32> to vector<1x40x128xf32>
      %reduce_sum3A_40 = arith.constant dense<0.000000e+00> : vector<1xf32>
      %reduce_sum3A_41 = vector.multi_reduction <add>, %reduce_sum3A_39, %reduce_sum3A_40 [1, 2] : vector<1x40x128xf32> to vector<1xf32>
      %reduce_sum3A_42 = vector.shape_cast %reduce_sum3A_41 : vector<1xf32> to vector<1x1x1xf32>
      %reduce_sum3A_43 = vector.extract %reduce_sum3A_42[0, 0, 0] : f32 from vector<1x1x1xf32>
      %mul3A_44 = arith.mulf %get3A_7, %convert_element_type3A_32 : vector<40x128xf32>
      %reduce_sum3A_45 = vector.shape_cast %mul3A_44 : vector<40x128xf32> to vector<1x40x128xf32>
      %reduce_sum3A_46 = arith.constant dense<0.000000e+00> : vector<1xf32>
      %reduce_sum3A_47 = vector.multi_reduction <add>, %reduce_sum3A_45, %reduce_sum3A_46 [1, 2] : vector<1x40x128xf32> to vector<1xf32>
      %reduce_sum3A_48 = vector.shape_cast %reduce_sum3A_47 : vector<1xf32> to vector<1x1x1xf32>
      %reduce_sum3A_49 = vector.extract %reduce_sum3A_48[0, 0, 0] : f32 from vector<1x1x1xf32>
      %mul3A_50 = arith.mulf %get3A_10, %convert_element_type3A_32 : vector<40x128xf32>
      %reduce_sum3A_51 = vector.shape_cast %mul3A_50 : vector<40x128xf32> to vector<1x40x128xf32>
      %reduce_sum3A_52 = arith.constant dense<0.000000e+00> : vector<1xf32>
      %reduce_sum3A_53 = vector.multi_reduction <add>, %reduce_sum3A_51, %reduce_sum3A_52 [1, 2] : vector<1x40x128xf32> to vector<1xf32>
      %reduce_sum3A_54 = vector.shape_cast %reduce_sum3A_53 : vector<1xf32> to vector<1x1x1xf32>
      %reduce_sum3A_55 = vector.extract %reduce_sum3A_54[0, 0, 0] : f32 from vector<1x1x1xf32>
      %mul3A_56 = arith.mulf %while3A_30, %convert_element_type3A_32 : vector<40x128xf32>
      %reduce_sum3A_57 = vector.shape_cast %mul3A_56 : vector<40x128xf32> to vector<1x40x128xf32>
      %reduce_sum3A_58 = arith.constant dense<0.000000e+00> : vector<1xf32>
      %reduce_sum3A_59 = vector.multi_reduction <add>, %reduce_sum3A_57, %reduce_sum3A_58 [1, 2] : vector<1x40x128xf32> to vector<1xf32>
      %reduce_sum3A_60 = vector.shape_cast %reduce_sum3A_59 : vector<1xf32> to vector<1x1x1xf32>
      %reduce_sum3A_61 = vector.extract %reduce_sum3A_60[0, 0, 0] : f32 from vector<1x1x1xf32>
      %sub3A_62 = arith.subf %reduce_sum3A_49, %reduce_sum3A_37 : f32
      %sub3A_63 = arith.subf %reduce_sum3A_55, %reduce_sum3A_43 : f32
      %mul3A_64 = arith.mulf %sub3A_62, %sub3A_63 : f32
      %max3A = vector.broadcast %reduce_sum3A_37 : f32 to vector<40x128xf32>
      %max3A_65 = arith.maximumf %max3A, %get3A_1 : vector<40x128xf32>
      %max3A_66 = vector.broadcast %reduce_sum3A_43 : f32 to vector<40x128xf32>
      %max3A_67 = arith.maximumf %max3A_66, %get3A_4 : vector<40x128xf32>
      %min3A = vector.broadcast %reduce_sum3A_49 : f32 to vector<40x128xf32>
      %min3A_68 = arith.minimumf %min3A, %get3A_7 : vector<40x128xf32>
      %min3A_69 = vector.broadcast %reduce_sum3A_55 : f32 to vector<40x128xf32>
      %min3A_70 = arith.minimumf %min3A_69, %get3A_10 : vector<40x128xf32>
      %sub3A_71 = arith.subf %min3A_68, %max3A_65 : vector<40x128xf32>
      %jit3A = arith.constant 0.000000e+00 : f32
      %max3A_72 = vector.broadcast %jit3A : f32 to vector<40x128xf32>
      %max3A_73 = arith.maximumf %max3A_72, %sub3A_71 : vector<40x128xf32>
      %sub3A_74 = arith.subf %min3A_70, %max3A_67 : vector<40x128xf32>
      %jit3A_75 = arith.constant 0.000000e+00 : f32
      %max3A_76 = vector.broadcast %jit3A_75 : f32 to vector<40x128xf32>
      %max3A_77 = arith.maximumf %max3A_76, %sub3A_74 : vector<40x128xf32>
      %mul3A_78 = arith.mulf %max3A_73, %max3A_77 : vector<40x128xf32>
      %add3A_79 = vector.broadcast %mul3A_64 : f32 to vector<40x128xf32>
      %add3A_80 = arith.addf %add3A_79, %mul3A : vector<40x128xf32>
      %sub3A_81 = arith.subf %add3A_80, %mul3A_78 : vector<40x128xf32>
      %max3A_82 = arith.constant 9.99999997E-7 : f32
      %max3A_83 = vector.broadcast %max3A_82 : f32 to vector<40x128xf32>
      %max3A_84 = arith.maximumf %sub3A_81, %max3A_83 : vector<40x128xf32>
      %div3A = arith.divf %mul3A_78, %max3A_84 : vector<40x128xf32>
      %gt3A = arith.constant 5.000000e-01 : f32
      %gt3A_85 = vector.broadcast %gt3A : f32 to vector<40x128xf32>
      %gt3A_86 = arith.cmpf ogt, %div3A, %gt3A_85 : vector<40x128xf32>
      %gt3A_87 = vector.broadcast %while3A_28 : i32 to vector<40x128xi32>
      %gt3A_88 = arith.cmpi sgt, %add3A, %gt3A_87 : vector<40x128xi32>
      %and3A = arith.andi %gt3A_86, %gt3A_88 : vector<40x128xi1>
      %convert_element_type3A_89 = arith.extui %and3A : vector<40x128xi1> to vector<40x128xi32>
      %convert_element_type3A_90 = arith.sitofp %convert_element_type3A_89 : vector<40x128xi32> to vector<40x128xf32>
      %mul3A_91 = vector.broadcast %reduce_sum3A_61 : f32 to vector<40x128xf32>
      %mul3A_92 = arith.mulf %convert_element_type3A_90, %mul3A_91 : vector<40x128xf32>
      %sub3A_93 = arith.constant 1.000000e+00 : f32
      %sub3A_94 = vector.broadcast %sub3A_93 : f32 to vector<40x128xf32>
      %sub3A_95 = arith.subf %sub3A_94, %mul3A_92 : vector<40x128xf32>
      %mul3A_96 = arith.mulf %while3A_30, %sub3A_95 : vector<40x128xf32>
      %add3A_97 = arith.constant 1 : i32
      %add3A_98 = arith.addi %while3A_28, %add3A_97 : i32
      %add3A_99 = arith.addf %while3A_29, %reduce_sum3A_61 : f32
      scf.yield %add3A_98, %add3A_99, %mul3A_96 : i32, f32, vector<40x128xf32>
    }
    %swap3A = arith.constant 0 : index
    %swap3A_26 = arith.constant 0 : index
    %swap3A_27 = vector.load %arg5[%swap3A, %swap3A_26] : memref<40x128xf32, #tpu.memory_space<vmem>>, vector<40x128xf32>
    tpu.vector_store %arg5[%swap3A, %swap3A_26], %while3A_25#2 {strides = array<i32>} : memref<40x128xf32, #tpu.memory_space<vmem>>, vector<40x128xf32>,
    return
  }
}

module attributes {stable_mosaic.version = 14 : i64} {
  func.func @_head_kernel(%arg0: memref<256x4096xf32, #tpu.memory_space<vmem>>, %arg1: memref<20x4xf32, #tpu.memory_space<vmem>>, %arg2: memref<100x1xf32, #tpu.memory_space<vmem>>, %arg3: memref<512x1024xf32, #tpu.memory_space<vmem>>, %arg4: memref<1x1024xf32, #tpu.memory_space<vmem>>, %arg5: memref<1024x117xf32, #tpu.memory_space<vmem>>, %arg6: memref<1x117xf32, #tpu.memory_space<vmem>>, %arg7: memref<100x117xf32, #tpu.memory_space<vmem>>) attributes {dimension_semantics = [], scalar_prefetch = 0 : i64, scratch_operands = 0 : i64, tpu.core_type = #tpu.core_type<tc>} {
    %get3A = arith.constant 0 : index
    %get3A_0 = arith.constant 0 : index
    %get3A_1 = vector.load %arg1[%get3A, %get3A_0] : memref<20x4xf32, #tpu.memory_space<vmem>>, vector<20x4xf32>
    %slice3A = vector.extract_strided_slice %get3A_1 {offsets = [0, 0], sizes = [20, 1], strides = [1, 1]} : vector<20x4xf32> to vector<20x1xf32>
    %div3A = arith.constant 1.600000e+01 : f32
    %div3A_2 = vector.broadcast %div3A : f32 to vector<20x1xf32>
    %div3A_3 = arith.divf %slice3A, %div3A_2 : vector<20x1xf32>
    %slice3A_4 = vector.extract_strided_slice %get3A_1 {offsets = [0, 1], sizes = [20, 1], strides = [1, 1]} : vector<20x4xf32> to vector<20x1xf32>
    %div3A_5 = arith.constant 1.600000e+01 : f32
    %div3A_6 = vector.broadcast %div3A_5 : f32 to vector<20x1xf32>
    %div3A_7 = arith.divf %slice3A_4, %div3A_6 : vector<20x1xf32>
    %slice3A_8 = vector.extract_strided_slice %get3A_1 {offsets = [0, 2], sizes = [20, 1], strides = [1, 1]} : vector<20x4xf32> to vector<20x1xf32>
    %div3A_9 = arith.constant 1.600000e+01 : f32
    %div3A_10 = vector.broadcast %div3A_9 : f32 to vector<20x1xf32>
    %div3A_11 = arith.divf %slice3A_8, %div3A_10 : vector<20x1xf32>
    %slice3A_12 = vector.extract_strided_slice %get3A_1 {offsets = [0, 3], sizes = [20, 1], strides = [1, 1]} : vector<20x4xf32> to vector<20x1xf32>
    %div3A_13 = arith.constant 1.600000e+01 : f32
    %div3A_14 = vector.broadcast %div3A_13 : f32 to vector<20x1xf32>
    %div3A_15 = arith.divf %slice3A_12, %div3A_14 : vector<20x1xf32>
    %iota3A = tpu.iota {dimensions = array<i32: 1>} : vector<1x49xi32>
    %jit3A = arith.constant 7 : i32
    %div3A_16 = vector.broadcast %jit3A : i32 to vector<1x49xi32>
    %div3A_17 = arith.divsi %iota3A, %div3A_16 : vector<1x49xi32>
    %sign3A = arith.constant 0 : i32
    %sign3A_18 = vector.broadcast %sign3A : i32 to vector<1x49xi32>
    %sign3A_19 = arith.cmpi sgt, %iota3A, %sign3A_18 : vector<1x49xi32>
    %sign3A_20 = arith.extui %sign3A_19 : vector<1x49xi1> to vector<1x49xi32>
    %sign3A_21 = arith.constant 0 : i32
    %sign3A_22 = vector.broadcast %sign3A_21 : i32 to vector<1x49xi32>
    %sign3A_23 = arith.cmpi slt, %iota3A, %sign3A_22 : vector<1x49xi32>
    %sign3A_24 = arith.extui %sign3A_23 : vector<1x49xi1> to vector<1x49xi32>
    %sign3A_25 = arith.subi %sign3A_20, %sign3A_24 : vector<1x49xi32>
    %sign3A_26 = arith.constant 0 : i32
    %sign3A_27 = arith.cmpi sgt, %jit3A, %sign3A_26 : i32
    %sign3A_28 = arith.extui %sign3A_27 : i1 to i32
    %sign3A_29 = arith.constant 0 : i32
    %sign3A_30 = arith.cmpi slt, %jit3A, %sign3A_29 : i32
    %sign3A_31 = arith.extui %sign3A_30 : i1 to i32
    %sign3A_32 = arith.subi %sign3A_28, %sign3A_31 : i32
    %ne3A = vector.broadcast %sign3A_32 : i32 to vector<1x49xi32>
    %ne3A_33 = arith.cmpi ne, %sign3A_25, %ne3A : vector<1x49xi32>
    %rem3A = vector.broadcast %jit3A : i32 to vector<1x49xi32>
    %rem3A_34 = arith.remsi %iota3A, %rem3A : vector<1x49xi32>
    %ne3A_35 = arith.constant 0 : i32
    %ne3A_36 = vector.broadcast %ne3A_35 : i32 to vector<1x49xi32>
    %ne3A_37 = arith.cmpi ne, %rem3A_34, %ne3A_36 : vector<1x49xi32>
    %and3A = arith.andi %ne3A_33, %ne3A_37 : vector<1x49xi1>
    %sub3A = arith.constant 1 : i32
    %sub3A_38 = vector.broadcast %sub3A : i32 to vector<1x49xi32>
    %sub3A_39 = arith.subi %div3A_17, %sub3A_38 : vector<1x49xi32>
    %select_n3A = arith.select %and3A, %sub3A_39, %div3A_17 : vector<1x49xi1>, vector<1x49xi32>
    %convert_element_type3A = arith.sitofp %select_n3A : vector<1x49xi32> to vector<1x49xf32>
    %jit3A_40 = arith.constant 7 : i32
    %eq3A = arith.constant 0 : i32
    %eq3A_41 = arith.cmpi eq, %jit3A_40, %eq3A : i32
    %jit3A_42 = arith.constant 1 : i32
    %select_n3A_43 = arith.select %eq3A_41, %jit3A_42, %jit3A_40 : i32
    %rem3A_44 = vector.broadcast %select_n3A_43 : i32 to vector<1x49xi32>
    %rem3A_45 = arith.remsi %iota3A, %rem3A_44 : vector<1x49xi32>
    %ne3A_46 = arith.constant 0 : i32
    %ne3A_47 = vector.broadcast %ne3A_46 : i32 to vector<1x49xi32>
    %ne3A_48 = arith.cmpi ne, %rem3A_45, %ne3A_47 : vector<1x49xi32>
    %lt3A = arith.constant 0 : i32
    %lt3A_49 = vector.broadcast %lt3A : i32 to vector<1x49xi32>
    %lt3A_50 = arith.cmpi slt, %rem3A_45, %lt3A_49 : vector<1x49xi32>
    %lt3A_51 = arith.constant 0 : i32
    %lt3A_52 = arith.cmpi slt, %select_n3A_43, %lt3A_51 : i32
    %ne3A_53 = vector.broadcast %lt3A_52 : i1 to vector<1x49xi1>
    %ne3A_54 = vector.broadcast %ne3A_53 : vector<1x49xi1> to vector<1x49xi1>
    %ne3A_55 = arith.xori %lt3A_50, %ne3A_54 : vector<1x49xi1>
    %and3A_56 = arith.andi %ne3A_55, %ne3A_48 : vector<1x49xi1>
    %add3A = vector.broadcast %select_n3A_43 : i32 to vector<1x49xi32>
    %add3A_57 = arith.addi %rem3A_45, %add3A : vector<1x49xi32>
    %select_n3A_58 = arith.select %and3A_56, %add3A_57, %rem3A_45 : vector<1x49xi1>, vector<1x49xi32>
    %convert_element_type3A_59 = arith.sitofp %select_n3A_58 : vector<1x49xi32> to vector<1x49xf32>
    %add3A_60 = arith.constant 5.000000e-01 : f32
    %add3A_61 = vector.broadcast %add3A_60 : f32 to vector<1x49xf32>
    %add3A_62 = arith.addf %convert_element_type3A, %add3A_61 : vector<1x49xf32>
    %sub3A_63 = arith.subf %div3A_15, %div3A_7 : vector<20x1xf32>
    %mul3A = vector.broadcast %add3A_62 : vector<1x49xf32> to vector<20x49xf32>
    %mul3A_64 = vector.broadcast %sub3A_63 : vector<20x1xf32> to vector<20x49xf32>
    %mul3A_65 = arith.mulf %mul3A, %mul3A_64 : vector<20x49xf32>
    %div3A_66 = arith.constant 7.000000e+00 : f32
    %div3A_67 = vector.broadcast %div3A_66 : f32 to vector<20x49xf32>
    %div3A_68 = arith.divf %mul3A_65, %div3A_67 : vector<20x49xf32>
    %add3A_69 = vector.broadcast %div3A_7 : vector<20x1xf32> to vector<20x49xf32>
    %add3A_70 = arith.addf %add3A_69, %div3A_68 : vector<20x49xf32>
    %add3A_71 = arith.constant 5.000000e-01 : f32
    %add3A_72 = vector.broadcast %add3A_71 : f32 to vector<1x49xf32>
    %add3A_73 = arith.addf %convert_element_type3A_59, %add3A_72 : vector<1x49xf32>
    %sub3A_74 = arith.subf %div3A_11, %div3A_3 : vector<20x1xf32>
    %mul3A_75 = vector.broadcast %add3A_73 : vector<1x49xf32> to vector<20x49xf32>
    %mul3A_76 = vector.broadcast %sub3A_74 : vector<20x1xf32> to vector<20x49xf32>
    %mul3A_77 = arith.mulf %mul3A_75, %mul3A_76 : vector<20x49xf32>
    %div3A_78 = arith.constant 7.000000e+00 : f32
    %div3A_79 = vector.broadcast %div3A_78 : f32 to vector<20x49xf32>
    %div3A_80 = arith.divf %mul3A_77, %div3A_79 : vector<20x49xf32>
    %add3A_81 = vector.broadcast %div3A_3 : vector<20x1xf32> to vector<20x49xf32>
    %add3A_82 = arith.addf %add3A_81, %div3A_80 : vector<20x49xf32>
    %floor3A = math.floor %add3A_70 : vector<20x49xf32>
    %jit3A_83 = arith.constant 0.000000e+00 : f32
    %jit3A_84 = arith.constant 6.200000e+01 : f32
    %max3A = vector.broadcast %jit3A_83 : f32 to vector<20x49xf32>
    %max3A_85 = arith.maximumf %max3A, %floor3A : vector<20x49xf32>
    %min3A = vector.broadcast %jit3A_84 : f32 to vector<20x49xf32>
    %min3A_86 = arith.minimumf %min3A, %max3A_85 : vector<20x49xf32>
    %floor3A_87 = math.floor %add3A_82 : vector<20x49xf32>
    %jit3A_88 = arith.constant 0.000000e+00 : f32
    %jit3A_89 = arith.constant 6.200000e+01 : f32
    %max3A_90 = vector.broadcast %jit3A_88 : f32 to vector<20x49xf32>
    %max3A_91 = arith.maximumf %max3A_90, %floor3A_87 : vector<20x49xf32>
    %min3A_92 = vector.broadcast %jit3A_89 : f32 to vector<20x49xf32>
    %min3A_93 = arith.minimumf %min3A_92, %max3A_91 : vector<20x49xf32>
    %sub3A_94 = arith.subf %add3A_70, %min3A_86 : vector<20x49xf32>
    %jit3A_95 = arith.constant 0.000000e+00 : f32
    %jit3A_96 = arith.constant 1.000000e+00 : f32
    %max3A_97 = vector.broadcast %jit3A_95 : f32 to vector<20x49xf32>
    %max3A_98 = arith.maximumf %max3A_97, %sub3A_94 : vector<20x49xf32>
    %min3A_99 = vector.broadcast %jit3A_96 : f32 to vector<20x49xf32>
    %min3A_100 = arith.minimumf %min3A_99, %max3A_98 : vector<20x49xf32>
    %sub3A_101 = arith.subf %add3A_82, %min3A_93 : vector<20x49xf32>
    %jit3A_102 = arith.constant 0.000000e+00 : f32
    %jit3A_103 = arith.constant 1.000000e+00 : f32
    %max3A_104 = vector.broadcast %jit3A_102 : f32 to vector<20x49xf32>
    %max3A_105 = arith.maximumf %max3A_104, %sub3A_101 : vector<20x49xf32>
    %min3A_106 = vector.broadcast %jit3A_103 : f32 to vector<20x49xf32>
    %min3A_107 = arith.minimumf %min3A_106, %max3A_105 : vector<20x49xf32>
    %convert_element_type3A_108 = arith.fptosi %min3A_86 : vector<20x49xf32> to vector<20x49xi32>
    %mul3A_109 = arith.constant 64 : i32
    %mul3A_110 = vector.broadcast %mul3A_109 : i32 to vector<20x49xi32>
    %mul3A_111 = arith.muli %convert_element_type3A_108, %mul3A_110 : vector<20x49xi32>
    %convert_element_type3A_112 = arith.fptosi %min3A_93 : vector<20x49xf32> to vector<20x49xi32>
    %add3A_113 = arith.addi %mul3A_111, %convert_element_type3A_112 : vector<20x49xi32>
    %iota3A_114 = tpu.iota {dimensions = array<i32: 1>} : vector<1x4096xi32>
    %broadcast_in_dim3A = arith.constant 0.000000e+00 : f32
    %broadcast_in_dim3A_115 = vector.broadcast %broadcast_in_dim3A : f32 to vector<20x4096xf32>
    %slice3A_116 = vector.extract_strided_slice %add3A_113 {offsets = [0, 0], sizes = [20, 1], strides = [1, 1]} : vector<20x49xi32> to vector<20x1xi32>
    %slice3A_117 = vector.extract_strided_slice %min3A_100 {offsets = [0, 0], sizes = [20, 1], strides = [1, 1]} : vector<20x49xf32> to vector<20x1xf32>
    %slice3A_118 = vector.extract_strided_slice %min3A_107 {offsets = [0, 0], sizes = [20, 1], strides = [1, 1]} : vector<20x49xf32> to vector<20x1xf32>
    %eq3A_119 = vector.broadcast %iota3A_114 : vector<1x4096xi32> to vector<20x4096xi32>
    %eq3A_120 = vector.broadcast %slice3A_116 : vector<20x1xi32> to vector<20x4096xi32>
    %eq3A_121 = arith.cmpi eq, %eq3A_119, %eq3A_120 : vector<20x4096xi32>
    %convert_element_type3A_122 = arith.extui %eq3A_121 : vector<20x4096xi1> to vector<20x4096xi32>
    %convert_element_type3A_123 = arith.sitofp %convert_element_type3A_122 : vector<20x4096xi32> to vector<20x4096xf32>
    %sub3A_124 = arith.constant 1.000000e+00 : f32
    %sub3A_125 = vector.broadcast %sub3A_124 : f32 to vector<20x1xf32>
    %sub3A_126 = arith.subf %sub3A_125, %slice3A_117 : vector<20x1xf32>
    %sub3A_127 = arith.constant 1.000000e+00 : f32
    %sub3A_128 = vector.broadcast %sub3A_127 : f32 to vector<20x1xf32>
    %sub3A_129 = arith.subf %sub3A_128, %slice3A_118 : vector<20x1xf32>
    %mul3A_130 = arith.mulf %sub3A_126, %sub3A_129 : vector<20x1xf32>
    %mul3A_131 = vector.broadcast %mul3A_130 : vector<20x1xf32> to vector<20x4096xf32>
    %mul3A_132 = arith.mulf %convert_element_type3A_123, %mul3A_131 : vector<20x4096xf32>
    %add3A_133 = arith.addf %broadcast_in_dim3A_115, %mul3A_132 : vector<20x4096xf32>
    %add3A_134 = arith.constant 1 : i32
    %add3A_135 = vector.broadcast %add3A_134 : i32 to vector<20x1xi32>
    %add3A_136 = arith.addi %slice3A_116, %add3A_135 : vector<20x1xi32>
    %eq3A_137 = vector.broadcast %iota3A_114 : vector<1x4096xi32> to vector<20x4096xi32>
    %eq3A_138 = vector.broadcast %add3A_136 : vector<20x1xi32> to vector<20x4096xi32>
    %eq3A_139 = arith.cmpi eq, %eq3A_137, %eq3A_138 : vector<20x4096xi32>
    %convert_element_type3A_140 = arith.extui %eq3A_139 : vector<20x4096xi1> to vector<20x4096xi32>
    %convert_element_type3A_141 = arith.sitofp %convert_element_type3A_140 : vector<20x4096xi32> to vector<20x4096xf32>
    %sub3A_142 = arith.constant 1.000000e+00 : f32
    %sub3A_143 = vector.broadcast %sub3A_142 : f32 to vector<20x1xf32>
    %sub3A_144 = arith.subf %sub3A_143, %slice3A_117 : vector<20x1xf32>
    %mul3A_145 = arith.mulf %sub3A_144, %slice3A_118 : vector<20x1xf32>
    %mul3A_146 = vector.broadcast %mul3A_145 : vector<20x1xf32> to vector<20x4096xf32>
    %mul3A_147 = arith.mulf %convert_element_type3A_141, %mul3A_146 : vector<20x4096xf32>
    %add3A_148 = arith.addf %add3A_133, %mul3A_147 : vector<20x4096xf32>
    %add3A_149 = arith.constant 64 : i32
    %add3A_150 = vector.broadcast %add3A_149 : i32 to vector<20x1xi32>
    %add3A_151 = arith.addi %slice3A_116, %add3A_150 : vector<20x1xi32>
    %eq3A_152 = vector.broadcast %iota3A_114 : vector<1x4096xi32> to vector<20x4096xi32>
    %eq3A_153 = vector.broadcast %add3A_151 : vector<20x1xi32> to vector<20x4096xi32>
    %eq3A_154 = arith.cmpi eq, %eq3A_152, %eq3A_153 : vector<20x4096xi32>
    %convert_element_type3A_155 = arith.extui %eq3A_154 : vector<20x4096xi1> to vector<20x4096xi32>
    %convert_element_type3A_156 = arith.sitofp %convert_element_type3A_155 : vector<20x4096xi32> to vector<20x4096xf32>
    %sub3A_157 = arith.constant 1.000000e+00 : f32
    %sub3A_158 = vector.broadcast %sub3A_157 : f32 to vector<20x1xf32>
    %sub3A_159 = arith.subf %sub3A_158, %slice3A_118 : vector<20x1xf32>
    %mul3A_160 = arith.mulf %slice3A_117, %sub3A_159 : vector<20x1xf32>
    %mul3A_161 = vector.broadcast %mul3A_160 : vector<20x1xf32> to vector<20x4096xf32>
    %mul3A_162 = arith.mulf %convert_element_type3A_156, %mul3A_161 : vector<20x4096xf32>
    %add3A_163 = arith.addf %add3A_148, %mul3A_162 : vector<20x4096xf32>
    %add3A_164 = arith.constant 65 : i32
    %add3A_165 = vector.broadcast %add3A_164 : i32 to vector<20x1xi32>
    %add3A_166 = arith.addi %slice3A_116, %add3A_165 : vector<20x1xi32>
    %eq3A_167 = vector.broadcast %iota3A_114 : vector<1x4096xi32> to vector<20x4096xi32>
    %eq3A_168 = vector.broadcast %add3A_166 : vector<20x1xi32> to vector<20x4096xi32>
    %eq3A_169 = arith.cmpi eq, %eq3A_167, %eq3A_168 : vector<20x4096xi32>
    %convert_element_type3A_170 = arith.extui %eq3A_169 : vector<20x4096xi1> to vector<20x4096xi32>
    %convert_element_type3A_171 = arith.sitofp %convert_element_type3A_170 : vector<20x4096xi32> to vector<20x4096xf32>
    %mul3A_172 = arith.mulf %slice3A_117, %slice3A_118 : vector<20x1xf32>
    %mul3A_173 = vector.broadcast %mul3A_172 : vector<20x1xf32> to vector<20x4096xf32>
    %mul3A_174 = arith.mulf %convert_element_type3A_171, %mul3A_173 : vector<20x4096xf32>
    %add3A_175 = arith.addf %add3A_163, %mul3A_174 : vector<20x4096xf32>
    %slice3A_176 = vector.extract_strided_slice %add3A_113 {offsets = [0, 1], sizes = [20, 1], strides = [1, 1]} : vector<20x49xi32> to vector<20x1xi32>
    %slice3A_177 = vector.extract_strided_slice %min3A_100 {offsets = [0, 1], sizes = [20, 1], strides = [1, 1]} : vector<20x49xf32> to vector<20x1xf32>
    %slice3A_178 = vector.extract_strided_slice %min3A_107 {offsets = [0, 1], sizes = [20, 1], strides = [1, 1]} : vector<20x49xf32> to vector<20x1xf32>
    %eq3A_179 = vector.broadcast %iota3A_114 : vector<1x4096xi32> to vector<20x4096xi32>
    %eq3A_180 = vector.broadcast %slice3A_176 : vector<20x1xi32> to vector<20x4096xi32>
    %eq3A_181 = arith.cmpi eq, %eq3A_179, %eq3A_180 : vector<20x4096xi32>
    %convert_element_type3A_182 = arith.extui %eq3A_181 : vector<20x4096xi1> to vector<20x4096xi32>
    %convert_element_type3A_183 = arith.sitofp %convert_element_type3A_182 : vector<20x4096xi32> to vector<20x4096xf32>
    %sub3A_184 = arith.constant 1.000000e+00 : f32
    %sub3A_185 = vector.broadcast %sub3A_184 : f32 to vector<20x1xf32>
    %sub3A_186 = arith.subf %sub3A_185, %slice3A_177 : vector<20x1xf32>
    %sub3A_187 = arith.constant 1.000000e+00 : f32
    %sub3A_188 = vector.broadcast %sub3A_187 : f32 to vector<20x1xf32>
    %sub3A_189 = arith.subf %sub3A_188, %slice3A_178 : vector<20x1xf32>
    %mul3A_190 = arith.mulf %sub3A_186, %sub3A_189 : vector<20x1xf32>
    %mul3A_191 = vector.broadcast %mul3A_190 : vector<20x1xf32> to vector<20x4096xf32>
    %mul3A_192 = arith.mulf %convert_element_type3A_183, %mul3A_191 : vector<20x4096xf32>
    %add3A_193 = arith.addf %add3A_175, %mul3A_192 : vector<20x4096xf32>
    %add3A_194 = arith.constant 1 : i32
    %add3A_195 = vector.broadcast %add3A_194 : i32 to vector<20x1xi32>
    %add3A_196 = arith.addi %slice3A_176, %add3A_195 : vector<20x1xi32>
    %eq3A_197 = vector.broadcast %iota3A_114 : vector<1x4096xi32> to vector<20x4096xi32>
    %eq3A_198 = vector.broadcast %add3A_196 : vector<20x1xi32> to vector<20x4096xi32>
    %eq3A_199 = arith.cmpi eq, %eq3A_197, %eq3A_198 : vector<20x4096xi32>
    %convert_element_type3A_200 = arith.extui %eq3A_199 : vector<20x4096xi1> to vector<20x4096xi32>
    %convert_element_type3A_201 = arith.sitofp %convert_element_type3A_200 : vector<20x4096xi32> to vector<20x4096xf32>
    %sub3A_202 = arith.constant 1.000000e+00 : f32
    %sub3A_203 = vector.broadcast %sub3A_202 : f32 to vector<20x1xf32>
    %sub3A_204 = arith.subf %sub3A_203, %slice3A_177 : vector<20x1xf32>
    %mul3A_205 = arith.mulf %sub3A_204, %slice3A_178 : vector<20x1xf32>
    %mul3A_206 = vector.broadcast %mul3A_205 : vector<20x1xf32> to vector<20x4096xf32>
    %mul3A_207 = arith.mulf %convert_element_type3A_201, %mul3A_206 : vector<20x4096xf32>
    %add3A_208 = arith.addf %add3A_193, %mul3A_207 : vector<20x4096xf32>
    %add3A_209 = arith.constant 64 : i32
    %add3A_210 = vector.broadcast %add3A_209 : i32 to vector<20x1xi32>
    %add3A_211 = arith.addi %slice3A_176, %add3A_210 : vector<20x1xi32>
    %eq3A_212 = vector.broadcast %iota3A_114 : vector<1x4096xi32> to vector<20x4096xi32>
    %eq3A_213 = vector.broadcast %add3A_211 : vector<20x1xi32> to vector<20x4096xi32>
    %eq3A_214 = arith.cmpi eq, %eq3A_212, %eq3A_213 : vector<20x4096xi32>
    %convert_element_type3A_215 = arith.extui %eq3A_214 : vector<20x4096xi1> to vector<20x4096xi32>
    %convert_element_type3A_216 = arith.sitofp %convert_element_type3A_215 : vector<20x4096xi32> to vector<20x4096xf32>
    %sub3A_217 = arith.constant 1.000000e+00 : f32
    %sub3A_218 = vector.broadcast %sub3A_217 : f32 to vector<20x1xf32>
    %sub3A_219 = arith.subf %sub3A_218, %slice3A_178 : vector<20x1xf32>
    %mul3A_220 = arith.mulf %slice3A_177, %sub3A_219 : vector<20x1xf32>
    %mul3A_221 = vector.broadcast %mul3A_220 : vector<20x1xf32> to vector<20x4096xf32>
    %mul3A_222 = arith.mulf %convert_element_type3A_216, %mul3A_221 : vector<20x4096xf32>
    %add3A_223 = arith.addf %add3A_208, %mul3A_222 : vector<20x4096xf32>
    %add3A_224 = arith.constant 65 : i32
    %add3A_225 = vector.broadcast %add3A_224 : i32 to vector<20x1xi32>
    %add3A_226 = arith.addi %slice3A_176, %add3A_225 : vector<20x1xi32>
    %eq3A_227 = vector.broadcast %iota3A_114 : vector<1x4096xi32> to vector<20x4096xi32>
    %eq3A_228 = vector.broadcast %add3A_226 : vector<20x1xi32> to vector<20x4096xi32>
    %eq3A_229 = arith.cmpi eq, %eq3A_227, %eq3A_228 : vector<20x4096xi32>
    %convert_element_type3A_230 = arith.extui %eq3A_229 : vector<20x4096xi1> to vector<20x4096xi32>
    %convert_element_type3A_231 = arith.sitofp %convert_element_type3A_230 : vector<20x4096xi32> to vector<20x4096xf32>
    %mul3A_232 = arith.mulf %slice3A_177, %slice3A_178 : vector<20x1xf32>
    %mul3A_233 = vector.broadcast %mul3A_232 : vector<20x1xf32> to vector<20x4096xf32>
    %mul3A_234 = arith.mulf %convert_element_type3A_231, %mul3A_233 : vector<20x4096xf32>
    %add3A_235 = arith.addf %add3A_223, %mul3A_234 : vector<20x4096xf32>
    %slice3A_236 = vector.extract_strided_slice %add3A_113 {offsets = [0, 2], sizes = [20, 1], strides = [1, 1]} : vector<20x49xi32> to vector<20x1xi32>
    %slice3A_237 = vector.extract_strided_slice %min3A_100 {offsets = [0, 2], sizes = [20, 1], strides = [1, 1]} : vector<20x49xf32> to vector<20x1xf32>
    %slice3A_238 = vector.extract_strided_slice %min3A_107 {offsets = [0, 2], sizes = [20, 1], strides = [1, 1]} : vector<20x49xf32> to vector<20x1xf32>
    %eq3A_239 = vector.broadcast %iota3A_114 : vector<1x4096xi32> to vector<20x4096xi32>
    %eq3A_240 = vector.broadcast %slice3A_236 : vector<20x1xi32> to vector<20x4096xi32>
    %eq3A_241 = arith.cmpi eq, %eq3A_239, %eq3A_240 : vector<20x4096xi32>
    %convert_element_type3A_242 = arith.extui %eq3A_241 : vector<20x4096xi1> to vector<20x4096xi32>
    %convert_element_type3A_243 = arith.sitofp %convert_element_type3A_242 : vector<20x4096xi32> to vector<20x4096xf32>
    %sub3A_244 = arith.constant 1.000000e+00 : f32
    %sub3A_245 = vector.broadcast %sub3A_244 : f32 to vector<20x1xf32>
    %sub3A_246 = arith.subf %sub3A_245, %slice3A_237 : vector<20x1xf32>
    %sub3A_247 = arith.constant 1.000000e+00 : f32
    %sub3A_248 = vector.broadcast %sub3A_247 : f32 to vector<20x1xf32>
    %sub3A_249 = arith.subf %sub3A_248, %slice3A_238 : vector<20x1xf32>
    %mul3A_250 = arith.mulf %sub3A_246, %sub3A_249 : vector<20x1xf32>
    %mul3A_251 = vector.broadcast %mul3A_250 : vector<20x1xf32> to vector<20x4096xf32>
    %mul3A_252 = arith.mulf %convert_element_type3A_243, %mul3A_251 : vector<20x4096xf32>
    %add3A_253 = arith.addf %add3A_235, %mul3A_252 : vector<20x4096xf32>
    %add3A_254 = arith.constant 1 : i32
    %add3A_255 = vector.broadcast %add3A_254 : i32 to vector<20x1xi32>
    %add3A_256 = arith.addi %slice3A_236, %add3A_255 : vector<20x1xi32>
    %eq3A_257 = vector.broadcast %iota3A_114 : vector<1x4096xi32> to vector<20x4096xi32>
    %eq3A_258 = vector.broadcast %add3A_256 : vector<20x1xi32> to vector<20x4096xi32>
    %eq3A_259 = arith.cmpi eq, %eq3A_257, %eq3A_258 : vector<20x4096xi32>
    %convert_element_type3A_260 = arith.extui %eq3A_259 : vector<20x4096xi1> to vector<20x4096xi32>
    %convert_element_type3A_261 = arith.sitofp %convert_element_type3A_260 : vector<20x4096xi32> to vector<20x4096xf32>
    %sub3A_262 = arith.constant 1.000000e+00 : f32
    %sub3A_263 = vector.broadcast %sub3A_262 : f32 to vector<20x1xf32>
    %sub3A_264 = arith.subf %sub3A_263, %slice3A_237 : vector<20x1xf32>
    %mul3A_265 = arith.mulf %sub3A_264, %slice3A_238 : vector<20x1xf32>
    %mul3A_266 = vector.broadcast %mul3A_265 : vector<20x1xf32> to vector<20x4096xf32>
    %mul3A_267 = arith.mulf %convert_element_type3A_261, %mul3A_266 : vector<20x4096xf32>
    %add3A_268 = arith.addf %add3A_253, %mul3A_267 : vector<20x4096xf32>
    %add3A_269 = arith.constant 64 : i32
    %add3A_270 = vector.broadcast %add3A_269 : i32 to vector<20x1xi32>
    %add3A_271 = arith.addi %slice3A_236, %add3A_270 : vector<20x1xi32>
    %eq3A_272 = vector.broadcast %iota3A_114 : vector<1x4096xi32> to vector<20x4096xi32>
    %eq3A_273 = vector.broadcast %add3A_271 : vector<20x1xi32> to vector<20x4096xi32>
    %eq3A_274 = arith.cmpi eq, %eq3A_272, %eq3A_273 : vector<20x4096xi32>
    %convert_element_type3A_275 = arith.extui %eq3A_274 : vector<20x4096xi1> to vector<20x4096xi32>
    %convert_element_type3A_276 = arith.sitofp %convert_element_type3A_275 : vector<20x4096xi32> to vector<20x4096xf32>
    %sub3A_277 = arith.constant 1.000000e+00 : f32
    %sub3A_278 = vector.broadcast %sub3A_277 : f32 to vector<20x1xf32>
    %sub3A_279 = arith.subf %sub3A_278, %slice3A_238 : vector<20x1xf32>
    %mul3A_280 = arith.mulf %slice3A_237, %sub3A_279 : vector<20x1xf32>
    %mul3A_281 = vector.broadcast %mul3A_280 : vector<20x1xf32> to vector<20x4096xf32>
    %mul3A_282 = arith.mulf %convert_element_type3A_276, %mul3A_281 : vector<20x4096xf32>
    %add3A_283 = arith.addf %add3A_268, %mul3A_282 : vector<20x4096xf32>
    %add3A_284 = arith.constant 65 : i32
    %add3A_285 = vector.broadcast %add3A_284 : i32 to vector<20x1xi32>
    %add3A_286 = arith.addi %slice3A_236, %add3A_285 : vector<20x1xi32>
    %eq3A_287 = vector.broadcast %iota3A_114 : vector<1x4096xi32> to vector<20x4096xi32>
    %eq3A_288 = vector.broadcast %add3A_286 : vector<20x1xi32> to vector<20x4096xi32>
    %eq3A_289 = arith.cmpi eq, %eq3A_287, %eq3A_288 : vector<20x4096xi32>
    %convert_element_type3A_290 = arith.extui %eq3A_289 : vector<20x4096xi1> to vector<20x4096xi32>
    %convert_element_type3A_291 = arith.sitofp %convert_element_type3A_290 : vector<20x4096xi32> to vector<20x4096xf32>
    %mul3A_292 = arith.mulf %slice3A_237, %slice3A_238 : vector<20x1xf32>
    %mul3A_293 = vector.broadcast %mul3A_292 : vector<20x1xf32> to vector<20x4096xf32>
    %mul3A_294 = arith.mulf %convert_element_type3A_291, %mul3A_293 : vector<20x4096xf32>
    %add3A_295 = arith.addf %add3A_283, %mul3A_294 : vector<20x4096xf32>
    %slice3A_296 = vector.extract_strided_slice %add3A_113 {offsets = [0, 3], sizes = [20, 1], strides = [1, 1]} : vector<20x49xi32> to vector<20x1xi32>
    %slice3A_297 = vector.extract_strided_slice %min3A_100 {offsets = [0, 3], sizes = [20, 1], strides = [1, 1]} : vector<20x49xf32> to vector<20x1xf32>
    %slice3A_298 = vector.extract_strided_slice %min3A_107 {offsets = [0, 3], sizes = [20, 1], strides = [1, 1]} : vector<20x49xf32> to vector<20x1xf32>
    %eq3A_299 = vector.broadcast %iota3A_114 : vector<1x4096xi32> to vector<20x4096xi32>
    %eq3A_300 = vector.broadcast %slice3A_296 : vector<20x1xi32> to vector<20x4096xi32>
    %eq3A_301 = arith.cmpi eq, %eq3A_299, %eq3A_300 : vector<20x4096xi32>
    %convert_element_type3A_302 = arith.extui %eq3A_301 : vector<20x4096xi1> to vector<20x4096xi32>
    %convert_element_type3A_303 = arith.sitofp %convert_element_type3A_302 : vector<20x4096xi32> to vector<20x4096xf32>
    %sub3A_304 = arith.constant 1.000000e+00 : f32
    %sub3A_305 = vector.broadcast %sub3A_304 : f32 to vector<20x1xf32>
    %sub3A_306 = arith.subf %sub3A_305, %slice3A_297 : vector<20x1xf32>
    %sub3A_307 = arith.constant 1.000000e+00 : f32
    %sub3A_308 = vector.broadcast %sub3A_307 : f32 to vector<20x1xf32>
    %sub3A_309 = arith.subf %sub3A_308, %slice3A_298 : vector<20x1xf32>
    %mul3A_310 = arith.mulf %sub3A_306, %sub3A_309 : vector<20x1xf32>
    %mul3A_311 = vector.broadcast %mul3A_310 : vector<20x1xf32> to vector<20x4096xf32>
    %mul3A_312 = arith.mulf %convert_element_type3A_303, %mul3A_311 : vector<20x4096xf32>
    %add3A_313 = arith.addf %add3A_295, %mul3A_312 : vector<20x4096xf32>
    %add3A_314 = arith.constant 1 : i32
    %add3A_315 = vector.broadcast %add3A_314 : i32 to vector<20x1xi32>
    %add3A_316 = arith.addi %slice3A_296, %add3A_315 : vector<20x1xi32>
    %eq3A_317 = vector.broadcast %iota3A_114 : vector<1x4096xi32> to vector<20x4096xi32>
    %eq3A_318 = vector.broadcast %add3A_316 : vector<20x1xi32> to vector<20x4096xi32>
    %eq3A_319 = arith.cmpi eq, %eq3A_317, %eq3A_318 : vector<20x4096xi32>
    %convert_element_type3A_320 = arith.extui %eq3A_319 : vector<20x4096xi1> to vector<20x4096xi32>
    %convert_element_type3A_321 = arith.sitofp %convert_element_type3A_320 : vector<20x4096xi32> to vector<20x4096xf32>
    %sub3A_322 = arith.constant 1.000000e+00 : f32
    %sub3A_323 = vector.broadcast %sub3A_322 : f32 to vector<20x1xf32>
    %sub3A_324 = arith.subf %sub3A_323, %slice3A_297 : vector<20x1xf32>
    %mul3A_325 = arith.mulf %sub3A_324, %slice3A_298 : vector<20x1xf32>
    %mul3A_326 = vector.broadcast %mul3A_325 : vector<20x1xf32> to vector<20x4096xf32>
    %mul3A_327 = arith.mulf %convert_element_type3A_321, %mul3A_326 : vector<20x4096xf32>
    %add3A_328 = arith.addf %add3A_313, %mul3A_327 : vector<20x4096xf32>
    %add3A_329 = arith.constant 64 : i32
    %add3A_330 = vector.broadcast %add3A_329 : i32 to vector<20x1xi32>
    %add3A_331 = arith.addi %slice3A_296, %add3A_330 : vector<20x1xi32>
    %eq3A_332 = vector.broadcast %iota3A_114 : vector<1x4096xi32> to vector<20x4096xi32>
    %eq3A_333 = vector.broadcast %add3A_331 : vector<20x1xi32> to vector<20x4096xi32>
    %eq3A_334 = arith.cmpi eq, %eq3A_332, %eq3A_333 : vector<20x4096xi32>
    %convert_element_type3A_335 = arith.extui %eq3A_334 : vector<20x4096xi1> to vector<20x4096xi32>
    %convert_element_type3A_336 = arith.sitofp %convert_element_type3A_335 : vector<20x4096xi32> to vector<20x4096xf32>
    %sub3A_337 = arith.constant 1.000000e+00 : f32
    %sub3A_338 = vector.broadcast %sub3A_337 : f32 to vector<20x1xf32>
    %sub3A_339 = arith.subf %sub3A_338, %slice3A_298 : vector<20x1xf32>
    %mul3A_340 = arith.mulf %slice3A_297, %sub3A_339 : vector<20x1xf32>
    %mul3A_341 = vector.broadcast %mul3A_340 : vector<20x1xf32> to vector<20x4096xf32>
    %mul3A_342 = arith.mulf %convert_element_type3A_336, %mul3A_341 : vector<20x4096xf32>
    %add3A_343 = arith.addf %add3A_328, %mul3A_342 : vector<20x4096xf32>
    %add3A_344 = arith.constant 65 : i32
    %add3A_345 = vector.broadcast %add3A_344 : i32 to vector<20x1xi32>
    %add3A_346 = arith.addi %slice3A_296, %add3A_345 : vector<20x1xi32>
    %eq3A_347 = vector.broadcast %iota3A_114 : vector<1x4096xi32> to vector<20x4096xi32>
    %eq3A_348 = vector.broadcast %add3A_346 : vector<20x1xi32> to vector<20x4096xi32>
    %eq3A_349 = arith.cmpi eq, %eq3A_347, %eq3A_348 : vector<20x4096xi32>
    %convert_element_type3A_350 = arith.extui %eq3A_349 : vector<20x4096xi1> to vector<20x4096xi32>
    %convert_element_type3A_351 = arith.sitofp %convert_element_type3A_350 : vector<20x4096xi32> to vector<20x4096xf32>
    %mul3A_352 = arith.mulf %slice3A_297, %slice3A_298 : vector<20x1xf32>
    %mul3A_353 = vector.broadcast %mul3A_352 : vector<20x1xf32> to vector<20x4096xf32>
    %mul3A_354 = arith.mulf %convert_element_type3A_351, %mul3A_353 : vector<20x4096xf32>
    %add3A_355 = arith.addf %add3A_343, %mul3A_354 : vector<20x4096xf32>
    %slice3A_356 = vector.extract_strided_slice %add3A_113 {offsets = [0, 4], sizes = [20, 1], strides = [1, 1]} : vector<20x49xi32> to vector<20x1xi32>
    %slice3A_357 = vector.extract_strided_slice %min3A_100 {offsets = [0, 4], sizes = [20, 1], strides = [1, 1]} : vector<20x49xf32> to vector<20x1xf32>
    %slice3A_358 = vector.extract_strided_slice %min3A_107 {offsets = [0, 4], sizes = [20, 1], strides = [1, 1]} : vector<20x49xf32> to vector<20x1xf32>
    %eq3A_359 = vector.broadcast %iota3A_114 : vector<1x4096xi32> to vector<20x4096xi32>
    %eq3A_360 = vector.broadcast %slice3A_356 : vector<20x1xi32> to vector<20x4096xi32>
    %eq3A_361 = arith.cmpi eq, %eq3A_359, %eq3A_360 : vector<20x4096xi32>
    %convert_element_type3A_362 = arith.extui %eq3A_361 : vector<20x4096xi1> to vector<20x4096xi32>
    %convert_element_type3A_363 = arith.sitofp %convert_element_type3A_362 : vector<20x4096xi32> to vector<20x4096xf32>
    %sub3A_364 = arith.constant 1.000000e+00 : f32
    %sub3A_365 = vector.broadcast %sub3A_364 : f32 to vector<20x1xf32>
    %sub3A_366 = arith.subf %sub3A_365, %slice3A_357 : vector<20x1xf32>
    %sub3A_367 = arith.constant 1.000000e+00 : f32
    %sub3A_368 = vector.broadcast %sub3A_367 : f32 to vector<20x1xf32>
    %sub3A_369 = arith.subf %sub3A_368, %slice3A_358 : vector<20x1xf32>
    %mul3A_370 = arith.mulf %sub3A_366, %sub3A_369 : vector<20x1xf32>
    %mul3A_371 = vector.broadcast %mul3A_370 : vector<20x1xf32> to vector<20x4096xf32>
    %mul3A_372 = arith.mulf %convert_element_type3A_363, %mul3A_371 : vector<20x4096xf32>
    %add3A_373 = arith.addf %add3A_355, %mul3A_372 : vector<20x4096xf32>
    %add3A_374 = arith.constant 1 : i32
    %add3A_375 = vector.broadcast %add3A_374 : i32 to vector<20x1xi32>
    %add3A_376 = arith.addi %slice3A_356, %add3A_375 : vector<20x1xi32>
    %eq3A_377 = vector.broadcast %iota3A_114 : vector<1x4096xi32> to vector<20x4096xi32>
    %eq3A_378 = vector.broadcast %add3A_376 : vector<20x1xi32> to vector<20x4096xi32>
    %eq3A_379 = arith.cmpi eq, %eq3A_377, %eq3A_378 : vector<20x4096xi32>
    %convert_element_type3A_380 = arith.extui %eq3A_379 : vector<20x4096xi1> to vector<20x4096xi32>
    %convert_element_type3A_381 = arith.sitofp %convert_element_type3A_380 : vector<20x4096xi32> to vector<20x4096xf32>
    %sub3A_382 = arith.constant 1.000000e+00 : f32
    %sub3A_383 = vector.broadcast %sub3A_382 : f32 to vector<20x1xf32>
    %sub3A_384 = arith.subf %sub3A_383, %slice3A_357 : vector<20x1xf32>
    %mul3A_385 = arith.mulf %sub3A_384, %slice3A_358 : vector<20x1xf32>
    %mul3A_386 = vector.broadcast %mul3A_385 : vector<20x1xf32> to vector<20x4096xf32>
    %mul3A_387 = arith.mulf %convert_element_type3A_381, %mul3A_386 : vector<20x4096xf32>
    %add3A_388 = arith.addf %add3A_373, %mul3A_387 : vector<20x4096xf32>
    %add3A_389 = arith.constant 64 : i32
    %add3A_390 = vector.broadcast %add3A_389 : i32 to vector<20x1xi32>
    %add3A_391 = arith.addi %slice3A_356, %add3A_390 : vector<20x1xi32>
    %eq3A_392 = vector.broadcast %iota3A_114 : vector<1x4096xi32> to vector<20x4096xi32>
    %eq3A_393 = vector.broadcast %add3A_391 : vector<20x1xi32> to vector<20x4096xi32>
    %eq3A_394 = arith.cmpi eq, %eq3A_392, %eq3A_393 : vector<20x4096xi32>
    %convert_element_type3A_395 = arith.extui %eq3A_394 : vector<20x4096xi1> to vector<20x4096xi32>
    %convert_element_type3A_396 = arith.sitofp %convert_element_type3A_395 : vector<20x4096xi32> to vector<20x4096xf32>
    %sub3A_397 = arith.constant 1.000000e+00 : f32
    %sub3A_398 = vector.broadcast %sub3A_397 : f32 to vector<20x1xf32>
    %sub3A_399 = arith.subf %sub3A_398, %slice3A_358 : vector<20x1xf32>
    %mul3A_400 = arith.mulf %slice3A_357, %sub3A_399 : vector<20x1xf32>
    %mul3A_401 = vector.broadcast %mul3A_400 : vector<20x1xf32> to vector<20x4096xf32>
    %mul3A_402 = arith.mulf %convert_element_type3A_396, %mul3A_401 : vector<20x4096xf32>
    %add3A_403 = arith.addf %add3A_388, %mul3A_402 : vector<20x4096xf32>
    %add3A_404 = arith.constant 65 : i32
    %add3A_405 = vector.broadcast %add3A_404 : i32 to vector<20x1xi32>
    %add3A_406 = arith.addi %slice3A_356, %add3A_405 : vector<20x1xi32>
    %eq3A_407 = vector.broadcast %iota3A_114 : vector<1x4096xi32> to vector<20x4096xi32>
    %eq3A_408 = vector.broadcast %add3A_406 : vector<20x1xi32> to vector<20x4096xi32>
    %eq3A_409 = arith.cmpi eq, %eq3A_407, %eq3A_408 : vector<20x4096xi32>
    %convert_element_type3A_410 = arith.extui %eq3A_409 : vector<20x4096xi1> to vector<20x4096xi32>
    %convert_element_type3A_411 = arith.sitofp %convert_element_type3A_410 : vector<20x4096xi32> to vector<20x4096xf32>
    %mul3A_412 = arith.mulf %slice3A_357, %slice3A_358 : vector<20x1xf32>
    %mul3A_413 = vector.broadcast %mul3A_412 : vector<20x1xf32> to vector<20x4096xf32>
    %mul3A_414 = arith.mulf %convert_element_type3A_411, %mul3A_413 : vector<20x4096xf32>
    %add3A_415 = arith.addf %add3A_403, %mul3A_414 : vector<20x4096xf32>
    %slice3A_416 = vector.extract_strided_slice %add3A_113 {offsets = [0, 5], sizes = [20, 1], strides = [1, 1]} : vector<20x49xi32> to vector<20x1xi32>
    %slice3A_417 = vector.extract_strided_slice %min3A_100 {offsets = [0, 5], sizes = [20, 1], strides = [1, 1]} : vector<20x49xf32> to vector<20x1xf32>
    %slice3A_418 = vector.extract_strided_slice %min3A_107 {offsets = [0, 5], sizes = [20, 1], strides = [1, 1]} : vector<20x49xf32> to vector<20x1xf32>
    %eq3A_419 = vector.broadcast %iota3A_114 : vector<1x4096xi32> to vector<20x4096xi32>
    %eq3A_420 = vector.broadcast %slice3A_416 : vector<20x1xi32> to vector<20x4096xi32>
    %eq3A_421 = arith.cmpi eq, %eq3A_419, %eq3A_420 : vector<20x4096xi32>
    %convert_element_type3A_422 = arith.extui %eq3A_421 : vector<20x4096xi1> to vector<20x4096xi32>
    %convert_element_type3A_423 = arith.sitofp %convert_element_type3A_422 : vector<20x4096xi32> to vector<20x4096xf32>
    %sub3A_424 = arith.constant 1.000000e+00 : f32
    %sub3A_425 = vector.broadcast %sub3A_424 : f32 to vector<20x1xf32>
    %sub3A_426 = arith.subf %sub3A_425, %slice3A_417 : vector<20x1xf32>
    %sub3A_427 = arith.constant 1.000000e+00 : f32
    %sub3A_428 = vector.broadcast %sub3A_427 : f32 to vector<20x1xf32>
    %sub3A_429 = arith.subf %sub3A_428, %slice3A_418 : vector<20x1xf32>
    %mul3A_430 = arith.mulf %sub3A_426, %sub3A_429 : vector<20x1xf32>
    %mul3A_431 = vector.broadcast %mul3A_430 : vector<20x1xf32> to vector<20x4096xf32>
    %mul3A_432 = arith.mulf %convert_element_type3A_423, %mul3A_431 : vector<20x4096xf32>
    %add3A_433 = arith.addf %add3A_415, %mul3A_432 : vector<20x4096xf32>
    %add3A_434 = arith.constant 1 : i32
    %add3A_435 = vector.broadcast %add3A_434 : i32 to vector<20x1xi32>
    %add3A_436 = arith.addi %slice3A_416, %add3A_435 : vector<20x1xi32>
    %eq3A_437 = vector.broadcast %iota3A_114 : vector<1x4096xi32> to vector<20x4096xi32>
    %eq3A_438 = vector.broadcast %add3A_436 : vector<20x1xi32> to vector<20x4096xi32>
    %eq3A_439 = arith.cmpi eq, %eq3A_437, %eq3A_438 : vector<20x4096xi32>
    %convert_element_type3A_440 = arith.extui %eq3A_439 : vector<20x4096xi1> to vector<20x4096xi32>
    %convert_element_type3A_441 = arith.sitofp %convert_element_type3A_440 : vector<20x4096xi32> to vector<20x4096xf32>
    %sub3A_442 = arith.constant 1.000000e+00 : f32
    %sub3A_443 = vector.broadcast %sub3A_442 : f32 to vector<20x1xf32>
    %sub3A_444 = arith.subf %sub3A_443, %slice3A_417 : vector<20x1xf32>
    %mul3A_445 = arith.mulf %sub3A_444, %slice3A_418 : vector<20x1xf32>
    %mul3A_446 = vector.broadcast %mul3A_445 : vector<20x1xf32> to vector<20x4096xf32>
    %mul3A_447 = arith.mulf %convert_element_type3A_441, %mul3A_446 : vector<20x4096xf32>
    %add3A_448 = arith.addf %add3A_433, %mul3A_447 : vector<20x4096xf32>
    %add3A_449 = arith.constant 64 : i32
    %add3A_450 = vector.broadcast %add3A_449 : i32 to vector<20x1xi32>
    %add3A_451 = arith.addi %slice3A_416, %add3A_450 : vector<20x1xi32>
    %eq3A_452 = vector.broadcast %iota3A_114 : vector<1x4096xi32> to vector<20x4096xi32>
    %eq3A_453 = vector.broadcast %add3A_451 : vector<20x1xi32> to vector<20x4096xi32>
    %eq3A_454 = arith.cmpi eq, %eq3A_452, %eq3A_453 : vector<20x4096xi32>
    %convert_element_type3A_455 = arith.extui %eq3A_454 : vector<20x4096xi1> to vector<20x4096xi32>
    %convert_element_type3A_456 = arith.sitofp %convert_element_type3A_455 : vector<20x4096xi32> to vector<20x4096xf32>
    %sub3A_457 = arith.constant 1.000000e+00 : f32
    %sub3A_458 = vector.broadcast %sub3A_457 : f32 to vector<20x1xf32>
    %sub3A_459 = arith.subf %sub3A_458, %slice3A_418 : vector<20x1xf32>
    %mul3A_460 = arith.mulf %slice3A_417, %sub3A_459 : vector<20x1xf32>
    %mul3A_461 = vector.broadcast %mul3A_460 : vector<20x1xf32> to vector<20x4096xf32>
    %mul3A_462 = arith.mulf %convert_element_type3A_456, %mul3A_461 : vector<20x4096xf32>
    %add3A_463 = arith.addf %add3A_448, %mul3A_462 : vector<20x4096xf32>
    %add3A_464 = arith.constant 65 : i32
    %add3A_465 = vector.broadcast %add3A_464 : i32 to vector<20x1xi32>
    %add3A_466 = arith.addi %slice3A_416, %add3A_465 : vector<20x1xi32>
    %eq3A_467 = vector.broadcast %iota3A_114 : vector<1x4096xi32> to vector<20x4096xi32>
    %eq3A_468 = vector.broadcast %add3A_466 : vector<20x1xi32> to vector<20x4096xi32>
    %eq3A_469 = arith.cmpi eq, %eq3A_467, %eq3A_468 : vector<20x4096xi32>
    %convert_element_type3A_470 = arith.extui %eq3A_469 : vector<20x4096xi1> to vector<20x4096xi32>
    %convert_element_type3A_471 = arith.sitofp %convert_element_type3A_470 : vector<20x4096xi32> to vector<20x4096xf32>
    %mul3A_472 = arith.mulf %slice3A_417, %slice3A_418 : vector<20x1xf32>
    %mul3A_473 = vector.broadcast %mul3A_472 : vector<20x1xf32> to vector<20x4096xf32>
    %mul3A_474 = arith.mulf %convert_element_type3A_471, %mul3A_473 : vector<20x4096xf32>
    %add3A_475 = arith.addf %add3A_463, %mul3A_474 : vector<20x4096xf32>
    %slice3A_476 = vector.extract_strided_slice %add3A_113 {offsets = [0, 6], sizes = [20, 1], strides = [1, 1]} : vector<20x49xi32> to vector<20x1xi32>
    %slice3A_477 = vector.extract_strided_slice %min3A_100 {offsets = [0, 6], sizes = [20, 1], strides = [1, 1]} : vector<20x49xf32> to vector<20x1xf32>
    %slice3A_478 = vector.extract_strided_slice %min3A_107 {offsets = [0, 6], sizes = [20, 1], strides = [1, 1]} : vector<20x49xf32> to vector<20x1xf32>
    %eq3A_479 = vector.broadcast %iota3A_114 : vector<1x4096xi32> to vector<20x4096xi32>
    %eq3A_480 = vector.broadcast %slice3A_476 : vector<20x1xi32> to vector<20x4096xi32>
    %eq3A_481 = arith.cmpi eq, %eq3A_479, %eq3A_480 : vector<20x4096xi32>
    %convert_element_type3A_482 = arith.extui %eq3A_481 : vector<20x4096xi1> to vector<20x4096xi32>
    %convert_element_type3A_483 = arith.sitofp %convert_element_type3A_482 : vector<20x4096xi32> to vector<20x4096xf32>
    %sub3A_484 = arith.constant 1.000000e+00 : f32
    %sub3A_485 = vector.broadcast %sub3A_484 : f32 to vector<20x1xf32>
    %sub3A_486 = arith.subf %sub3A_485, %slice3A_477 : vector<20x1xf32>
    %sub3A_487 = arith.constant 1.000000e+00 : f32
    %sub3A_488 = vector.broadcast %sub3A_487 : f32 to vector<20x1xf32>
    %sub3A_489 = arith.subf %sub3A_488, %slice3A_478 : vector<20x1xf32>
    %mul3A_490 = arith.mulf %sub3A_486, %sub3A_489 : vector<20x1xf32>
    %mul3A_491 = vector.broadcast %mul3A_490 : vector<20x1xf32> to vector<20x4096xf32>
    %mul3A_492 = arith.mulf %convert_element_type3A_483, %mul3A_491 : vector<20x4096xf32>
    %add3A_493 = arith.addf %add3A_475, %mul3A_492 : vector<20x4096xf32>
    %add3A_494 = arith.constant 1 : i32
    %add3A_495 = vector.broadcast %add3A_494 : i32 to vector<20x1xi32>
    %add3A_496 = arith.addi %slice3A_476, %add3A_495 : vector<20x1xi32>
    %eq3A_497 = vector.broadcast %iota3A_114 : vector<1x4096xi32> to vector<20x4096xi32>
    %eq3A_498 = vector.broadcast %add3A_496 : vector<20x1xi32> to vector<20x4096xi32>
    %eq3A_499 = arith.cmpi eq, %eq3A_497, %eq3A_498 : vector<20x4096xi32>
    %convert_element_type3A_500 = arith.extui %eq3A_499 : vector<20x4096xi1> to vector<20x4096xi32>
    %convert_element_type3A_501 = arith.sitofp %convert_element_type3A_500 : vector<20x4096xi32> to vector<20x4096xf32>
    %sub3A_502 = arith.constant 1.000000e+00 : f32
    %sub3A_503 = vector.broadcast %sub3A_502 : f32 to vector<20x1xf32>
    %sub3A_504 = arith.subf %sub3A_503, %slice3A_477 : vector<20x1xf32>
    %mul3A_505 = arith.mulf %sub3A_504, %slice3A_478 : vector<20x1xf32>
    %mul3A_506 = vector.broadcast %mul3A_505 : vector<20x1xf32> to vector<20x4096xf32>
    %mul3A_507 = arith.mulf %convert_element_type3A_501, %mul3A_506 : vector<20x4096xf32>
    %add3A_508 = arith.addf %add3A_493, %mul3A_507 : vector<20x4096xf32>
    %add3A_509 = arith.constant 64 : i32
    %add3A_510 = vector.broadcast %add3A_509 : i32 to vector<20x1xi32>
    %add3A_511 = arith.addi %slice3A_476, %add3A_510 : vector<20x1xi32>
    %eq3A_512 = vector.broadcast %iota3A_114 : vector<1x4096xi32> to vector<20x4096xi32>
    %eq3A_513 = vector.broadcast %add3A_511 : vector<20x1xi32> to vector<20x4096xi32>
    %eq3A_514 = arith.cmpi eq, %eq3A_512, %eq3A_513 : vector<20x4096xi32>
    %convert_element_type3A_515 = arith.extui %eq3A_514 : vector<20x4096xi1> to vector<20x4096xi32>
    %convert_element_type3A_516 = arith.sitofp %convert_element_type3A_515 : vector<20x4096xi32> to vector<20x4096xf32>
    %sub3A_517 = arith.constant 1.000000e+00 : f32
    %sub3A_518 = vector.broadcast %sub3A_517 : f32 to vector<20x1xf32>
    %sub3A_519 = arith.subf %sub3A_518, %slice3A_478 : vector<20x1xf32>
    %mul3A_520 = arith.mulf %slice3A_477, %sub3A_519 : vector<20x1xf32>
    %mul3A_521 = vector.broadcast %mul3A_520 : vector<20x1xf32> to vector<20x4096xf32>
    %mul3A_522 = arith.mulf %convert_element_type3A_516, %mul3A_521 : vector<20x4096xf32>
    %add3A_523 = arith.addf %add3A_508, %mul3A_522 : vector<20x4096xf32>
    %add3A_524 = arith.constant 65 : i32
    %add3A_525 = vector.broadcast %add3A_524 : i32 to vector<20x1xi32>
    %add3A_526 = arith.addi %slice3A_476, %add3A_525 : vector<20x1xi32>
    %eq3A_527 = vector.broadcast %iota3A_114 : vector<1x4096xi32> to vector<20x4096xi32>
    %eq3A_528 = vector.broadcast %add3A_526 : vector<20x1xi32> to vector<20x4096xi32>
    %eq3A_529 = arith.cmpi eq, %eq3A_527, %eq3A_528 : vector<20x4096xi32>
    %convert_element_type3A_530 = arith.extui %eq3A_529 : vector<20x4096xi1> to vector<20x4096xi32>
    %convert_element_type3A_531 = arith.sitofp %convert_element_type3A_530 : vector<20x4096xi32> to vector<20x4096xf32>
    %mul3A_532 = arith.mulf %slice3A_477, %slice3A_478 : vector<20x1xf32>
    %mul3A_533 = vector.broadcast %mul3A_532 : vector<20x1xf32> to vector<20x4096xf32>
    %mul3A_534 = arith.mulf %convert_element_type3A_531, %mul3A_533 : vector<20x4096xf32>
    %add3A_535 = arith.addf %add3A_523, %mul3A_534 : vector<20x4096xf32>
    %slice3A_536 = vector.extract_strided_slice %add3A_113 {offsets = [0, 7], sizes = [20, 1], strides = [1, 1]} : vector<20x49xi32> to vector<20x1xi32>
    %slice3A_537 = vector.extract_strided_slice %min3A_100 {offsets = [0, 7], sizes = [20, 1], strides = [1, 1]} : vector<20x49xf32> to vector<20x1xf32>
    %slice3A_538 = vector.extract_strided_slice %min3A_107 {offsets = [0, 7], sizes = [20, 1], strides = [1, 1]} : vector<20x49xf32> to vector<20x1xf32>
    %eq3A_539 = vector.broadcast %iota3A_114 : vector<1x4096xi32> to vector<20x4096xi32>
    %eq3A_540 = vector.broadcast %slice3A_536 : vector<20x1xi32> to vector<20x4096xi32>
    %eq3A_541 = arith.cmpi eq, %eq3A_539, %eq3A_540 : vector<20x4096xi32>
    %convert_element_type3A_542 = arith.extui %eq3A_541 : vector<20x4096xi1> to vector<20x4096xi32>
    %convert_element_type3A_543 = arith.sitofp %convert_element_type3A_542 : vector<20x4096xi32> to vector<20x4096xf32>
    %sub3A_544 = arith.constant 1.000000e+00 : f32
    %sub3A_545 = vector.broadcast %sub3A_544 : f32 to vector<20x1xf32>
    %sub3A_546 = arith.subf %sub3A_545, %slice3A_537 : vector<20x1xf32>
    %sub3A_547 = arith.constant 1.000000e+00 : f32
    %sub3A_548 = vector.broadcast %sub3A_547 : f32 to vector<20x1xf32>
    %sub3A_549 = arith.subf %sub3A_548, %slice3A_538 : vector<20x1xf32>
    %mul3A_550 = arith.mulf %sub3A_546, %sub3A_549 : vector<20x1xf32>
    %mul3A_551 = vector.broadcast %mul3A_550 : vector<20x1xf32> to vector<20x4096xf32>
    %mul3A_552 = arith.mulf %convert_element_type3A_543, %mul3A_551 : vector<20x4096xf32>
    %add3A_553 = arith.addf %add3A_535, %mul3A_552 : vector<20x4096xf32>
    %add3A_554 = arith.constant 1 : i32
    %add3A_555 = vector.broadcast %add3A_554 : i32 to vector<20x1xi32>
    %add3A_556 = arith.addi %slice3A_536, %add3A_555 : vector<20x1xi32>
    %eq3A_557 = vector.broadcast %iota3A_114 : vector<1x4096xi32> to vector<20x4096xi32>
    %eq3A_558 = vector.broadcast %add3A_556 : vector<20x1xi32> to vector<20x4096xi32>
    %eq3A_559 = arith.cmpi eq, %eq3A_557, %eq3A_558 : vector<20x4096xi32>
    %convert_element_type3A_560 = arith.extui %eq3A_559 : vector<20x4096xi1> to vector<20x4096xi32>
    %convert_element_type3A_561 = arith.sitofp %convert_element_type3A_560 : vector<20x4096xi32> to vector<20x4096xf32>
    %sub3A_562 = arith.constant 1.000000e+00 : f32
    %sub3A_563 = vector.broadcast %sub3A_562 : f32 to vector<20x1xf32>
    %sub3A_564 = arith.subf %sub3A_563, %slice3A_537 : vector<20x1xf32>
    %mul3A_565 = arith.mulf %sub3A_564, %slice3A_538 : vector<20x1xf32>
    %mul3A_566 = vector.broadcast %mul3A_565 : vector<20x1xf32> to vector<20x4096xf32>
    %mul3A_567 = arith.mulf %convert_element_type3A_561, %mul3A_566 : vector<20x4096xf32>
    %add3A_568 = arith.addf %add3A_553, %mul3A_567 : vector<20x4096xf32>
    %add3A_569 = arith.constant 64 : i32
    %add3A_570 = vector.broadcast %add3A_569 : i32 to vector<20x1xi32>
    %add3A_571 = arith.addi %slice3A_536, %add3A_570 : vector<20x1xi32>
    %eq3A_572 = vector.broadcast %iota3A_114 : vector<1x4096xi32> to vector<20x4096xi32>
    %eq3A_573 = vector.broadcast %add3A_571 : vector<20x1xi32> to vector<20x4096xi32>
    %eq3A_574 = arith.cmpi eq, %eq3A_572, %eq3A_573 : vector<20x4096xi32>
    %convert_element_type3A_575 = arith.extui %eq3A_574 : vector<20x4096xi1> to vector<20x4096xi32>
    %convert_element_type3A_576 = arith.sitofp %convert_element_type3A_575 : vector<20x4096xi32> to vector<20x4096xf32>
    %sub3A_577 = arith.constant 1.000000e+00 : f32
    %sub3A_578 = vector.broadcast %sub3A_577 : f32 to vector<20x1xf32>
    %sub3A_579 = arith.subf %sub3A_578, %slice3A_538 : vector<20x1xf32>
    %mul3A_580 = arith.mulf %slice3A_537, %sub3A_579 : vector<20x1xf32>
    %mul3A_581 = vector.broadcast %mul3A_580 : vector<20x1xf32> to vector<20x4096xf32>
    %mul3A_582 = arith.mulf %convert_element_type3A_576, %mul3A_581 : vector<20x4096xf32>
    %add3A_583 = arith.addf %add3A_568, %mul3A_582 : vector<20x4096xf32>
    %add3A_584 = arith.constant 65 : i32
    %add3A_585 = vector.broadcast %add3A_584 : i32 to vector<20x1xi32>
    %add3A_586 = arith.addi %slice3A_536, %add3A_585 : vector<20x1xi32>
    %eq3A_587 = vector.broadcast %iota3A_114 : vector<1x4096xi32> to vector<20x4096xi32>
    %eq3A_588 = vector.broadcast %add3A_586 : vector<20x1xi32> to vector<20x4096xi32>
    %eq3A_589 = arith.cmpi eq, %eq3A_587, %eq3A_588 : vector<20x4096xi32>
    %convert_element_type3A_590 = arith.extui %eq3A_589 : vector<20x4096xi1> to vector<20x4096xi32>
    %convert_element_type3A_591 = arith.sitofp %convert_element_type3A_590 : vector<20x4096xi32> to vector<20x4096xf32>
    %mul3A_592 = arith.mulf %slice3A_537, %slice3A_538 : vector<20x1xf32>
    %mul3A_593 = vector.broadcast %mul3A_592 : vector<20x1xf32> to vector<20x4096xf32>
    %mul3A_594 = arith.mulf %convert_element_type3A_591, %mul3A_593 : vector<20x4096xf32>
    %add3A_595 = arith.addf %add3A_583, %mul3A_594 : vector<20x4096xf32>
    %slice3A_596 = vector.extract_strided_slice %add3A_113 {offsets = [0, 8], sizes = [20, 1], strides = [1, 1]} : vector<20x49xi32> to vector<20x1xi32>
    %slice3A_597 = vector.extract_strided_slice %min3A_100 {offsets = [0, 8], sizes = [20, 1], strides = [1, 1]} : vector<20x49xf32> to vector<20x1xf32>
    %slice3A_598 = vector.extract_strided_slice %min3A_107 {offsets = [0, 8], sizes = [20, 1], strides = [1, 1]} : vector<20x49xf32> to vector<20x1xf32>
    %eq3A_599 = vector.broadcast %iota3A_114 : vector<1x4096xi32> to vector<20x4096xi32>
    %eq3A_600 = vector.broadcast %slice3A_596 : vector<20x1xi32> to vector<20x4096xi32>
    %eq3A_601 = arith.cmpi eq, %eq3A_599, %eq3A_600 : vector<20x4096xi32>
    %convert_element_type3A_602 = arith.extui %eq3A_601 : vector<20x4096xi1> to vector<20x4096xi32>
    %convert_element_type3A_603 = arith.sitofp %convert_element_type3A_602 : vector<20x4096xi32> to vector<20x4096xf32>
    %sub3A_604 = arith.constant 1.000000e+00 : f32
    %sub3A_605 = vector.broadcast %sub3A_604 : f32 to vector<20x1xf32>
    %sub3A_606 = arith.subf %sub3A_605, %slice3A_597 : vector<20x1xf32>
    %sub3A_607 = arith.constant 1.000000e+00 : f32
    %sub3A_608 = vector.broadcast %sub3A_607 : f32 to vector<20x1xf32>
    %sub3A_609 = arith.subf %sub3A_608, %slice3A_598 : vector<20x1xf32>
    %mul3A_610 = arith.mulf %sub3A_606, %sub3A_609 : vector<20x1xf32>
    %mul3A_611 = vector.broadcast %mul3A_610 : vector<20x1xf32> to vector<20x4096xf32>
    %mul3A_612 = arith.mulf %convert_element_type3A_603, %mul3A_611 : vector<20x4096xf32>
    %add3A_613 = arith.addf %add3A_595, %mul3A_612 : vector<20x4096xf32>
    %add3A_614 = arith.constant 1 : i32
    %add3A_615 = vector.broadcast %add3A_614 : i32 to vector<20x1xi32>
    %add3A_616 = arith.addi %slice3A_596, %add3A_615 : vector<20x1xi32>
    %eq3A_617 = vector.broadcast %iota3A_114 : vector<1x4096xi32> to vector<20x4096xi32>
    %eq3A_618 = vector.broadcast %add3A_616 : vector<20x1xi32> to vector<20x4096xi32>
    %eq3A_619 = arith.cmpi eq, %eq3A_617, %eq3A_618 : vector<20x4096xi32>
    %convert_element_type3A_620 = arith.extui %eq3A_619 : vector<20x4096xi1> to vector<20x4096xi32>
    %convert_element_type3A_621 = arith.sitofp %convert_element_type3A_620 : vector<20x4096xi32> to vector<20x4096xf32>
    %sub3A_622 = arith.constant 1.000000e+00 : f32
    %sub3A_623 = vector.broadcast %sub3A_622 : f32 to vector<20x1xf32>
    %sub3A_624 = arith.subf %sub3A_623, %slice3A_597 : vector<20x1xf32>
    %mul3A_625 = arith.mulf %sub3A_624, %slice3A_598 : vector<20x1xf32>
    %mul3A_626 = vector.broadcast %mul3A_625 : vector<20x1xf32> to vector<20x4096xf32>
    %mul3A_627 = arith.mulf %convert_element_type3A_621, %mul3A_626 : vector<20x4096xf32>
    %add3A_628 = arith.addf %add3A_613, %mul3A_627 : vector<20x4096xf32>
    %add3A_629 = arith.constant 64 : i32
    %add3A_630 = vector.broadcast %add3A_629 : i32 to vector<20x1xi32>
    %add3A_631 = arith.addi %slice3A_596, %add3A_630 : vector<20x1xi32>
    %eq3A_632 = vector.broadcast %iota3A_114 : vector<1x4096xi32> to vector<20x4096xi32>
    %eq3A_633 = vector.broadcast %add3A_631 : vector<20x1xi32> to vector<20x4096xi32>
    %eq3A_634 = arith.cmpi eq, %eq3A_632, %eq3A_633 : vector<20x4096xi32>
    %convert_element_type3A_635 = arith.extui %eq3A_634 : vector<20x4096xi1> to vector<20x4096xi32>
    %convert_element_type3A_636 = arith.sitofp %convert_element_type3A_635 : vector<20x4096xi32> to vector<20x4096xf32>
    %sub3A_637 = arith.constant 1.000000e+00 : f32
    %sub3A_638 = vector.broadcast %sub3A_637 : f32 to vector<20x1xf32>
    %sub3A_639 = arith.subf %sub3A_638, %slice3A_598 : vector<20x1xf32>
    %mul3A_640 = arith.mulf %slice3A_597, %sub3A_639 : vector<20x1xf32>
    %mul3A_641 = vector.broadcast %mul3A_640 : vector<20x1xf32> to vector<20x4096xf32>
    %mul3A_642 = arith.mulf %convert_element_type3A_636, %mul3A_641 : vector<20x4096xf32>
    %add3A_643 = arith.addf %add3A_628, %mul3A_642 : vector<20x4096xf32>
    %add3A_644 = arith.constant 65 : i32
    %add3A_645 = vector.broadcast %add3A_644 : i32 to vector<20x1xi32>
    %add3A_646 = arith.addi %slice3A_596, %add3A_645 : vector<20x1xi32>
    %eq3A_647 = vector.broadcast %iota3A_114 : vector<1x4096xi32> to vector<20x4096xi32>
    %eq3A_648 = vector.broadcast %add3A_646 : vector<20x1xi32> to vector<20x4096xi32>
    %eq3A_649 = arith.cmpi eq, %eq3A_647, %eq3A_648 : vector<20x4096xi32>
    %convert_element_type3A_650 = arith.extui %eq3A_649 : vector<20x4096xi1> to vector<20x4096xi32>
    %convert_element_type3A_651 = arith.sitofp %convert_element_type3A_650 : vector<20x4096xi32> to vector<20x4096xf32>
    %mul3A_652 = arith.mulf %slice3A_597, %slice3A_598 : vector<20x1xf32>
    %mul3A_653 = vector.broadcast %mul3A_652 : vector<20x1xf32> to vector<20x4096xf32>
    %mul3A_654 = arith.mulf %convert_element_type3A_651, %mul3A_653 : vector<20x4096xf32>
    %add3A_655 = arith.addf %add3A_643, %mul3A_654 : vector<20x4096xf32>
    %slice3A_656 = vector.extract_strided_slice %add3A_113 {offsets = [0, 9], sizes = [20, 1], strides = [1, 1]} : vector<20x49xi32> to vector<20x1xi32>
    %slice3A_657 = vector.extract_strided_slice %min3A_100 {offsets = [0, 9], sizes = [20, 1], strides = [1, 1]} : vector<20x49xf32> to vector<20x1xf32>
    %slice3A_658 = vector.extract_strided_slice %min3A_107 {offsets = [0, 9], sizes = [20, 1], strides = [1, 1]} : vector<20x49xf32> to vector<20x1xf32>
    %eq3A_659 = vector.broadcast %iota3A_114 : vector<1x4096xi32> to vector<20x4096xi32>
    %eq3A_660 = vector.broadcast %slice3A_656 : vector<20x1xi32> to vector<20x4096xi32>
    %eq3A_661 = arith.cmpi eq, %eq3A_659, %eq3A_660 : vector<20x4096xi32>
    %convert_element_type3A_662 = arith.extui %eq3A_661 : vector<20x4096xi1> to vector<20x4096xi32>
    %convert_element_type3A_663 = arith.sitofp %convert_element_type3A_662 : vector<20x4096xi32> to vector<20x4096xf32>
    %sub3A_664 = arith.constant 1.000000e+00 : f32
    %sub3A_665 = vector.broadcast %sub3A_664 : f32 to vector<20x1xf32>
    %sub3A_666 = arith.subf %sub3A_665, %slice3A_657 : vector<20x1xf32>
    %sub3A_667 = arith.constant 1.000000e+00 : f32
    %sub3A_668 = vector.broadcast %sub3A_667 : f32 to vector<20x1xf32>
    %sub3A_669 = arith.subf %sub3A_668, %slice3A_658 : vector<20x1xf32>
    %mul3A_670 = arith.mulf %sub3A_666, %sub3A_669 : vector<20x1xf32>
    %mul3A_671 = vector.broadcast %mul3A_670 : vector<20x1xf32> to vector<20x4096xf32>
    %mul3A_672 = arith.mulf %convert_element_type3A_663, %mul3A_671 : vector<20x4096xf32>
    %add3A_673 = arith.addf %add3A_655, %mul3A_672 : vector<20x4096xf32>
    %add3A_674 = arith.constant 1 : i32
    %add3A_675 = vector.broadcast %add3A_674 : i32 to vector<20x1xi32>
    %add3A_676 = arith.addi %slice3A_656, %add3A_675 : vector<20x1xi32>
    %eq3A_677 = vector.broadcast %iota3A_114 : vector<1x4096xi32> to vector<20x4096xi32>
    %eq3A_678 = vector.broadcast %add3A_676 : vector<20x1xi32> to vector<20x4096xi32>
    %eq3A_679 = arith.cmpi eq, %eq3A_677, %eq3A_678 : vector<20x4096xi32>
    %convert_element_type3A_680 = arith.extui %eq3A_679 : vector<20x4096xi1> to vector<20x4096xi32>
    %convert_element_type3A_681 = arith.sitofp %convert_element_type3A_680 : vector<20x4096xi32> to vector<20x4096xf32>
    %sub3A_682 = arith.constant 1.000000e+00 : f32
    %sub3A_683 = vector.broadcast %sub3A_682 : f32 to vector<20x1xf32>
    %sub3A_684 = arith.subf %sub3A_683, %slice3A_657 : vector<20x1xf32>
    %mul3A_685 = arith.mulf %sub3A_684, %slice3A_658 : vector<20x1xf32>
    %mul3A_686 = vector.broadcast %mul3A_685 : vector<20x1xf32> to vector<20x4096xf32>
    %mul3A_687 = arith.mulf %convert_element_type3A_681, %mul3A_686 : vector<20x4096xf32>
    %add3A_688 = arith.addf %add3A_673, %mul3A_687 : vector<20x4096xf32>
    %add3A_689 = arith.constant 64 : i32
    %add3A_690 = vector.broadcast %add3A_689 : i32 to vector<20x1xi32>
    %add3A_691 = arith.addi %slice3A_656, %add3A_690 : vector<20x1xi32>
    %eq3A_692 = vector.broadcast %iota3A_114 : vector<1x4096xi32> to vector<20x4096xi32>
    %eq3A_693 = vector.broadcast %add3A_691 : vector<20x1xi32> to vector<20x4096xi32>
    %eq3A_694 = arith.cmpi eq, %eq3A_692, %eq3A_693 : vector<20x4096xi32>
    %convert_element_type3A_695 = arith.extui %eq3A_694 : vector<20x4096xi1> to vector<20x4096xi32>
    %convert_element_type3A_696 = arith.sitofp %convert_element_type3A_695 : vector<20x4096xi32> to vector<20x4096xf32>
    %sub3A_697 = arith.constant 1.000000e+00 : f32
    %sub3A_698 = vector.broadcast %sub3A_697 : f32 to vector<20x1xf32>
    %sub3A_699 = arith.subf %sub3A_698, %slice3A_658 : vector<20x1xf32>
    %mul3A_700 = arith.mulf %slice3A_657, %sub3A_699 : vector<20x1xf32>
    %mul3A_701 = vector.broadcast %mul3A_700 : vector<20x1xf32> to vector<20x4096xf32>
    %mul3A_702 = arith.mulf %convert_element_type3A_696, %mul3A_701 : vector<20x4096xf32>
    %add3A_703 = arith.addf %add3A_688, %mul3A_702 : vector<20x4096xf32>
    %add3A_704 = arith.constant 65 : i32
    %add3A_705 = vector.broadcast %add3A_704 : i32 to vector<20x1xi32>
    %add3A_706 = arith.addi %slice3A_656, %add3A_705 : vector<20x1xi32>
    %eq3A_707 = vector.broadcast %iota3A_114 : vector<1x4096xi32> to vector<20x4096xi32>
    %eq3A_708 = vector.broadcast %add3A_706 : vector<20x1xi32> to vector<20x4096xi32>
    %eq3A_709 = arith.cmpi eq, %eq3A_707, %eq3A_708 : vector<20x4096xi32>
    %convert_element_type3A_710 = arith.extui %eq3A_709 : vector<20x4096xi1> to vector<20x4096xi32>
    %convert_element_type3A_711 = arith.sitofp %convert_element_type3A_710 : vector<20x4096xi32> to vector<20x4096xf32>
    %mul3A_712 = arith.mulf %slice3A_657, %slice3A_658 : vector<20x1xf32>
    %mul3A_713 = vector.broadcast %mul3A_712 : vector<20x1xf32> to vector<20x4096xf32>
    %mul3A_714 = arith.mulf %convert_element_type3A_711, %mul3A_713 : vector<20x4096xf32>
    %add3A_715 = arith.addf %add3A_703, %mul3A_714 : vector<20x4096xf32>
    %slice3A_716 = vector.extract_strided_slice %add3A_113 {offsets = [0, 10], sizes = [20, 1], strides = [1, 1]} : vector<20x49xi32> to vector<20x1xi32>
    %slice3A_717 = vector.extract_strided_slice %min3A_100 {offsets = [0, 10], sizes = [20, 1], strides = [1, 1]} : vector<20x49xf32> to vector<20x1xf32>
    %slice3A_718 = vector.extract_strided_slice %min3A_107 {offsets = [0, 10], sizes = [20, 1], strides = [1, 1]} : vector<20x49xf32> to vector<20x1xf32>
    %eq3A_719 = vector.broadcast %iota3A_114 : vector<1x4096xi32> to vector<20x4096xi32>
    %eq3A_720 = vector.broadcast %slice3A_716 : vector<20x1xi32> to vector<20x4096xi32>
    %eq3A_721 = arith.cmpi eq, %eq3A_719, %eq3A_720 : vector<20x4096xi32>
    %convert_element_type3A_722 = arith.extui %eq3A_721 : vector<20x4096xi1> to vector<20x4096xi32>
    %convert_element_type3A_723 = arith.sitofp %convert_element_type3A_722 : vector<20x4096xi32> to vector<20x4096xf32>
    %sub3A_724 = arith.constant 1.000000e+00 : f32
    %sub3A_725 = vector.broadcast %sub3A_724 : f32 to vector<20x1xf32>
    %sub3A_726 = arith.subf %sub3A_725, %slice3A_717 : vector<20x1xf32>
    %sub3A_727 = arith.constant 1.000000e+00 : f32
    %sub3A_728 = vector.broadcast %sub3A_727 : f32 to vector<20x1xf32>
    %sub3A_729 = arith.subf %sub3A_728, %slice3A_718 : vector<20x1xf32>
    %mul3A_730 = arith.mulf %sub3A_726, %sub3A_729 : vector<20x1xf32>
    %mul3A_731 = vector.broadcast %mul3A_730 : vector<20x1xf32> to vector<20x4096xf32>
    %mul3A_732 = arith.mulf %convert_element_type3A_723, %mul3A_731 : vector<20x4096xf32>
    %add3A_733 = arith.addf %add3A_715, %mul3A_732 : vector<20x4096xf32>
    %add3A_734 = arith.constant 1 : i32
    %add3A_735 = vector.broadcast %add3A_734 : i32 to vector<20x1xi32>
    %add3A_736 = arith.addi %slice3A_716, %add3A_735 : vector<20x1xi32>
    %eq3A_737 = vector.broadcast %iota3A_114 : vector<1x4096xi32> to vector<20x4096xi32>
    %eq3A_738 = vector.broadcast %add3A_736 : vector<20x1xi32> to vector<20x4096xi32>
    %eq3A_739 = arith.cmpi eq, %eq3A_737, %eq3A_738 : vector<20x4096xi32>
    %convert_element_type3A_740 = arith.extui %eq3A_739 : vector<20x4096xi1> to vector<20x4096xi32>
    %convert_element_type3A_741 = arith.sitofp %convert_element_type3A_740 : vector<20x4096xi32> to vector<20x4096xf32>
    %sub3A_742 = arith.constant 1.000000e+00 : f32
    %sub3A_743 = vector.broadcast %sub3A_742 : f32 to vector<20x1xf32>
    %sub3A_744 = arith.subf %sub3A_743, %slice3A_717 : vector<20x1xf32>
    %mul3A_745 = arith.mulf %sub3A_744, %slice3A_718 : vector<20x1xf32>
    %mul3A_746 = vector.broadcast %mul3A_745 : vector<20x1xf32> to vector<20x4096xf32>
    %mul3A_747 = arith.mulf %convert_element_type3A_741, %mul3A_746 : vector<20x4096xf32>
    %add3A_748 = arith.addf %add3A_733, %mul3A_747 : vector<20x4096xf32>
    %add3A_749 = arith.constant 64 : i32
    %add3A_750 = vector.broadcast %add3A_749 : i32 to vector<20x1xi32>
    %add3A_751 = arith.addi %slice3A_716, %add3A_750 : vector<20x1xi32>
    %eq3A_752 = vector.broadcast %iota3A_114 : vector<1x4096xi32> to vector<20x4096xi32>
    %eq3A_753 = vector.broadcast %add3A_751 : vector<20x1xi32> to vector<20x4096xi32>
    %eq3A_754 = arith.cmpi eq, %eq3A_752, %eq3A_753 : vector<20x4096xi32>
    %convert_element_type3A_755 = arith.extui %eq3A_754 : vector<20x4096xi1> to vector<20x4096xi32>
    %convert_element_type3A_756 = arith.sitofp %convert_element_type3A_755 : vector<20x4096xi32> to vector<20x4096xf32>
    %sub3A_757 = arith.constant 1.000000e+00 : f32
    %sub3A_758 = vector.broadcast %sub3A_757 : f32 to vector<20x1xf32>
    %sub3A_759 = arith.subf %sub3A_758, %slice3A_718 : vector<20x1xf32>
    %mul3A_760 = arith.mulf %slice3A_717, %sub3A_759 : vector<20x1xf32>
    %mul3A_761 = vector.broadcast %mul3A_760 : vector<20x1xf32> to vector<20x4096xf32>
    %mul3A_762 = arith.mulf %convert_element_type3A_756, %mul3A_761 : vector<20x4096xf32>
    %add3A_763 = arith.addf %add3A_748, %mul3A_762 : vector<20x4096xf32>
    %add3A_764 = arith.constant 65 : i32
    %add3A_765 = vector.broadcast %add3A_764 : i32 to vector<20x1xi32>
    %add3A_766 = arith.addi %slice3A_716, %add3A_765 : vector<20x1xi32>
    %eq3A_767 = vector.broadcast %iota3A_114 : vector<1x4096xi32> to vector<20x4096xi32>
    %eq3A_768 = vector.broadcast %add3A_766 : vector<20x1xi32> to vector<20x4096xi32>
    %eq3A_769 = arith.cmpi eq, %eq3A_767, %eq3A_768 : vector<20x4096xi32>
    %convert_element_type3A_770 = arith.extui %eq3A_769 : vector<20x4096xi1> to vector<20x4096xi32>
    %convert_element_type3A_771 = arith.sitofp %convert_element_type3A_770 : vector<20x4096xi32> to vector<20x4096xf32>
    %mul3A_772 = arith.mulf %slice3A_717, %slice3A_718 : vector<20x1xf32>
    %mul3A_773 = vector.broadcast %mul3A_772 : vector<20x1xf32> to vector<20x4096xf32>
    %mul3A_774 = arith.mulf %convert_element_type3A_771, %mul3A_773 : vector<20x4096xf32>
    %add3A_775 = arith.addf %add3A_763, %mul3A_774 : vector<20x4096xf32>
    %slice3A_776 = vector.extract_strided_slice %add3A_113 {offsets = [0, 11], sizes = [20, 1], strides = [1, 1]} : vector<20x49xi32> to vector<20x1xi32>
    %slice3A_777 = vector.extract_strided_slice %min3A_100 {offsets = [0, 11], sizes = [20, 1], strides = [1, 1]} : vector<20x49xf32> to vector<20x1xf32>
    %slice3A_778 = vector.extract_strided_slice %min3A_107 {offsets = [0, 11], sizes = [20, 1], strides = [1, 1]} : vector<20x49xf32> to vector<20x1xf32>
    %eq3A_779 = vector.broadcast %iota3A_114 : vector<1x4096xi32> to vector<20x4096xi32>
    %eq3A_780 = vector.broadcast %slice3A_776 : vector<20x1xi32> to vector<20x4096xi32>
    %eq3A_781 = arith.cmpi eq, %eq3A_779, %eq3A_780 : vector<20x4096xi32>
    %convert_element_type3A_782 = arith.extui %eq3A_781 : vector<20x4096xi1> to vector<20x4096xi32>
    %convert_element_type3A_783 = arith.sitofp %convert_element_type3A_782 : vector<20x4096xi32> to vector<20x4096xf32>
    %sub3A_784 = arith.constant 1.000000e+00 : f32
    %sub3A_785 = vector.broadcast %sub3A_784 : f32 to vector<20x1xf32>
    %sub3A_786 = arith.subf %sub3A_785, %slice3A_777 : vector<20x1xf32>
    %sub3A_787 = arith.constant 1.000000e+00 : f32
    %sub3A_788 = vector.broadcast %sub3A_787 : f32 to vector<20x1xf32>
    %sub3A_789 = arith.subf %sub3A_788, %slice3A_778 : vector<20x1xf32>
    %mul3A_790 = arith.mulf %sub3A_786, %sub3A_789 : vector<20x1xf32>
    %mul3A_791 = vector.broadcast %mul3A_790 : vector<20x1xf32> to vector<20x4096xf32>
    %mul3A_792 = arith.mulf %convert_element_type3A_783, %mul3A_791 : vector<20x4096xf32>
    %add3A_793 = arith.addf %add3A_775, %mul3A_792 : vector<20x4096xf32>
    %add3A_794 = arith.constant 1 : i32
    %add3A_795 = vector.broadcast %add3A_794 : i32 to vector<20x1xi32>
    %add3A_796 = arith.addi %slice3A_776, %add3A_795 : vector<20x1xi32>
    %eq3A_797 = vector.broadcast %iota3A_114 : vector<1x4096xi32> to vector<20x4096xi32>
    %eq3A_798 = vector.broadcast %add3A_796 : vector<20x1xi32> to vector<20x4096xi32>
    %eq3A_799 = arith.cmpi eq, %eq3A_797, %eq3A_798 : vector<20x4096xi32>
    %convert_element_type3A_800 = arith.extui %eq3A_799 : vector<20x4096xi1> to vector<20x4096xi32>
    %convert_element_type3A_801 = arith.sitofp %convert_element_type3A_800 : vector<20x4096xi32> to vector<20x4096xf32>
    %sub3A_802 = arith.constant 1.000000e+00 : f32
    %sub3A_803 = vector.broadcast %sub3A_802 : f32 to vector<20x1xf32>
    %sub3A_804 = arith.subf %sub3A_803, %slice3A_777 : vector<20x1xf32>
    %mul3A_805 = arith.mulf %sub3A_804, %slice3A_778 : vector<20x1xf32>
    %mul3A_806 = vector.broadcast %mul3A_805 : vector<20x1xf32> to vector<20x4096xf32>
    %mul3A_807 = arith.mulf %convert_element_type3A_801, %mul3A_806 : vector<20x4096xf32>
    %add3A_808 = arith.addf %add3A_793, %mul3A_807 : vector<20x4096xf32>
    %add3A_809 = arith.constant 64 : i32
    %add3A_810 = vector.broadcast %add3A_809 : i32 to vector<20x1xi32>
    %add3A_811 = arith.addi %slice3A_776, %add3A_810 : vector<20x1xi32>
    %eq3A_812 = vector.broadcast %iota3A_114 : vector<1x4096xi32> to vector<20x4096xi32>
    %eq3A_813 = vector.broadcast %add3A_811 : vector<20x1xi32> to vector<20x4096xi32>
    %eq3A_814 = arith.cmpi eq, %eq3A_812, %eq3A_813 : vector<20x4096xi32>
    %convert_element_type3A_815 = arith.extui %eq3A_814 : vector<20x4096xi1> to vector<20x4096xi32>
    %convert_element_type3A_816 = arith.sitofp %convert_element_type3A_815 : vector<20x4096xi32> to vector<20x4096xf32>
    %sub3A_817 = arith.constant 1.000000e+00 : f32
    %sub3A_818 = vector.broadcast %sub3A_817 : f32 to vector<20x1xf32>
    %sub3A_819 = arith.subf %sub3A_818, %slice3A_778 : vector<20x1xf32>
    %mul3A_820 = arith.mulf %slice3A_777, %sub3A_819 : vector<20x1xf32>
    %mul3A_821 = vector.broadcast %mul3A_820 : vector<20x1xf32> to vector<20x4096xf32>
    %mul3A_822 = arith.mulf %convert_element_type3A_816, %mul3A_821 : vector<20x4096xf32>
    %add3A_823 = arith.addf %add3A_808, %mul3A_822 : vector<20x4096xf32>
    %add3A_824 = arith.constant 65 : i32
    %add3A_825 = vector.broadcast %add3A_824 : i32 to vector<20x1xi32>
    %add3A_826 = arith.addi %slice3A_776, %add3A_825 : vector<20x1xi32>
    %eq3A_827 = vector.broadcast %iota3A_114 : vector<1x4096xi32> to vector<20x4096xi32>
    %eq3A_828 = vector.broadcast %add3A_826 : vector<20x1xi32> to vector<20x4096xi32>
    %eq3A_829 = arith.cmpi eq, %eq3A_827, %eq3A_828 : vector<20x4096xi32>
    %convert_element_type3A_830 = arith.extui %eq3A_829 : vector<20x4096xi1> to vector<20x4096xi32>
    %convert_element_type3A_831 = arith.sitofp %convert_element_type3A_830 : vector<20x4096xi32> to vector<20x4096xf32>
    %mul3A_832 = arith.mulf %slice3A_777, %slice3A_778 : vector<20x1xf32>
    %mul3A_833 = vector.broadcast %mul3A_832 : vector<20x1xf32> to vector<20x4096xf32>
    %mul3A_834 = arith.mulf %convert_element_type3A_831, %mul3A_833 : vector<20x4096xf32>
    %add3A_835 = arith.addf %add3A_823, %mul3A_834 : vector<20x4096xf32>
    %slice3A_836 = vector.extract_strided_slice %add3A_113 {offsets = [0, 12], sizes = [20, 1], strides = [1, 1]} : vector<20x49xi32> to vector<20x1xi32>
    %slice3A_837 = vector.extract_strided_slice %min3A_100 {offsets = [0, 12], sizes = [20, 1], strides = [1, 1]} : vector<20x49xf32> to vector<20x1xf32>
    %slice3A_838 = vector.extract_strided_slice %min3A_107 {offsets = [0, 12], sizes = [20, 1], strides = [1, 1]} : vector<20x49xf32> to vector<20x1xf32>
    %eq3A_839 = vector.broadcast %iota3A_114 : vector<1x4096xi32> to vector<20x4096xi32>
    %eq3A_840 = vector.broadcast %slice3A_836 : vector<20x1xi32> to vector<20x4096xi32>
    %eq3A_841 = arith.cmpi eq, %eq3A_839, %eq3A_840 : vector<20x4096xi32>
    %convert_element_type3A_842 = arith.extui %eq3A_841 : vector<20x4096xi1> to vector<20x4096xi32>
    %convert_element_type3A_843 = arith.sitofp %convert_element_type3A_842 : vector<20x4096xi32> to vector<20x4096xf32>
    %sub3A_844 = arith.constant 1.000000e+00 : f32
    %sub3A_845 = vector.broadcast %sub3A_844 : f32 to vector<20x1xf32>
    %sub3A_846 = arith.subf %sub3A_845, %slice3A_837 : vector<20x1xf32>
    %sub3A_847 = arith.constant 1.000000e+00 : f32
    %sub3A_848 = vector.broadcast %sub3A_847 : f32 to vector<20x1xf32>
    %sub3A_849 = arith.subf %sub3A_848, %slice3A_838 : vector<20x1xf32>
    %mul3A_850 = arith.mulf %sub3A_846, %sub3A_849 : vector<20x1xf32>
    %mul3A_851 = vector.broadcast %mul3A_850 : vector<20x1xf32> to vector<20x4096xf32>
    %mul3A_852 = arith.mulf %convert_element_type3A_843, %mul3A_851 : vector<20x4096xf32>
    %add3A_853 = arith.addf %add3A_835, %mul3A_852 : vector<20x4096xf32>
    %add3A_854 = arith.constant 1 : i32
    %add3A_855 = vector.broadcast %add3A_854 : i32 to vector<20x1xi32>
    %add3A_856 = arith.addi %slice3A_836, %add3A_855 : vector<20x1xi32>
    %eq3A_857 = vector.broadcast %iota3A_114 : vector<1x4096xi32> to vector<20x4096xi32>
    %eq3A_858 = vector.broadcast %add3A_856 : vector<20x1xi32> to vector<20x4096xi32>
    %eq3A_859 = arith.cmpi eq, %eq3A_857, %eq3A_858 : vector<20x4096xi32>
    %convert_element_type3A_860 = arith.extui %eq3A_859 : vector<20x4096xi1> to vector<20x4096xi32>
    %convert_element_type3A_861 = arith.sitofp %convert_element_type3A_860 : vector<20x4096xi32> to vector<20x4096xf32>
    %sub3A_862 = arith.constant 1.000000e+00 : f32
    %sub3A_863 = vector.broadcast %sub3A_862 : f32 to vector<20x1xf32>
    %sub3A_864 = arith.subf %sub3A_863, %slice3A_837 : vector<20x1xf32>
    %mul3A_865 = arith.mulf %sub3A_864, %slice3A_838 : vector<20x1xf32>
    %mul3A_866 = vector.broadcast %mul3A_865 : vector<20x1xf32> to vector<20x4096xf32>
    %mul3A_867 = arith.mulf %convert_element_type3A_861, %mul3A_866 : vector<20x4096xf32>
    %add3A_868 = arith.addf %add3A_853, %mul3A_867 : vector<20x4096xf32>
    %add3A_869 = arith.constant 64 : i32
    %add3A_870 = vector.broadcast %add3A_869 : i32 to vector<20x1xi32>
    %add3A_871 = arith.addi %slice3A_836, %add3A_870 : vector<20x1xi32>
    %eq3A_872 = vector.broadcast %iota3A_114 : vector<1x4096xi32> to vector<20x4096xi32>
    %eq3A_873 = vector.broadcast %add3A_871 : vector<20x1xi32> to vector<20x4096xi32>
    %eq3A_874 = arith.cmpi eq, %eq3A_872, %eq3A_873 : vector<20x4096xi32>
    %convert_element_type3A_875 = arith.extui %eq3A_874 : vector<20x4096xi1> to vector<20x4096xi32>
    %convert_element_type3A_876 = arith.sitofp %convert_element_type3A_875 : vector<20x4096xi32> to vector<20x4096xf32>
    %sub3A_877 = arith.constant 1.000000e+00 : f32
    %sub3A_878 = vector.broadcast %sub3A_877 : f32 to vector<20x1xf32>
    %sub3A_879 = arith.subf %sub3A_878, %slice3A_838 : vector<20x1xf32>
    %mul3A_880 = arith.mulf %slice3A_837, %sub3A_879 : vector<20x1xf32>
    %mul3A_881 = vector.broadcast %mul3A_880 : vector<20x1xf32> to vector<20x4096xf32>
    %mul3A_882 = arith.mulf %convert_element_type3A_876, %mul3A_881 : vector<20x4096xf32>
    %add3A_883 = arith.addf %add3A_868, %mul3A_882 : vector<20x4096xf32>
    %add3A_884 = arith.constant 65 : i32
    %add3A_885 = vector.broadcast %add3A_884 : i32 to vector<20x1xi32>
    %add3A_886 = arith.addi %slice3A_836, %add3A_885 : vector<20x1xi32>
    %eq3A_887 = vector.broadcast %iota3A_114 : vector<1x4096xi32> to vector<20x4096xi32>
    %eq3A_888 = vector.broadcast %add3A_886 : vector<20x1xi32> to vector<20x4096xi32>
    %eq3A_889 = arith.cmpi eq, %eq3A_887, %eq3A_888 : vector<20x4096xi32>
    %convert_element_type3A_890 = arith.extui %eq3A_889 : vector<20x4096xi1> to vector<20x4096xi32>
    %convert_element_type3A_891 = arith.sitofp %convert_element_type3A_890 : vector<20x4096xi32> to vector<20x4096xf32>
    %mul3A_892 = arith.mulf %slice3A_837, %slice3A_838 : vector<20x1xf32>
    %mul3A_893 = vector.broadcast %mul3A_892 : vector<20x1xf32> to vector<20x4096xf32>
    %mul3A_894 = arith.mulf %convert_element_type3A_891, %mul3A_893 : vector<20x4096xf32>
    %add3A_895 = arith.addf %add3A_883, %mul3A_894 : vector<20x4096xf32>
    %slice3A_896 = vector.extract_strided_slice %add3A_113 {offsets = [0, 13], sizes = [20, 1], strides = [1, 1]} : vector<20x49xi32> to vector<20x1xi32>
    %slice3A_897 = vector.extract_strided_slice %min3A_100 {offsets = [0, 13], sizes = [20, 1], strides = [1, 1]} : vector<20x49xf32> to vector<20x1xf32>
    %slice3A_898 = vector.extract_strided_slice %min3A_107 {offsets = [0, 13], sizes = [20, 1], strides = [1, 1]} : vector<20x49xf32> to vector<20x1xf32>
    %eq3A_899 = vector.broadcast %iota3A_114 : vector<1x4096xi32> to vector<20x4096xi32>
    %eq3A_900 = vector.broadcast %slice3A_896 : vector<20x1xi32> to vector<20x4096xi32>
    %eq3A_901 = arith.cmpi eq, %eq3A_899, %eq3A_900 : vector<20x4096xi32>
    %convert_element_type3A_902 = arith.extui %eq3A_901 : vector<20x4096xi1> to vector<20x4096xi32>
    %convert_element_type3A_903 = arith.sitofp %convert_element_type3A_902 : vector<20x4096xi32> to vector<20x4096xf32>
    %sub3A_904 = arith.constant 1.000000e+00 : f32
    %sub3A_905 = vector.broadcast %sub3A_904 : f32 to vector<20x1xf32>
    %sub3A_906 = arith.subf %sub3A_905, %slice3A_897 : vector<20x1xf32>
    %sub3A_907 = arith.constant 1.000000e+00 : f32
    %sub3A_908 = vector.broadcast %sub3A_907 : f32 to vector<20x1xf32>
    %sub3A_909 = arith.subf %sub3A_908, %slice3A_898 : vector<20x1xf32>
    %mul3A_910 = arith.mulf %sub3A_906, %sub3A_909 : vector<20x1xf32>
    %mul3A_911 = vector.broadcast %mul3A_910 : vector<20x1xf32> to vector<20x4096xf32>
    %mul3A_912 = arith.mulf %convert_element_type3A_903, %mul3A_911 : vector<20x4096xf32>
    %add3A_913 = arith.addf %add3A_895, %mul3A_912 : vector<20x4096xf32>
    %add3A_914 = arith.constant 1 : i32
    %add3A_915 = vector.broadcast %add3A_914 : i32 to vector<20x1xi32>
    %add3A_916 = arith.addi %slice3A_896, %add3A_915 : vector<20x1xi32>
    %eq3A_917 = vector.broadcast %iota3A_114 : vector<1x4096xi32> to vector<20x4096xi32>
    %eq3A_918 = vector.broadcast %add3A_916 : vector<20x1xi32> to vector<20x4096xi32>
    %eq3A_919 = arith.cmpi eq, %eq3A_917, %eq3A_918 : vector<20x4096xi32>
    %convert_element_type3A_920 = arith.extui %eq3A_919 : vector<20x4096xi1> to vector<20x4096xi32>
    %convert_element_type3A_921 = arith.sitofp %convert_element_type3A_920 : vector<20x4096xi32> to vector<20x4096xf32>
    %sub3A_922 = arith.constant 1.000000e+00 : f32
    %sub3A_923 = vector.broadcast %sub3A_922 : f32 to vector<20x1xf32>
    %sub3A_924 = arith.subf %sub3A_923, %slice3A_897 : vector<20x1xf32>
    %mul3A_925 = arith.mulf %sub3A_924, %slice3A_898 : vector<20x1xf32>
    %mul3A_926 = vector.broadcast %mul3A_925 : vector<20x1xf32> to vector<20x4096xf32>
    %mul3A_927 = arith.mulf %convert_element_type3A_921, %mul3A_926 : vector<20x4096xf32>
    %add3A_928 = arith.addf %add3A_913, %mul3A_927 : vector<20x4096xf32>
    %add3A_929 = arith.constant 64 : i32
    %add3A_930 = vector.broadcast %add3A_929 : i32 to vector<20x1xi32>
    %add3A_931 = arith.addi %slice3A_896, %add3A_930 : vector<20x1xi32>
    %eq3A_932 = vector.broadcast %iota3A_114 : vector<1x4096xi32> to vector<20x4096xi32>
    %eq3A_933 = vector.broadcast %add3A_931 : vector<20x1xi32> to vector<20x4096xi32>
    %eq3A_934 = arith.cmpi eq, %eq3A_932, %eq3A_933 : vector<20x4096xi32>
    %convert_element_type3A_935 = arith.extui %eq3A_934 : vector<20x4096xi1> to vector<20x4096xi32>
    %convert_element_type3A_936 = arith.sitofp %convert_element_type3A_935 : vector<20x4096xi32> to vector<20x4096xf32>
    %sub3A_937 = arith.constant 1.000000e+00 : f32
    %sub3A_938 = vector.broadcast %sub3A_937 : f32 to vector<20x1xf32>
    %sub3A_939 = arith.subf %sub3A_938, %slice3A_898 : vector<20x1xf32>
    %mul3A_940 = arith.mulf %slice3A_897, %sub3A_939 : vector<20x1xf32>
    %mul3A_941 = vector.broadcast %mul3A_940 : vector<20x1xf32> to vector<20x4096xf32>
    %mul3A_942 = arith.mulf %convert_element_type3A_936, %mul3A_941 : vector<20x4096xf32>
    %add3A_943 = arith.addf %add3A_928, %mul3A_942 : vector<20x4096xf32>
    %add3A_944 = arith.constant 65 : i32
    %add3A_945 = vector.broadcast %add3A_944 : i32 to vector<20x1xi32>
    %add3A_946 = arith.addi %slice3A_896, %add3A_945 : vector<20x1xi32>
    %eq3A_947 = vector.broadcast %iota3A_114 : vector<1x4096xi32> to vector<20x4096xi32>
    %eq3A_948 = vector.broadcast %add3A_946 : vector<20x1xi32> to vector<20x4096xi32>
    %eq3A_949 = arith.cmpi eq, %eq3A_947, %eq3A_948 : vector<20x4096xi32>
    %convert_element_type3A_950 = arith.extui %eq3A_949 : vector<20x4096xi1> to vector<20x4096xi32>
    %convert_element_type3A_951 = arith.sitofp %convert_element_type3A_950 : vector<20x4096xi32> to vector<20x4096xf32>
    %mul3A_952 = arith.mulf %slice3A_897, %slice3A_898 : vector<20x1xf32>
    %mul3A_953 = vector.broadcast %mul3A_952 : vector<20x1xf32> to vector<20x4096xf32>
    %mul3A_954 = arith.mulf %convert_element_type3A_951, %mul3A_953 : vector<20x4096xf32>
    %add3A_955 = arith.addf %add3A_943, %mul3A_954 : vector<20x4096xf32>
    %slice3A_956 = vector.extract_strided_slice %add3A_113 {offsets = [0, 14], sizes = [20, 1], strides = [1, 1]} : vector<20x49xi32> to vector<20x1xi32>
    %slice3A_957 = vector.extract_strided_slice %min3A_100 {offsets = [0, 14], sizes = [20, 1], strides = [1, 1]} : vector<20x49xf32> to vector<20x1xf32>
    %slice3A_958 = vector.extract_strided_slice %min3A_107 {offsets = [0, 14], sizes = [20, 1], strides = [1, 1]} : vector<20x49xf32> to vector<20x1xf32>
    %eq3A_959 = vector.broadcast %iota3A_114 : vector<1x4096xi32> to vector<20x4096xi32>
    %eq3A_960 = vector.broadcast %slice3A_956 : vector<20x1xi32> to vector<20x4096xi32>
    %eq3A_961 = arith.cmpi eq, %eq3A_959, %eq3A_960 : vector<20x4096xi32>
    %convert_element_type3A_962 = arith.extui %eq3A_961 : vector<20x4096xi1> to vector<20x4096xi32>
    %convert_element_type3A_963 = arith.sitofp %convert_element_type3A_962 : vector<20x4096xi32> to vector<20x4096xf32>
    %sub3A_964 = arith.constant 1.000000e+00 : f32
    %sub3A_965 = vector.broadcast %sub3A_964 : f32 to vector<20x1xf32>
    %sub3A_966 = arith.subf %sub3A_965, %slice3A_957 : vector<20x1xf32>
    %sub3A_967 = arith.constant 1.000000e+00 : f32
    %sub3A_968 = vector.broadcast %sub3A_967 : f32 to vector<20x1xf32>
    %sub3A_969 = arith.subf %sub3A_968, %slice3A_958 : vector<20x1xf32>
    %mul3A_970 = arith.mulf %sub3A_966, %sub3A_969 : vector<20x1xf32>
    %mul3A_971 = vector.broadcast %mul3A_970 : vector<20x1xf32> to vector<20x4096xf32>
    %mul3A_972 = arith.mulf %convert_element_type3A_963, %mul3A_971 : vector<20x4096xf32>
    %add3A_973 = arith.addf %add3A_955, %mul3A_972 : vector<20x4096xf32>
    %add3A_974 = arith.constant 1 : i32
    %add3A_975 = vector.broadcast %add3A_974 : i32 to vector<20x1xi32>
    %add3A_976 = arith.addi %slice3A_956, %add3A_975 : vector<20x1xi32>
    %eq3A_977 = vector.broadcast %iota3A_114 : vector<1x4096xi32> to vector<20x4096xi32>
    %eq3A_978 = vector.broadcast %add3A_976 : vector<20x1xi32> to vector<20x4096xi32>
    %eq3A_979 = arith.cmpi eq, %eq3A_977, %eq3A_978 : vector<20x4096xi32>
    %convert_element_type3A_980 = arith.extui %eq3A_979 : vector<20x4096xi1> to vector<20x4096xi32>
    %convert_element_type3A_981 = arith.sitofp %convert_element_type3A_980 : vector<20x4096xi32> to vector<20x4096xf32>
    %sub3A_982 = arith.constant 1.000000e+00 : f32
    %sub3A_983 = vector.broadcast %sub3A_982 : f32 to vector<20x1xf32>
    %sub3A_984 = arith.subf %sub3A_983, %slice3A_957 : vector<20x1xf32>
    %mul3A_985 = arith.mulf %sub3A_984, %slice3A_958 : vector<20x1xf32>
    %mul3A_986 = vector.broadcast %mul3A_985 : vector<20x1xf32> to vector<20x4096xf32>
    %mul3A_987 = arith.mulf %convert_element_type3A_981, %mul3A_986 : vector<20x4096xf32>
    %add3A_988 = arith.addf %add3A_973, %mul3A_987 : vector<20x4096xf32>
    %add3A_989 = arith.constant 64 : i32
    %add3A_990 = vector.broadcast %add3A_989 : i32 to vector<20x1xi32>
    %add3A_991 = arith.addi %slice3A_956, %add3A_990 : vector<20x1xi32>
    %eq3A_992 = vector.broadcast %iota3A_114 : vector<1x4096xi32> to vector<20x4096xi32>
    %eq3A_993 = vector.broadcast %add3A_991 : vector<20x1xi32> to vector<20x4096xi32>
    %eq3A_994 = arith.cmpi eq, %eq3A_992, %eq3A_993 : vector<20x4096xi32>
    %convert_element_type3A_995 = arith.extui %eq3A_994 : vector<20x4096xi1> to vector<20x4096xi32>
    %convert_element_type3A_996 = arith.sitofp %convert_element_type3A_995 : vector<20x4096xi32> to vector<20x4096xf32>
    %sub3A_997 = arith.constant 1.000000e+00 : f32
    %sub3A_998 = vector.broadcast %sub3A_997 : f32 to vector<20x1xf32>
    %sub3A_999 = arith.subf %sub3A_998, %slice3A_958 : vector<20x1xf32>
    %mul3A_1000 = arith.mulf %slice3A_957, %sub3A_999 : vector<20x1xf32>
    %mul3A_1001 = vector.broadcast %mul3A_1000 : vector<20x1xf32> to vector<20x4096xf32>
    %mul3A_1002 = arith.mulf %convert_element_type3A_996, %mul3A_1001 : vector<20x4096xf32>
    %add3A_1003 = arith.addf %add3A_988, %mul3A_1002 : vector<20x4096xf32>
    %add3A_1004 = arith.constant 65 : i32
    %add3A_1005 = vector.broadcast %add3A_1004 : i32 to vector<20x1xi32>
    %add3A_1006 = arith.addi %slice3A_956, %add3A_1005 : vector<20x1xi32>
    %eq3A_1007 = vector.broadcast %iota3A_114 : vector<1x4096xi32> to vector<20x4096xi32>
    %eq3A_1008 = vector.broadcast %add3A_1006 : vector<20x1xi32> to vector<20x4096xi32>
    %eq3A_1009 = arith.cmpi eq, %eq3A_1007, %eq3A_1008 : vector<20x4096xi32>
    %convert_element_type3A_1010 = arith.extui %eq3A_1009 : vector<20x4096xi1> to vector<20x4096xi32>
    %convert_element_type3A_1011 = arith.sitofp %convert_element_type3A_1010 : vector<20x4096xi32> to vector<20x4096xf32>
    %mul3A_1012 = arith.mulf %slice3A_957, %slice3A_958 : vector<20x1xf32>
    %mul3A_1013 = vector.broadcast %mul3A_1012 : vector<20x1xf32> to vector<20x4096xf32>
    %mul3A_1014 = arith.mulf %convert_element_type3A_1011, %mul3A_1013 : vector<20x4096xf32>
    %add3A_1015 = arith.addf %add3A_1003, %mul3A_1014 : vector<20x4096xf32>
    %slice3A_1016 = vector.extract_strided_slice %add3A_113 {offsets = [0, 15], sizes = [20, 1], strides = [1, 1]} : vector<20x49xi32> to vector<20x1xi32>
    %slice3A_1017 = vector.extract_strided_slice %min3A_100 {offsets = [0, 15], sizes = [20, 1], strides = [1, 1]} : vector<20x49xf32> to vector<20x1xf32>
    %slice3A_1018 = vector.extract_strided_slice %min3A_107 {offsets = [0, 15], sizes = [20, 1], strides = [1, 1]} : vector<20x49xf32> to vector<20x1xf32>
    %eq3A_1019 = vector.broadcast %iota3A_114 : vector<1x4096xi32> to vector<20x4096xi32>
    %eq3A_1020 = vector.broadcast %slice3A_1016 : vector<20x1xi32> to vector<20x4096xi32>
    %eq3A_1021 = arith.cmpi eq, %eq3A_1019, %eq3A_1020 : vector<20x4096xi32>
    %convert_element_type3A_1022 = arith.extui %eq3A_1021 : vector<20x4096xi1> to vector<20x4096xi32>
    %convert_element_type3A_1023 = arith.sitofp %convert_element_type3A_1022 : vector<20x4096xi32> to vector<20x4096xf32>
    %sub3A_1024 = arith.constant 1.000000e+00 : f32
    %sub3A_1025 = vector.broadcast %sub3A_1024 : f32 to vector<20x1xf32>
    %sub3A_1026 = arith.subf %sub3A_1025, %slice3A_1017 : vector<20x1xf32>
    %sub3A_1027 = arith.constant 1.000000e+00 : f32
    %sub3A_1028 = vector.broadcast %sub3A_1027 : f32 to vector<20x1xf32>
    %sub3A_1029 = arith.subf %sub3A_1028, %slice3A_1018 : vector<20x1xf32>
    %mul3A_1030 = arith.mulf %sub3A_1026, %sub3A_1029 : vector<20x1xf32>
    %mul3A_1031 = vector.broadcast %mul3A_1030 : vector<20x1xf32> to vector<20x4096xf32>
    %mul3A_1032 = arith.mulf %convert_element_type3A_1023, %mul3A_1031 : vector<20x4096xf32>
    %add3A_1033 = arith.addf %add3A_1015, %mul3A_1032 : vector<20x4096xf32>
    %add3A_1034 = arith.constant 1 : i32
    %add3A_1035 = vector.broadcast %add3A_1034 : i32 to vector<20x1xi32>
    %add3A_1036 = arith.addi %slice3A_1016, %add3A_1035 : vector<20x1xi32>
    %eq3A_1037 = vector.broadcast %iota3A_114 : vector<1x4096xi32> to vector<20x4096xi32>
    %eq3A_1038 = vector.broadcast %add3A_1036 : vector<20x1xi32> to vector<20x4096xi32>
    %eq3A_1039 = arith.cmpi eq, %eq3A_1037, %eq3A_1038 : vector<20x4096xi32>
    %convert_element_type3A_1040 = arith.extui %eq3A_1039 : vector<20x4096xi1> to vector<20x4096xi32>
    %convert_element_type3A_1041 = arith.sitofp %convert_element_type3A_1040 : vector<20x4096xi32> to vector<20x4096xf32>
    %sub3A_1042 = arith.constant 1.000000e+00 : f32
    %sub3A_1043 = vector.broadcast %sub3A_1042 : f32 to vector<20x1xf32>
    %sub3A_1044 = arith.subf %sub3A_1043, %slice3A_1017 : vector<20x1xf32>
    %mul3A_1045 = arith.mulf %sub3A_1044, %slice3A_1018 : vector<20x1xf32>
    %mul3A_1046 = vector.broadcast %mul3A_1045 : vector<20x1xf32> to vector<20x4096xf32>
    %mul3A_1047 = arith.mulf %convert_element_type3A_1041, %mul3A_1046 : vector<20x4096xf32>
    %add3A_1048 = arith.addf %add3A_1033, %mul3A_1047 : vector<20x4096xf32>
    %add3A_1049 = arith.constant 64 : i32
    %add3A_1050 = vector.broadcast %add3A_1049 : i32 to vector<20x1xi32>
    %add3A_1051 = arith.addi %slice3A_1016, %add3A_1050 : vector<20x1xi32>
    %eq3A_1052 = vector.broadcast %iota3A_114 : vector<1x4096xi32> to vector<20x4096xi32>
    %eq3A_1053 = vector.broadcast %add3A_1051 : vector<20x1xi32> to vector<20x4096xi32>
    %eq3A_1054 = arith.cmpi eq, %eq3A_1052, %eq3A_1053 : vector<20x4096xi32>
    %convert_element_type3A_1055 = arith.extui %eq3A_1054 : vector<20x4096xi1> to vector<20x4096xi32>
    %convert_element_type3A_1056 = arith.sitofp %convert_element_type3A_1055 : vector<20x4096xi32> to vector<20x4096xf32>
    %sub3A_1057 = arith.constant 1.000000e+00 : f32
    %sub3A_1058 = vector.broadcast %sub3A_1057 : f32 to vector<20x1xf32>
    %sub3A_1059 = arith.subf %sub3A_1058, %slice3A_1018 : vector<20x1xf32>
    %mul3A_1060 = arith.mulf %slice3A_1017, %sub3A_1059 : vector<20x1xf32>
    %mul3A_1061 = vector.broadcast %mul3A_1060 : vector<20x1xf32> to vector<20x4096xf32>
    %mul3A_1062 = arith.mulf %convert_element_type3A_1056, %mul3A_1061 : vector<20x4096xf32>
    %add3A_1063 = arith.addf %add3A_1048, %mul3A_1062 : vector<20x4096xf32>
    %add3A_1064 = arith.constant 65 : i32
    %add3A_1065 = vector.broadcast %add3A_1064 : i32 to vector<20x1xi32>
    %add3A_1066 = arith.addi %slice3A_1016, %add3A_1065 : vector<20x1xi32>
    %eq3A_1067 = vector.broadcast %iota3A_114 : vector<1x4096xi32> to vector<20x4096xi32>
    %eq3A_1068 = vector.broadcast %add3A_1066 : vector<20x1xi32> to vector<20x4096xi32>
    %eq3A_1069 = arith.cmpi eq, %eq3A_1067, %eq3A_1068 : vector<20x4096xi32>
    %convert_element_type3A_1070 = arith.extui %eq3A_1069 : vector<20x4096xi1> to vector<20x4096xi32>
    %convert_element_type3A_1071 = arith.sitofp %convert_element_type3A_1070 : vector<20x4096xi32> to vector<20x4096xf32>
    %mul3A_1072 = arith.mulf %slice3A_1017, %slice3A_1018 : vector<20x1xf32>
    %mul3A_1073 = vector.broadcast %mul3A_1072 : vector<20x1xf32> to vector<20x4096xf32>
    %mul3A_1074 = arith.mulf %convert_element_type3A_1071, %mul3A_1073 : vector<20x4096xf32>
    %add3A_1075 = arith.addf %add3A_1063, %mul3A_1074 : vector<20x4096xf32>
    %slice3A_1076 = vector.extract_strided_slice %add3A_113 {offsets = [0, 16], sizes = [20, 1], strides = [1, 1]} : vector<20x49xi32> to vector<20x1xi32>
    %slice3A_1077 = vector.extract_strided_slice %min3A_100 {offsets = [0, 16], sizes = [20, 1], strides = [1, 1]} : vector<20x49xf32> to vector<20x1xf32>
    %slice3A_1078 = vector.extract_strided_slice %min3A_107 {offsets = [0, 16], sizes = [20, 1], strides = [1, 1]} : vector<20x49xf32> to vector<20x1xf32>
    %eq3A_1079 = vector.broadcast %iota3A_114 : vector<1x4096xi32> to vector<20x4096xi32>
    %eq3A_1080 = vector.broadcast %slice3A_1076 : vector<20x1xi32> to vector<20x4096xi32>
    %eq3A_1081 = arith.cmpi eq, %eq3A_1079, %eq3A_1080 : vector<20x4096xi32>
    %convert_element_type3A_1082 = arith.extui %eq3A_1081 : vector<20x4096xi1> to vector<20x4096xi32>
    %convert_element_type3A_1083 = arith.sitofp %convert_element_type3A_1082 : vector<20x4096xi32> to vector<20x4096xf32>
    %sub3A_1084 = arith.constant 1.000000e+00 : f32
    %sub3A_1085 = vector.broadcast %sub3A_1084 : f32 to vector<20x1xf32>
    %sub3A_1086 = arith.subf %sub3A_1085, %slice3A_1077 : vector<20x1xf32>
    %sub3A_1087 = arith.constant 1.000000e+00 : f32
    %sub3A_1088 = vector.broadcast %sub3A_1087 : f32 to vector<20x1xf32>
    %sub3A_1089 = arith.subf %sub3A_1088, %slice3A_1078 : vector<20x1xf32>
    %mul3A_1090 = arith.mulf %sub3A_1086, %sub3A_1089 : vector<20x1xf32>
    %mul3A_1091 = vector.broadcast %mul3A_1090 : vector<20x1xf32> to vector<20x4096xf32>
    %mul3A_1092 = arith.mulf %convert_element_type3A_1083, %mul3A_1091 : vector<20x4096xf32>
    %add3A_1093 = arith.addf %add3A_1075, %mul3A_1092 : vector<20x4096xf32>
    %add3A_1094 = arith.constant 1 : i32
    %add3A_1095 = vector.broadcast %add3A_1094 : i32 to vector<20x1xi32>
    %add3A_1096 = arith.addi %slice3A_1076, %add3A_1095 : vector<20x1xi32>
    %eq3A_1097 = vector.broadcast %iota3A_114 : vector<1x4096xi32> to vector<20x4096xi32>
    %eq3A_1098 = vector.broadcast %add3A_1096 : vector<20x1xi32> to vector<20x4096xi32>
    %eq3A_1099 = arith.cmpi eq, %eq3A_1097, %eq3A_1098 : vector<20x4096xi32>
    %convert_element_type3A_1100 = arith.extui %eq3A_1099 : vector<20x4096xi1> to vector<20x4096xi32>
    %convert_element_type3A_1101 = arith.sitofp %convert_element_type3A_1100 : vector<20x4096xi32> to vector<20x4096xf32>
    %sub3A_1102 = arith.constant 1.000000e+00 : f32
    %sub3A_1103 = vector.broadcast %sub3A_1102 : f32 to vector<20x1xf32>
    %sub3A_1104 = arith.subf %sub3A_1103, %slice3A_1077 : vector<20x1xf32>
    %mul3A_1105 = arith.mulf %sub3A_1104, %slice3A_1078 : vector<20x1xf32>
    %mul3A_1106 = vector.broadcast %mul3A_1105 : vector<20x1xf32> to vector<20x4096xf32>
    %mul3A_1107 = arith.mulf %convert_element_type3A_1101, %mul3A_1106 : vector<20x4096xf32>
    %add3A_1108 = arith.addf %add3A_1093, %mul3A_1107 : vector<20x4096xf32>
    %add3A_1109 = arith.constant 64 : i32
    %add3A_1110 = vector.broadcast %add3A_1109 : i32 to vector<20x1xi32>
    %add3A_1111 = arith.addi %slice3A_1076, %add3A_1110 : vector<20x1xi32>
    %eq3A_1112 = vector.broadcast %iota3A_114 : vector<1x4096xi32> to vector<20x4096xi32>
    %eq3A_1113 = vector.broadcast %add3A_1111 : vector<20x1xi32> to vector<20x4096xi32>
    %eq3A_1114 = arith.cmpi eq, %eq3A_1112, %eq3A_1113 : vector<20x4096xi32>
    %convert_element_type3A_1115 = arith.extui %eq3A_1114 : vector<20x4096xi1> to vector<20x4096xi32>
    %convert_element_type3A_1116 = arith.sitofp %convert_element_type3A_1115 : vector<20x4096xi32> to vector<20x4096xf32>
    %sub3A_1117 = arith.constant 1.000000e+00 : f32
    %sub3A_1118 = vector.broadcast %sub3A_1117 : f32 to vector<20x1xf32>
    %sub3A_1119 = arith.subf %sub3A_1118, %slice3A_1078 : vector<20x1xf32>
    %mul3A_1120 = arith.mulf %slice3A_1077, %sub3A_1119 : vector<20x1xf32>
    %mul3A_1121 = vector.broadcast %mul3A_1120 : vector<20x1xf32> to vector<20x4096xf32>
    %mul3A_1122 = arith.mulf %convert_element_type3A_1116, %mul3A_1121 : vector<20x4096xf32>
    %add3A_1123 = arith.addf %add3A_1108, %mul3A_1122 : vector<20x4096xf32>
    %add3A_1124 = arith.constant 65 : i32
    %add3A_1125 = vector.broadcast %add3A_1124 : i32 to vector<20x1xi32>
    %add3A_1126 = arith.addi %slice3A_1076, %add3A_1125 : vector<20x1xi32>
    %eq3A_1127 = vector.broadcast %iota3A_114 : vector<1x4096xi32> to vector<20x4096xi32>
    %eq3A_1128 = vector.broadcast %add3A_1126 : vector<20x1xi32> to vector<20x4096xi32>
    %eq3A_1129 = arith.cmpi eq, %eq3A_1127, %eq3A_1128 : vector<20x4096xi32>
    %convert_element_type3A_1130 = arith.extui %eq3A_1129 : vector<20x4096xi1> to vector<20x4096xi32>
    %convert_element_type3A_1131 = arith.sitofp %convert_element_type3A_1130 : vector<20x4096xi32> to vector<20x4096xf32>
    %mul3A_1132 = arith.mulf %slice3A_1077, %slice3A_1078 : vector<20x1xf32>
    %mul3A_1133 = vector.broadcast %mul3A_1132 : vector<20x1xf32> to vector<20x4096xf32>
    %mul3A_1134 = arith.mulf %convert_element_type3A_1131, %mul3A_1133 : vector<20x4096xf32>
    %add3A_1135 = arith.addf %add3A_1123, %mul3A_1134 : vector<20x4096xf32>
    %slice3A_1136 = vector.extract_strided_slice %add3A_113 {offsets = [0, 17], sizes = [20, 1], strides = [1, 1]} : vector<20x49xi32> to vector<20x1xi32>
    %slice3A_1137 = vector.extract_strided_slice %min3A_100 {offsets = [0, 17], sizes = [20, 1], strides = [1, 1]} : vector<20x49xf32> to vector<20x1xf32>
    %slice3A_1138 = vector.extract_strided_slice %min3A_107 {offsets = [0, 17], sizes = [20, 1], strides = [1, 1]} : vector<20x49xf32> to vector<20x1xf32>
    %eq3A_1139 = vector.broadcast %iota3A_114 : vector<1x4096xi32> to vector<20x4096xi32>
    %eq3A_1140 = vector.broadcast %slice3A_1136 : vector<20x1xi32> to vector<20x4096xi32>
    %eq3A_1141 = arith.cmpi eq, %eq3A_1139, %eq3A_1140 : vector<20x4096xi32>
    %convert_element_type3A_1142 = arith.extui %eq3A_1141 : vector<20x4096xi1> to vector<20x4096xi32>
    %convert_element_type3A_1143 = arith.sitofp %convert_element_type3A_1142 : vector<20x4096xi32> to vector<20x4096xf32>
    %sub3A_1144 = arith.constant 1.000000e+00 : f32
    %sub3A_1145 = vector.broadcast %sub3A_1144 : f32 to vector<20x1xf32>
    %sub3A_1146 = arith.subf %sub3A_1145, %slice3A_1137 : vector<20x1xf32>
    %sub3A_1147 = arith.constant 1.000000e+00 : f32
    %sub3A_1148 = vector.broadcast %sub3A_1147 : f32 to vector<20x1xf32>
    %sub3A_1149 = arith.subf %sub3A_1148, %slice3A_1138 : vector<20x1xf32>
    %mul3A_1150 = arith.mulf %sub3A_1146, %sub3A_1149 : vector<20x1xf32>
    %mul3A_1151 = vector.broadcast %mul3A_1150 : vector<20x1xf32> to vector<20x4096xf32>
    %mul3A_1152 = arith.mulf %convert_element_type3A_1143, %mul3A_1151 : vector<20x4096xf32>
    %add3A_1153 = arith.addf %add3A_1135, %mul3A_1152 : vector<20x4096xf32>
    %add3A_1154 = arith.constant 1 : i32
    %add3A_1155 = vector.broadcast %add3A_1154 : i32 to vector<20x1xi32>
    %add3A_1156 = arith.addi %slice3A_1136, %add3A_1155 : vector<20x1xi32>
    %eq3A_1157 = vector.broadcast %iota3A_114 : vector<1x4096xi32> to vector<20x4096xi32>
    %eq3A_1158 = vector.broadcast %add3A_1156 : vector<20x1xi32> to vector<20x4096xi32>
    %eq3A_1159 = arith.cmpi eq, %eq3A_1157, %eq3A_1158 : vector<20x4096xi32>
    %convert_element_type3A_1160 = arith.extui %eq3A_1159 : vector<20x4096xi1> to vector<20x4096xi32>
    %convert_element_type3A_1161 = arith.sitofp %convert_element_type3A_1160 : vector<20x4096xi32> to vector<20x4096xf32>
    %sub3A_1162 = arith.constant 1.000000e+00 : f32
    %sub3A_1163 = vector.broadcast %sub3A_1162 : f32 to vector<20x1xf32>
    %sub3A_1164 = arith.subf %sub3A_1163, %slice3A_1137 : vector<20x1xf32>
    %mul3A_1165 = arith.mulf %sub3A_1164, %slice3A_1138 : vector<20x1xf32>
    %mul3A_1166 = vector.broadcast %mul3A_1165 : vector<20x1xf32> to vector<20x4096xf32>
    %mul3A_1167 = arith.mulf %convert_element_type3A_1161, %mul3A_1166 : vector<20x4096xf32>
    %add3A_1168 = arith.addf %add3A_1153, %mul3A_1167 : vector<20x4096xf32>
    %add3A_1169 = arith.constant 64 : i32
    %add3A_1170 = vector.broadcast %add3A_1169 : i32 to vector<20x1xi32>
    %add3A_1171 = arith.addi %slice3A_1136, %add3A_1170 : vector<20x1xi32>
    %eq3A_1172 = vector.broadcast %iota3A_114 : vector<1x4096xi32> to vector<20x4096xi32>
    %eq3A_1173 = vector.broadcast %add3A_1171 : vector<20x1xi32> to vector<20x4096xi32>
    %eq3A_1174 = arith.cmpi eq, %eq3A_1172, %eq3A_1173 : vector<20x4096xi32>
    %convert_element_type3A_1175 = arith.extui %eq3A_1174 : vector<20x4096xi1> to vector<20x4096xi32>
    %convert_element_type3A_1176 = arith.sitofp %convert_element_type3A_1175 : vector<20x4096xi32> to vector<20x4096xf32>
    %sub3A_1177 = arith.constant 1.000000e+00 : f32
    %sub3A_1178 = vector.broadcast %sub3A_1177 : f32 to vector<20x1xf32>
    %sub3A_1179 = arith.subf %sub3A_1178, %slice3A_1138 : vector<20x1xf32>
    %mul3A_1180 = arith.mulf %slice3A_1137, %sub3A_1179 : vector<20x1xf32>
    %mul3A_1181 = vector.broadcast %mul3A_1180 : vector<20x1xf32> to vector<20x4096xf32>
    %mul3A_1182 = arith.mulf %convert_element_type3A_1176, %mul3A_1181 : vector<20x4096xf32>
    %add3A_1183 = arith.addf %add3A_1168, %mul3A_1182 : vector<20x4096xf32>
    %add3A_1184 = arith.constant 65 : i32
    %add3A_1185 = vector.broadcast %add3A_1184 : i32 to vector<20x1xi32>
    %add3A_1186 = arith.addi %slice3A_1136, %add3A_1185 : vector<20x1xi32>
    %eq3A_1187 = vector.broadcast %iota3A_114 : vector<1x4096xi32> to vector<20x4096xi32>
    %eq3A_1188 = vector.broadcast %add3A_1186 : vector<20x1xi32> to vector<20x4096xi32>
    %eq3A_1189 = arith.cmpi eq, %eq3A_1187, %eq3A_1188 : vector<20x4096xi32>
    %convert_element_type3A_1190 = arith.extui %eq3A_1189 : vector<20x4096xi1> to vector<20x4096xi32>
    %convert_element_type3A_1191 = arith.sitofp %convert_element_type3A_1190 : vector<20x4096xi32> to vector<20x4096xf32>
    %mul3A_1192 = arith.mulf %slice3A_1137, %slice3A_1138 : vector<20x1xf32>
    %mul3A_1193 = vector.broadcast %mul3A_1192 : vector<20x1xf32> to vector<20x4096xf32>
    %mul3A_1194 = arith.mulf %convert_element_type3A_1191, %mul3A_1193 : vector<20x4096xf32>
    %add3A_1195 = arith.addf %add3A_1183, %mul3A_1194 : vector<20x4096xf32>
    %slice3A_1196 = vector.extract_strided_slice %add3A_113 {offsets = [0, 18], sizes = [20, 1], strides = [1, 1]} : vector<20x49xi32> to vector<20x1xi32>
    %slice3A_1197 = vector.extract_strided_slice %min3A_100 {offsets = [0, 18], sizes = [20, 1], strides = [1, 1]} : vector<20x49xf32> to vector<20x1xf32>
    %slice3A_1198 = vector.extract_strided_slice %min3A_107 {offsets = [0, 18], sizes = [20, 1], strides = [1, 1]} : vector<20x49xf32> to vector<20x1xf32>
    %eq3A_1199 = vector.broadcast %iota3A_114 : vector<1x4096xi32> to vector<20x4096xi32>
    %eq3A_1200 = vector.broadcast %slice3A_1196 : vector<20x1xi32> to vector<20x4096xi32>
    %eq3A_1201 = arith.cmpi eq, %eq3A_1199, %eq3A_1200 : vector<20x4096xi32>
    %convert_element_type3A_1202 = arith.extui %eq3A_1201 : vector<20x4096xi1> to vector<20x4096xi32>
    %convert_element_type3A_1203 = arith.sitofp %convert_element_type3A_1202 : vector<20x4096xi32> to vector<20x4096xf32>
    %sub3A_1204 = arith.constant 1.000000e+00 : f32
    %sub3A_1205 = vector.broadcast %sub3A_1204 : f32 to vector<20x1xf32>
    %sub3A_1206 = arith.subf %sub3A_1205, %slice3A_1197 : vector<20x1xf32>
    %sub3A_1207 = arith.constant 1.000000e+00 : f32
    %sub3A_1208 = vector.broadcast %sub3A_1207 : f32 to vector<20x1xf32>
    %sub3A_1209 = arith.subf %sub3A_1208, %slice3A_1198 : vector<20x1xf32>
    %mul3A_1210 = arith.mulf %sub3A_1206, %sub3A_1209 : vector<20x1xf32>
    %mul3A_1211 = vector.broadcast %mul3A_1210 : vector<20x1xf32> to vector<20x4096xf32>
    %mul3A_1212 = arith.mulf %convert_element_type3A_1203, %mul3A_1211 : vector<20x4096xf32>
    %add3A_1213 = arith.addf %add3A_1195, %mul3A_1212 : vector<20x4096xf32>
    %add3A_1214 = arith.constant 1 : i32
    %add3A_1215 = vector.broadcast %add3A_1214 : i32 to vector<20x1xi32>
    %add3A_1216 = arith.addi %slice3A_1196, %add3A_1215 : vector<20x1xi32>
    %eq3A_1217 = vector.broadcast %iota3A_114 : vector<1x4096xi32> to vector<20x4096xi32>
    %eq3A_1218 = vector.broadcast %add3A_1216 : vector<20x1xi32> to vector<20x4096xi32>
    %eq3A_1219 = arith.cmpi eq, %eq3A_1217, %eq3A_1218 : vector<20x4096xi32>
    %convert_element_type3A_1220 = arith.extui %eq3A_1219 : vector<20x4096xi1> to vector<20x4096xi32>
    %convert_element_type3A_1221 = arith.sitofp %convert_element_type3A_1220 : vector<20x4096xi32> to vector<20x4096xf32>
    %sub3A_1222 = arith.constant 1.000000e+00 : f32
    %sub3A_1223 = vector.broadcast %sub3A_1222 : f32 to vector<20x1xf32>
    %sub3A_1224 = arith.subf %sub3A_1223, %slice3A_1197 : vector<20x1xf32>
    %mul3A_1225 = arith.mulf %sub3A_1224, %slice3A_1198 : vector<20x1xf32>
    %mul3A_1226 = vector.broadcast %mul3A_1225 : vector<20x1xf32> to vector<20x4096xf32>
    %mul3A_1227 = arith.mulf %convert_element_type3A_1221, %mul3A_1226 : vector<20x4096xf32>
    %add3A_1228 = arith.addf %add3A_1213, %mul3A_1227 : vector<20x4096xf32>
    %add3A_1229 = arith.constant 64 : i32
    %add3A_1230 = vector.broadcast %add3A_1229 : i32 to vector<20x1xi32>
    %add3A_1231 = arith.addi %slice3A_1196, %add3A_1230 : vector<20x1xi32>
    %eq3A_1232 = vector.broadcast %iota3A_114 : vector<1x4096xi32> to vector<20x4096xi32>
    %eq3A_1233 = vector.broadcast %add3A_1231 : vector<20x1xi32> to vector<20x4096xi32>
    %eq3A_1234 = arith.cmpi eq, %eq3A_1232, %eq3A_1233 : vector<20x4096xi32>
    %convert_element_type3A_1235 = arith.extui %eq3A_1234 : vector<20x4096xi1> to vector<20x4096xi32>
    %convert_element_type3A_1236 = arith.sitofp %convert_element_type3A_1235 : vector<20x4096xi32> to vector<20x4096xf32>
    %sub3A_1237 = arith.constant 1.000000e+00 : f32
    %sub3A_1238 = vector.broadcast %sub3A_1237 : f32 to vector<20x1xf32>
    %sub3A_1239 = arith.subf %sub3A_1238, %slice3A_1198 : vector<20x1xf32>
    %mul3A_1240 = arith.mulf %slice3A_1197, %sub3A_1239 : vector<20x1xf32>
    %mul3A_1241 = vector.broadcast %mul3A_1240 : vector<20x1xf32> to vector<20x4096xf32>
    %mul3A_1242 = arith.mulf %convert_element_type3A_1236, %mul3A_1241 : vector<20x4096xf32>
    %add3A_1243 = arith.addf %add3A_1228, %mul3A_1242 : vector<20x4096xf32>
    %add3A_1244 = arith.constant 65 : i32
    %add3A_1245 = vector.broadcast %add3A_1244 : i32 to vector<20x1xi32>
    %add3A_1246 = arith.addi %slice3A_1196, %add3A_1245 : vector<20x1xi32>
    %eq3A_1247 = vector.broadcast %iota3A_114 : vector<1x4096xi32> to vector<20x4096xi32>
    %eq3A_1248 = vector.broadcast %add3A_1246 : vector<20x1xi32> to vector<20x4096xi32>
    %eq3A_1249 = arith.cmpi eq, %eq3A_1247, %eq3A_1248 : vector<20x4096xi32>
    %convert_element_type3A_1250 = arith.extui %eq3A_1249 : vector<20x4096xi1> to vector<20x4096xi32>
    %convert_element_type3A_1251 = arith.sitofp %convert_element_type3A_1250 : vector<20x4096xi32> to vector<20x4096xf32>
    %mul3A_1252 = arith.mulf %slice3A_1197, %slice3A_1198 : vector<20x1xf32>
    %mul3A_1253 = vector.broadcast %mul3A_1252 : vector<20x1xf32> to vector<20x4096xf32>
    %mul3A_1254 = arith.mulf %convert_element_type3A_1251, %mul3A_1253 : vector<20x4096xf32>
    %add3A_1255 = arith.addf %add3A_1243, %mul3A_1254 : vector<20x4096xf32>
    %slice3A_1256 = vector.extract_strided_slice %add3A_113 {offsets = [0, 19], sizes = [20, 1], strides = [1, 1]} : vector<20x49xi32> to vector<20x1xi32>
    %slice3A_1257 = vector.extract_strided_slice %min3A_100 {offsets = [0, 19], sizes = [20, 1], strides = [1, 1]} : vector<20x49xf32> to vector<20x1xf32>
    %slice3A_1258 = vector.extract_strided_slice %min3A_107 {offsets = [0, 19], sizes = [20, 1], strides = [1, 1]} : vector<20x49xf32> to vector<20x1xf32>
    %eq3A_1259 = vector.broadcast %iota3A_114 : vector<1x4096xi32> to vector<20x4096xi32>
    %eq3A_1260 = vector.broadcast %slice3A_1256 : vector<20x1xi32> to vector<20x4096xi32>
    %eq3A_1261 = arith.cmpi eq, %eq3A_1259, %eq3A_1260 : vector<20x4096xi32>
    %convert_element_type3A_1262 = arith.extui %eq3A_1261 : vector<20x4096xi1> to vector<20x4096xi32>
    %convert_element_type3A_1263 = arith.sitofp %convert_element_type3A_1262 : vector<20x4096xi32> to vector<20x4096xf32>
    %sub3A_1264 = arith.constant 1.000000e+00 : f32
    %sub3A_1265 = vector.broadcast %sub3A_1264 : f32 to vector<20x1xf32>
    %sub3A_1266 = arith.subf %sub3A_1265, %slice3A_1257 : vector<20x1xf32>
    %sub3A_1267 = arith.constant 1.000000e+00 : f32
    %sub3A_1268 = vector.broadcast %sub3A_1267 : f32 to vector<20x1xf32>
    %sub3A_1269 = arith.subf %sub3A_1268, %slice3A_1258 : vector<20x1xf32>
    %mul3A_1270 = arith.mulf %sub3A_1266, %sub3A_1269 : vector<20x1xf32>
    %mul3A_1271 = vector.broadcast %mul3A_1270 : vector<20x1xf32> to vector<20x4096xf32>
    %mul3A_1272 = arith.mulf %convert_element_type3A_1263, %mul3A_1271 : vector<20x4096xf32>
    %add3A_1273 = arith.addf %add3A_1255, %mul3A_1272 : vector<20x4096xf32>
    %add3A_1274 = arith.constant 1 : i32
    %add3A_1275 = vector.broadcast %add3A_1274 : i32 to vector<20x1xi32>
    %add3A_1276 = arith.addi %slice3A_1256, %add3A_1275 : vector<20x1xi32>
    %eq3A_1277 = vector.broadcast %iota3A_114 : vector<1x4096xi32> to vector<20x4096xi32>
    %eq3A_1278 = vector.broadcast %add3A_1276 : vector<20x1xi32> to vector<20x4096xi32>
    %eq3A_1279 = arith.cmpi eq, %eq3A_1277, %eq3A_1278 : vector<20x4096xi32>
    %convert_element_type3A_1280 = arith.extui %eq3A_1279 : vector<20x4096xi1> to vector<20x4096xi32>
    %convert_element_type3A_1281 = arith.sitofp %convert_element_type3A_1280 : vector<20x4096xi32> to vector<20x4096xf32>
    %sub3A_1282 = arith.constant 1.000000e+00 : f32
    %sub3A_1283 = vector.broadcast %sub3A_1282 : f32 to vector<20x1xf32>
    %sub3A_1284 = arith.subf %sub3A_1283, %slice3A_1257 : vector<20x1xf32>
    %mul3A_1285 = arith.mulf %sub3A_1284, %slice3A_1258 : vector<20x1xf32>
    %mul3A_1286 = vector.broadcast %mul3A_1285 : vector<20x1xf32> to vector<20x4096xf32>
    %mul3A_1287 = arith.mulf %convert_element_type3A_1281, %mul3A_1286 : vector<20x4096xf32>
    %add3A_1288 = arith.addf %add3A_1273, %mul3A_1287 : vector<20x4096xf32>
    %add3A_1289 = arith.constant 64 : i32
    %add3A_1290 = vector.broadcast %add3A_1289 : i32 to vector<20x1xi32>
    %add3A_1291 = arith.addi %slice3A_1256, %add3A_1290 : vector<20x1xi32>
    %eq3A_1292 = vector.broadcast %iota3A_114 : vector<1x4096xi32> to vector<20x4096xi32>
    %eq3A_1293 = vector.broadcast %add3A_1291 : vector<20x1xi32> to vector<20x4096xi32>
    %eq3A_1294 = arith.cmpi eq, %eq3A_1292, %eq3A_1293 : vector<20x4096xi32>
    %convert_element_type3A_1295 = arith.extui %eq3A_1294 : vector<20x4096xi1> to vector<20x4096xi32>
    %convert_element_type3A_1296 = arith.sitofp %convert_element_type3A_1295 : vector<20x4096xi32> to vector<20x4096xf32>
    %sub3A_1297 = arith.constant 1.000000e+00 : f32
    %sub3A_1298 = vector.broadcast %sub3A_1297 : f32 to vector<20x1xf32>
    %sub3A_1299 = arith.subf %sub3A_1298, %slice3A_1258 : vector<20x1xf32>
    %mul3A_1300 = arith.mulf %slice3A_1257, %sub3A_1299 : vector<20x1xf32>
    %mul3A_1301 = vector.broadcast %mul3A_1300 : vector<20x1xf32> to vector<20x4096xf32>
    %mul3A_1302 = arith.mulf %convert_element_type3A_1296, %mul3A_1301 : vector<20x4096xf32>
    %add3A_1303 = arith.addf %add3A_1288, %mul3A_1302 : vector<20x4096xf32>
    %add3A_1304 = arith.constant 65 : i32
    %add3A_1305 = vector.broadcast %add3A_1304 : i32 to vector<20x1xi32>
    %add3A_1306 = arith.addi %slice3A_1256, %add3A_1305 : vector<20x1xi32>
    %eq3A_1307 = vector.broadcast %iota3A_114 : vector<1x4096xi32> to vector<20x4096xi32>
    %eq3A_1308 = vector.broadcast %add3A_1306 : vector<20x1xi32> to vector<20x4096xi32>
    %eq3A_1309 = arith.cmpi eq, %eq3A_1307, %eq3A_1308 : vector<20x4096xi32>
    %convert_element_type3A_1310 = arith.extui %eq3A_1309 : vector<20x4096xi1> to vector<20x4096xi32>
    %convert_element_type3A_1311 = arith.sitofp %convert_element_type3A_1310 : vector<20x4096xi32> to vector<20x4096xf32>
    %mul3A_1312 = arith.mulf %slice3A_1257, %slice3A_1258 : vector<20x1xf32>
    %mul3A_1313 = vector.broadcast %mul3A_1312 : vector<20x1xf32> to vector<20x4096xf32>
    %mul3A_1314 = arith.mulf %convert_element_type3A_1311, %mul3A_1313 : vector<20x4096xf32>
    %add3A_1315 = arith.addf %add3A_1303, %mul3A_1314 : vector<20x4096xf32>
    %slice3A_1316 = vector.extract_strided_slice %add3A_113 {offsets = [0, 20], sizes = [20, 1], strides = [1, 1]} : vector<20x49xi32> to vector<20x1xi32>
    %slice3A_1317 = vector.extract_strided_slice %min3A_100 {offsets = [0, 20], sizes = [20, 1], strides = [1, 1]} : vector<20x49xf32> to vector<20x1xf32>
    %slice3A_1318 = vector.extract_strided_slice %min3A_107 {offsets = [0, 20], sizes = [20, 1], strides = [1, 1]} : vector<20x49xf32> to vector<20x1xf32>
    %eq3A_1319 = vector.broadcast %iota3A_114 : vector<1x4096xi32> to vector<20x4096xi32>
    %eq3A_1320 = vector.broadcast %slice3A_1316 : vector<20x1xi32> to vector<20x4096xi32>
    %eq3A_1321 = arith.cmpi eq, %eq3A_1319, %eq3A_1320 : vector<20x4096xi32>
    %convert_element_type3A_1322 = arith.extui %eq3A_1321 : vector<20x4096xi1> to vector<20x4096xi32>
    %convert_element_type3A_1323 = arith.sitofp %convert_element_type3A_1322 : vector<20x4096xi32> to vector<20x4096xf32>
    %sub3A_1324 = arith.constant 1.000000e+00 : f32
    %sub3A_1325 = vector.broadcast %sub3A_1324 : f32 to vector<20x1xf32>
    %sub3A_1326 = arith.subf %sub3A_1325, %slice3A_1317 : vector<20x1xf32>
    %sub3A_1327 = arith.constant 1.000000e+00 : f32
    %sub3A_1328 = vector.broadcast %sub3A_1327 : f32 to vector<20x1xf32>
    %sub3A_1329 = arith.subf %sub3A_1328, %slice3A_1318 : vector<20x1xf32>
    %mul3A_1330 = arith.mulf %sub3A_1326, %sub3A_1329 : vector<20x1xf32>
    %mul3A_1331 = vector.broadcast %mul3A_1330 : vector<20x1xf32> to vector<20x4096xf32>
    %mul3A_1332 = arith.mulf %convert_element_type3A_1323, %mul3A_1331 : vector<20x4096xf32>
    %add3A_1333 = arith.addf %add3A_1315, %mul3A_1332 : vector<20x4096xf32>
    %add3A_1334 = arith.constant 1 : i32
    %add3A_1335 = vector.broadcast %add3A_1334 : i32 to vector<20x1xi32>
    %add3A_1336 = arith.addi %slice3A_1316, %add3A_1335 : vector<20x1xi32>
    %eq3A_1337 = vector.broadcast %iota3A_114 : vector<1x4096xi32> to vector<20x4096xi32>
    %eq3A_1338 = vector.broadcast %add3A_1336 : vector<20x1xi32> to vector<20x4096xi32>
    %eq3A_1339 = arith.cmpi eq, %eq3A_1337, %eq3A_1338 : vector<20x4096xi32>
    %convert_element_type3A_1340 = arith.extui %eq3A_1339 : vector<20x4096xi1> to vector<20x4096xi32>
    %convert_element_type3A_1341 = arith.sitofp %convert_element_type3A_1340 : vector<20x4096xi32> to vector<20x4096xf32>
    %sub3A_1342 = arith.constant 1.000000e+00 : f32
    %sub3A_1343 = vector.broadcast %sub3A_1342 : f32 to vector<20x1xf32>
    %sub3A_1344 = arith.subf %sub3A_1343, %slice3A_1317 : vector<20x1xf32>
    %mul3A_1345 = arith.mulf %sub3A_1344, %slice3A_1318 : vector<20x1xf32>
    %mul3A_1346 = vector.broadcast %mul3A_1345 : vector<20x1xf32> to vector<20x4096xf32>
    %mul3A_1347 = arith.mulf %convert_element_type3A_1341, %mul3A_1346 : vector<20x4096xf32>
    %add3A_1348 = arith.addf %add3A_1333, %mul3A_1347 : vector<20x4096xf32>
    %add3A_1349 = arith.constant 64 : i32
    %add3A_1350 = vector.broadcast %add3A_1349 : i32 to vector<20x1xi32>
    %add3A_1351 = arith.addi %slice3A_1316, %add3A_1350 : vector<20x1xi32>
    %eq3A_1352 = vector.broadcast %iota3A_114 : vector<1x4096xi32> to vector<20x4096xi32>
    %eq3A_1353 = vector.broadcast %add3A_1351 : vector<20x1xi32> to vector<20x4096xi32>
    %eq3A_1354 = arith.cmpi eq, %eq3A_1352, %eq3A_1353 : vector<20x4096xi32>
    %convert_element_type3A_1355 = arith.extui %eq3A_1354 : vector<20x4096xi1> to vector<20x4096xi32>
    %convert_element_type3A_1356 = arith.sitofp %convert_element_type3A_1355 : vector<20x4096xi32> to vector<20x4096xf32>
    %sub3A_1357 = arith.constant 1.000000e+00 : f32
    %sub3A_1358 = vector.broadcast %sub3A_1357 : f32 to vector<20x1xf32>
    %sub3A_1359 = arith.subf %sub3A_1358, %slice3A_1318 : vector<20x1xf32>
    %mul3A_1360 = arith.mulf %slice3A_1317, %sub3A_1359 : vector<20x1xf32>
    %mul3A_1361 = vector.broadcast %mul3A_1360 : vector<20x1xf32> to vector<20x4096xf32>
    %mul3A_1362 = arith.mulf %convert_element_type3A_1356, %mul3A_1361 : vector<20x4096xf32>
    %add3A_1363 = arith.addf %add3A_1348, %mul3A_1362 : vector<20x4096xf32>
    %add3A_1364 = arith.constant 65 : i32
    %add3A_1365 = vector.broadcast %add3A_1364 : i32 to vector<20x1xi32>
    %add3A_1366 = arith.addi %slice3A_1316, %add3A_1365 : vector<20x1xi32>
    %eq3A_1367 = vector.broadcast %iota3A_114 : vector<1x4096xi32> to vector<20x4096xi32>
    %eq3A_1368 = vector.broadcast %add3A_1366 : vector<20x1xi32> to vector<20x4096xi32>
    %eq3A_1369 = arith.cmpi eq, %eq3A_1367, %eq3A_1368 : vector<20x4096xi32>
    %convert_element_type3A_1370 = arith.extui %eq3A_1369 : vector<20x4096xi1> to vector<20x4096xi32>
    %convert_element_type3A_1371 = arith.sitofp %convert_element_type3A_1370 : vector<20x4096xi32> to vector<20x4096xf32>
    %mul3A_1372 = arith.mulf %slice3A_1317, %slice3A_1318 : vector<20x1xf32>
    %mul3A_1373 = vector.broadcast %mul3A_1372 : vector<20x1xf32> to vector<20x4096xf32>
    %mul3A_1374 = arith.mulf %convert_element_type3A_1371, %mul3A_1373 : vector<20x4096xf32>
    %add3A_1375 = arith.addf %add3A_1363, %mul3A_1374 : vector<20x4096xf32>
    %slice3A_1376 = vector.extract_strided_slice %add3A_113 {offsets = [0, 21], sizes = [20, 1], strides = [1, 1]} : vector<20x49xi32> to vector<20x1xi32>
    %slice3A_1377 = vector.extract_strided_slice %min3A_100 {offsets = [0, 21], sizes = [20, 1], strides = [1, 1]} : vector<20x49xf32> to vector<20x1xf32>
    %slice3A_1378 = vector.extract_strided_slice %min3A_107 {offsets = [0, 21], sizes = [20, 1], strides = [1, 1]} : vector<20x49xf32> to vector<20x1xf32>
    %eq3A_1379 = vector.broadcast %iota3A_114 : vector<1x4096xi32> to vector<20x4096xi32>
    %eq3A_1380 = vector.broadcast %slice3A_1376 : vector<20x1xi32> to vector<20x4096xi32>
    %eq3A_1381 = arith.cmpi eq, %eq3A_1379, %eq3A_1380 : vector<20x4096xi32>
    %convert_element_type3A_1382 = arith.extui %eq3A_1381 : vector<20x4096xi1> to vector<20x4096xi32>
    %convert_element_type3A_1383 = arith.sitofp %convert_element_type3A_1382 : vector<20x4096xi32> to vector<20x4096xf32>
    %sub3A_1384 = arith.constant 1.000000e+00 : f32
    %sub3A_1385 = vector.broadcast %sub3A_1384 : f32 to vector<20x1xf32>
    %sub3A_1386 = arith.subf %sub3A_1385, %slice3A_1377 : vector<20x1xf32>
    %sub3A_1387 = arith.constant 1.000000e+00 : f32
    %sub3A_1388 = vector.broadcast %sub3A_1387 : f32 to vector<20x1xf32>
    %sub3A_1389 = arith.subf %sub3A_1388, %slice3A_1378 : vector<20x1xf32>
    %mul3A_1390 = arith.mulf %sub3A_1386, %sub3A_1389 : vector<20x1xf32>
    %mul3A_1391 = vector.broadcast %mul3A_1390 : vector<20x1xf32> to vector<20x4096xf32>
    %mul3A_1392 = arith.mulf %convert_element_type3A_1383, %mul3A_1391 : vector<20x4096xf32>
    %add3A_1393 = arith.addf %add3A_1375, %mul3A_1392 : vector<20x4096xf32>
    %add3A_1394 = arith.constant 1 : i32
    %add3A_1395 = vector.broadcast %add3A_1394 : i32 to vector<20x1xi32>
    %add3A_1396 = arith.addi %slice3A_1376, %add3A_1395 : vector<20x1xi32>
    %eq3A_1397 = vector.broadcast %iota3A_114 : vector<1x4096xi32> to vector<20x4096xi32>
    %eq3A_1398 = vector.broadcast %add3A_1396 : vector<20x1xi32> to vector<20x4096xi32>
    %eq3A_1399 = arith.cmpi eq, %eq3A_1397, %eq3A_1398 : vector<20x4096xi32>
    %convert_element_type3A_1400 = arith.extui %eq3A_1399 : vector<20x4096xi1> to vector<20x4096xi32>
    %convert_element_type3A_1401 = arith.sitofp %convert_element_type3A_1400 : vector<20x4096xi32> to vector<20x4096xf32>
    %sub3A_1402 = arith.constant 1.000000e+00 : f32
    %sub3A_1403 = vector.broadcast %sub3A_1402 : f32 to vector<20x1xf32>
    %sub3A_1404 = arith.subf %sub3A_1403, %slice3A_1377 : vector<20x1xf32>
    %mul3A_1405 = arith.mulf %sub3A_1404, %slice3A_1378 : vector<20x1xf32>
    %mul3A_1406 = vector.broadcast %mul3A_1405 : vector<20x1xf32> to vector<20x4096xf32>
    %mul3A_1407 = arith.mulf %convert_element_type3A_1401, %mul3A_1406 : vector<20x4096xf32>
    %add3A_1408 = arith.addf %add3A_1393, %mul3A_1407 : vector<20x4096xf32>
    %add3A_1409 = arith.constant 64 : i32
    %add3A_1410 = vector.broadcast %add3A_1409 : i32 to vector<20x1xi32>
    %add3A_1411 = arith.addi %slice3A_1376, %add3A_1410 : vector<20x1xi32>
    %eq3A_1412 = vector.broadcast %iota3A_114 : vector<1x4096xi32> to vector<20x4096xi32>
    %eq3A_1413 = vector.broadcast %add3A_1411 : vector<20x1xi32> to vector<20x4096xi32>
    %eq3A_1414 = arith.cmpi eq, %eq3A_1412, %eq3A_1413 : vector<20x4096xi32>
    %convert_element_type3A_1415 = arith.extui %eq3A_1414 : vector<20x4096xi1> to vector<20x4096xi32>
    %convert_element_type3A_1416 = arith.sitofp %convert_element_type3A_1415 : vector<20x4096xi32> to vector<20x4096xf32>
    %sub3A_1417 = arith.constant 1.000000e+00 : f32
    %sub3A_1418 = vector.broadcast %sub3A_1417 : f32 to vector<20x1xf32>
    %sub3A_1419 = arith.subf %sub3A_1418, %slice3A_1378 : vector<20x1xf32>
    %mul3A_1420 = arith.mulf %slice3A_1377, %sub3A_1419 : vector<20x1xf32>
    %mul3A_1421 = vector.broadcast %mul3A_1420 : vector<20x1xf32> to vector<20x4096xf32>
    %mul3A_1422 = arith.mulf %convert_element_type3A_1416, %mul3A_1421 : vector<20x4096xf32>
    %add3A_1423 = arith.addf %add3A_1408, %mul3A_1422 : vector<20x4096xf32>
    %add3A_1424 = arith.constant 65 : i32
    %add3A_1425 = vector.broadcast %add3A_1424 : i32 to vector<20x1xi32>
    %add3A_1426 = arith.addi %slice3A_1376, %add3A_1425 : vector<20x1xi32>
    %eq3A_1427 = vector.broadcast %iota3A_114 : vector<1x4096xi32> to vector<20x4096xi32>
    %eq3A_1428 = vector.broadcast %add3A_1426 : vector<20x1xi32> to vector<20x4096xi32>
    %eq3A_1429 = arith.cmpi eq, %eq3A_1427, %eq3A_1428 : vector<20x4096xi32>
    %convert_element_type3A_1430 = arith.extui %eq3A_1429 : vector<20x4096xi1> to vector<20x4096xi32>
    %convert_element_type3A_1431 = arith.sitofp %convert_element_type3A_1430 : vector<20x4096xi32> to vector<20x4096xf32>
    %mul3A_1432 = arith.mulf %slice3A_1377, %slice3A_1378 : vector<20x1xf32>
    %mul3A_1433 = vector.broadcast %mul3A_1432 : vector<20x1xf32> to vector<20x4096xf32>
    %mul3A_1434 = arith.mulf %convert_element_type3A_1431, %mul3A_1433 : vector<20x4096xf32>
    %add3A_1435 = arith.addf %add3A_1423, %mul3A_1434 : vector<20x4096xf32>
    %slice3A_1436 = vector.extract_strided_slice %add3A_113 {offsets = [0, 22], sizes = [20, 1], strides = [1, 1]} : vector<20x49xi32> to vector<20x1xi32>
    %slice3A_1437 = vector.extract_strided_slice %min3A_100 {offsets = [0, 22], sizes = [20, 1], strides = [1, 1]} : vector<20x49xf32> to vector<20x1xf32>
    %slice3A_1438 = vector.extract_strided_slice %min3A_107 {offsets = [0, 22], sizes = [20, 1], strides = [1, 1]} : vector<20x49xf32> to vector<20x1xf32>
    %eq3A_1439 = vector.broadcast %iota3A_114 : vector<1x4096xi32> to vector<20x4096xi32>
    %eq3A_1440 = vector.broadcast %slice3A_1436 : vector<20x1xi32> to vector<20x4096xi32>
    %eq3A_1441 = arith.cmpi eq, %eq3A_1439, %eq3A_1440 : vector<20x4096xi32>
    %convert_element_type3A_1442 = arith.extui %eq3A_1441 : vector<20x4096xi1> to vector<20x4096xi32>
    %convert_element_type3A_1443 = arith.sitofp %convert_element_type3A_1442 : vector<20x4096xi32> to vector<20x4096xf32>
    %sub3A_1444 = arith.constant 1.000000e+00 : f32
    %sub3A_1445 = vector.broadcast %sub3A_1444 : f32 to vector<20x1xf32>
    %sub3A_1446 = arith.subf %sub3A_1445, %slice3A_1437 : vector<20x1xf32>
    %sub3A_1447 = arith.constant 1.000000e+00 : f32
    %sub3A_1448 = vector.broadcast %sub3A_1447 : f32 to vector<20x1xf32>
    %sub3A_1449 = arith.subf %sub3A_1448, %slice3A_1438 : vector<20x1xf32>
    %mul3A_1450 = arith.mulf %sub3A_1446, %sub3A_1449 : vector<20x1xf32>
    %mul3A_1451 = vector.broadcast %mul3A_1450 : vector<20x1xf32> to vector<20x4096xf32>
    %mul3A_1452 = arith.mulf %convert_element_type3A_1443, %mul3A_1451 : vector<20x4096xf32>
    %add3A_1453 = arith.addf %add3A_1435, %mul3A_1452 : vector<20x4096xf32>
    %add3A_1454 = arith.constant 1 : i32
    %add3A_1455 = vector.broadcast %add3A_1454 : i32 to vector<20x1xi32>
    %add3A_1456 = arith.addi %slice3A_1436, %add3A_1455 : vector<20x1xi32>
    %eq3A_1457 = vector.broadcast %iota3A_114 : vector<1x4096xi32> to vector<20x4096xi32>
    %eq3A_1458 = vector.broadcast %add3A_1456 : vector<20x1xi32> to vector<20x4096xi32>
    %eq3A_1459 = arith.cmpi eq, %eq3A_1457, %eq3A_1458 : vector<20x4096xi32>
    %convert_element_type3A_1460 = arith.extui %eq3A_1459 : vector<20x4096xi1> to vector<20x4096xi32>
    %convert_element_type3A_1461 = arith.sitofp %convert_element_type3A_1460 : vector<20x4096xi32> to vector<20x4096xf32>
    %sub3A_1462 = arith.constant 1.000000e+00 : f32
    %sub3A_1463 = vector.broadcast %sub3A_1462 : f32 to vector<20x1xf32>
    %sub3A_1464 = arith.subf %sub3A_1463, %slice3A_1437 : vector<20x1xf32>
    %mul3A_1465 = arith.mulf %sub3A_1464, %slice3A_1438 : vector<20x1xf32>
    %mul3A_1466 = vector.broadcast %mul3A_1465 : vector<20x1xf32> to vector<20x4096xf32>
    %mul3A_1467 = arith.mulf %convert_element_type3A_1461, %mul3A_1466 : vector<20x4096xf32>
    %add3A_1468 = arith.addf %add3A_1453, %mul3A_1467 : vector<20x4096xf32>
    %add3A_1469 = arith.constant 64 : i32
    %add3A_1470 = vector.broadcast %add3A_1469 : i32 to vector<20x1xi32>
    %add3A_1471 = arith.addi %slice3A_1436, %add3A_1470 : vector<20x1xi32>
    %eq3A_1472 = vector.broadcast %iota3A_114 : vector<1x4096xi32> to vector<20x4096xi32>
    %eq3A_1473 = vector.broadcast %add3A_1471 : vector<20x1xi32> to vector<20x4096xi32>
    %eq3A_1474 = arith.cmpi eq, %eq3A_1472, %eq3A_1473 : vector<20x4096xi32>
    %convert_element_type3A_1475 = arith.extui %eq3A_1474 : vector<20x4096xi1> to vector<20x4096xi32>
    %convert_element_type3A_1476 = arith.sitofp %convert_element_type3A_1475 : vector<20x4096xi32> to vector<20x4096xf32>
    %sub3A_1477 = arith.constant 1.000000e+00 : f32
    %sub3A_1478 = vector.broadcast %sub3A_1477 : f32 to vector<20x1xf32>
    %sub3A_1479 = arith.subf %sub3A_1478, %slice3A_1438 : vector<20x1xf32>
    %mul3A_1480 = arith.mulf %slice3A_1437, %sub3A_1479 : vector<20x1xf32>
    %mul3A_1481 = vector.broadcast %mul3A_1480 : vector<20x1xf32> to vector<20x4096xf32>
    %mul3A_1482 = arith.mulf %convert_element_type3A_1476, %mul3A_1481 : vector<20x4096xf32>
    %add3A_1483 = arith.addf %add3A_1468, %mul3A_1482 : vector<20x4096xf32>
    %add3A_1484 = arith.constant 65 : i32
    %add3A_1485 = vector.broadcast %add3A_1484 : i32 to vector<20x1xi32>
    %add3A_1486 = arith.addi %slice3A_1436, %add3A_1485 : vector<20x1xi32>
    %eq3A_1487 = vector.broadcast %iota3A_114 : vector<1x4096xi32> to vector<20x4096xi32>
    %eq3A_1488 = vector.broadcast %add3A_1486 : vector<20x1xi32> to vector<20x4096xi32>
    %eq3A_1489 = arith.cmpi eq, %eq3A_1487, %eq3A_1488 : vector<20x4096xi32>
    %convert_element_type3A_1490 = arith.extui %eq3A_1489 : vector<20x4096xi1> to vector<20x4096xi32>
    %convert_element_type3A_1491 = arith.sitofp %convert_element_type3A_1490 : vector<20x4096xi32> to vector<20x4096xf32>
    %mul3A_1492 = arith.mulf %slice3A_1437, %slice3A_1438 : vector<20x1xf32>
    %mul3A_1493 = vector.broadcast %mul3A_1492 : vector<20x1xf32> to vector<20x4096xf32>
    %mul3A_1494 = arith.mulf %convert_element_type3A_1491, %mul3A_1493 : vector<20x4096xf32>
    %add3A_1495 = arith.addf %add3A_1483, %mul3A_1494 : vector<20x4096xf32>
    %slice3A_1496 = vector.extract_strided_slice %add3A_113 {offsets = [0, 23], sizes = [20, 1], strides = [1, 1]} : vector<20x49xi32> to vector<20x1xi32>
    %slice3A_1497 = vector.extract_strided_slice %min3A_100 {offsets = [0, 23], sizes = [20, 1], strides = [1, 1]} : vector<20x49xf32> to vector<20x1xf32>
    %slice3A_1498 = vector.extract_strided_slice %min3A_107 {offsets = [0, 23], sizes = [20, 1], strides = [1, 1]} : vector<20x49xf32> to vector<20x1xf32>
    %eq3A_1499 = vector.broadcast %iota3A_114 : vector<1x4096xi32> to vector<20x4096xi32>
    %eq3A_1500 = vector.broadcast %slice3A_1496 : vector<20x1xi32> to vector<20x4096xi32>
    %eq3A_1501 = arith.cmpi eq, %eq3A_1499, %eq3A_1500 : vector<20x4096xi32>
    %convert_element_type3A_1502 = arith.extui %eq3A_1501 : vector<20x4096xi1> to vector<20x4096xi32>
    %convert_element_type3A_1503 = arith.sitofp %convert_element_type3A_1502 : vector<20x4096xi32> to vector<20x4096xf32>
    %sub3A_1504 = arith.constant 1.000000e+00 : f32
    %sub3A_1505 = vector.broadcast %sub3A_1504 : f32 to vector<20x1xf32>
    %sub3A_1506 = arith.subf %sub3A_1505, %slice3A_1497 : vector<20x1xf32>
    %sub3A_1507 = arith.constant 1.000000e+00 : f32
    %sub3A_1508 = vector.broadcast %sub3A_1507 : f32 to vector<20x1xf32>
    %sub3A_1509 = arith.subf %sub3A_1508, %slice3A_1498 : vector<20x1xf32>
    %mul3A_1510 = arith.mulf %sub3A_1506, %sub3A_1509 : vector<20x1xf32>
    %mul3A_1511 = vector.broadcast %mul3A_1510 : vector<20x1xf32> to vector<20x4096xf32>
    %mul3A_1512 = arith.mulf %convert_element_type3A_1503, %mul3A_1511 : vector<20x4096xf32>
    %add3A_1513 = arith.addf %add3A_1495, %mul3A_1512 : vector<20x4096xf32>
    %add3A_1514 = arith.constant 1 : i32
    %add3A_1515 = vector.broadcast %add3A_1514 : i32 to vector<20x1xi32>
    %add3A_1516 = arith.addi %slice3A_1496, %add3A_1515 : vector<20x1xi32>
    %eq3A_1517 = vector.broadcast %iota3A_114 : vector<1x4096xi32> to vector<20x4096xi32>
    %eq3A_1518 = vector.broadcast %add3A_1516 : vector<20x1xi32> to vector<20x4096xi32>
    %eq3A_1519 = arith.cmpi eq, %eq3A_1517, %eq3A_1518 : vector<20x4096xi32>
    %convert_element_type3A_1520 = arith.extui %eq3A_1519 : vector<20x4096xi1> to vector<20x4096xi32>
    %convert_element_type3A_1521 = arith.sitofp %convert_element_type3A_1520 : vector<20x4096xi32> to vector<20x4096xf32>
    %sub3A_1522 = arith.constant 1.000000e+00 : f32
    %sub3A_1523 = vector.broadcast %sub3A_1522 : f32 to vector<20x1xf32>
    %sub3A_1524 = arith.subf %sub3A_1523, %slice3A_1497 : vector<20x1xf32>
    %mul3A_1525 = arith.mulf %sub3A_1524, %slice3A_1498 : vector<20x1xf32>
    %mul3A_1526 = vector.broadcast %mul3A_1525 : vector<20x1xf32> to vector<20x4096xf32>
    %mul3A_1527 = arith.mulf %convert_element_type3A_1521, %mul3A_1526 : vector<20x4096xf32>
    %add3A_1528 = arith.addf %add3A_1513, %mul3A_1527 : vector<20x4096xf32>
    %add3A_1529 = arith.constant 64 : i32
    %add3A_1530 = vector.broadcast %add3A_1529 : i32 to vector<20x1xi32>
    %add3A_1531 = arith.addi %slice3A_1496, %add3A_1530 : vector<20x1xi32>
    %eq3A_1532 = vector.broadcast %iota3A_114 : vector<1x4096xi32> to vector<20x4096xi32>
    %eq3A_1533 = vector.broadcast %add3A_1531 : vector<20x1xi32> to vector<20x4096xi32>
    %eq3A_1534 = arith.cmpi eq, %eq3A_1532, %eq3A_1533 : vector<20x4096xi32>
    %convert_element_type3A_1535 = arith.extui %eq3A_1534 : vector<20x4096xi1> to vector<20x4096xi32>
    %convert_element_type3A_1536 = arith.sitofp %convert_element_type3A_1535 : vector<20x4096xi32> to vector<20x4096xf32>
    %sub3A_1537 = arith.constant 1.000000e+00 : f32
    %sub3A_1538 = vector.broadcast %sub3A_1537 : f32 to vector<20x1xf32>
    %sub3A_1539 = arith.subf %sub3A_1538, %slice3A_1498 : vector<20x1xf32>
    %mul3A_1540 = arith.mulf %slice3A_1497, %sub3A_1539 : vector<20x1xf32>
    %mul3A_1541 = vector.broadcast %mul3A_1540 : vector<20x1xf32> to vector<20x4096xf32>
    %mul3A_1542 = arith.mulf %convert_element_type3A_1536, %mul3A_1541 : vector<20x4096xf32>
    %add3A_1543 = arith.addf %add3A_1528, %mul3A_1542 : vector<20x4096xf32>
    %add3A_1544 = arith.constant 65 : i32
    %add3A_1545 = vector.broadcast %add3A_1544 : i32 to vector<20x1xi32>
    %add3A_1546 = arith.addi %slice3A_1496, %add3A_1545 : vector<20x1xi32>
    %eq3A_1547 = vector.broadcast %iota3A_114 : vector<1x4096xi32> to vector<20x4096xi32>
    %eq3A_1548 = vector.broadcast %add3A_1546 : vector<20x1xi32> to vector<20x4096xi32>
    %eq3A_1549 = arith.cmpi eq, %eq3A_1547, %eq3A_1548 : vector<20x4096xi32>
    %convert_element_type3A_1550 = arith.extui %eq3A_1549 : vector<20x4096xi1> to vector<20x4096xi32>
    %convert_element_type3A_1551 = arith.sitofp %convert_element_type3A_1550 : vector<20x4096xi32> to vector<20x4096xf32>
    %mul3A_1552 = arith.mulf %slice3A_1497, %slice3A_1498 : vector<20x1xf32>
    %mul3A_1553 = vector.broadcast %mul3A_1552 : vector<20x1xf32> to vector<20x4096xf32>
    %mul3A_1554 = arith.mulf %convert_element_type3A_1551, %mul3A_1553 : vector<20x4096xf32>
    %add3A_1555 = arith.addf %add3A_1543, %mul3A_1554 : vector<20x4096xf32>
    %slice3A_1556 = vector.extract_strided_slice %add3A_113 {offsets = [0, 24], sizes = [20, 1], strides = [1, 1]} : vector<20x49xi32> to vector<20x1xi32>
    %slice3A_1557 = vector.extract_strided_slice %min3A_100 {offsets = [0, 24], sizes = [20, 1], strides = [1, 1]} : vector<20x49xf32> to vector<20x1xf32>
    %slice3A_1558 = vector.extract_strided_slice %min3A_107 {offsets = [0, 24], sizes = [20, 1], strides = [1, 1]} : vector<20x49xf32> to vector<20x1xf32>
    %eq3A_1559 = vector.broadcast %iota3A_114 : vector<1x4096xi32> to vector<20x4096xi32>
    %eq3A_1560 = vector.broadcast %slice3A_1556 : vector<20x1xi32> to vector<20x4096xi32>
    %eq3A_1561 = arith.cmpi eq, %eq3A_1559, %eq3A_1560 : vector<20x4096xi32>
    %convert_element_type3A_1562 = arith.extui %eq3A_1561 : vector<20x4096xi1> to vector<20x4096xi32>
    %convert_element_type3A_1563 = arith.sitofp %convert_element_type3A_1562 : vector<20x4096xi32> to vector<20x4096xf32>
    %sub3A_1564 = arith.constant 1.000000e+00 : f32
    %sub3A_1565 = vector.broadcast %sub3A_1564 : f32 to vector<20x1xf32>
    %sub3A_1566 = arith.subf %sub3A_1565, %slice3A_1557 : vector<20x1xf32>
    %sub3A_1567 = arith.constant 1.000000e+00 : f32
    %sub3A_1568 = vector.broadcast %sub3A_1567 : f32 to vector<20x1xf32>
    %sub3A_1569 = arith.subf %sub3A_1568, %slice3A_1558 : vector<20x1xf32>
    %mul3A_1570 = arith.mulf %sub3A_1566, %sub3A_1569 : vector<20x1xf32>
    %mul3A_1571 = vector.broadcast %mul3A_1570 : vector<20x1xf32> to vector<20x4096xf32>
    %mul3A_1572 = arith.mulf %convert_element_type3A_1563, %mul3A_1571 : vector<20x4096xf32>
    %add3A_1573 = arith.addf %add3A_1555, %mul3A_1572 : vector<20x4096xf32>
    %add3A_1574 = arith.constant 1 : i32
    %add3A_1575 = vector.broadcast %add3A_1574 : i32 to vector<20x1xi32>
    %add3A_1576 = arith.addi %slice3A_1556, %add3A_1575 : vector<20x1xi32>
    %eq3A_1577 = vector.broadcast %iota3A_114 : vector<1x4096xi32> to vector<20x4096xi32>
    %eq3A_1578 = vector.broadcast %add3A_1576 : vector<20x1xi32> to vector<20x4096xi32>
    %eq3A_1579 = arith.cmpi eq, %eq3A_1577, %eq3A_1578 : vector<20x4096xi32>
    %convert_element_type3A_1580 = arith.extui %eq3A_1579 : vector<20x4096xi1> to vector<20x4096xi32>
    %convert_element_type3A_1581 = arith.sitofp %convert_element_type3A_1580 : vector<20x4096xi32> to vector<20x4096xf32>
    %sub3A_1582 = arith.constant 1.000000e+00 : f32
    %sub3A_1583 = vector.broadcast %sub3A_1582 : f32 to vector<20x1xf32>
    %sub3A_1584 = arith.subf %sub3A_1583, %slice3A_1557 : vector<20x1xf32>
    %mul3A_1585 = arith.mulf %sub3A_1584, %slice3A_1558 : vector<20x1xf32>
    %mul3A_1586 = vector.broadcast %mul3A_1585 : vector<20x1xf32> to vector<20x4096xf32>
    %mul3A_1587 = arith.mulf %convert_element_type3A_1581, %mul3A_1586 : vector<20x4096xf32>
    %add3A_1588 = arith.addf %add3A_1573, %mul3A_1587 : vector<20x4096xf32>
    %add3A_1589 = arith.constant 64 : i32
    %add3A_1590 = vector.broadcast %add3A_1589 : i32 to vector<20x1xi32>
    %add3A_1591 = arith.addi %slice3A_1556, %add3A_1590 : vector<20x1xi32>
    %eq3A_1592 = vector.broadcast %iota3A_114 : vector<1x4096xi32> to vector<20x4096xi32>
    %eq3A_1593 = vector.broadcast %add3A_1591 : vector<20x1xi32> to vector<20x4096xi32>
    %eq3A_1594 = arith.cmpi eq, %eq3A_1592, %eq3A_1593 : vector<20x4096xi32>
    %convert_element_type3A_1595 = arith.extui %eq3A_1594 : vector<20x4096xi1> to vector<20x4096xi32>
    %convert_element_type3A_1596 = arith.sitofp %convert_element_type3A_1595 : vector<20x4096xi32> to vector<20x4096xf32>
    %sub3A_1597 = arith.constant 1.000000e+00 : f32
    %sub3A_1598 = vector.broadcast %sub3A_1597 : f32 to vector<20x1xf32>
    %sub3A_1599 = arith.subf %sub3A_1598, %slice3A_1558 : vector<20x1xf32>
    %mul3A_1600 = arith.mulf %slice3A_1557, %sub3A_1599 : vector<20x1xf32>
    %mul3A_1601 = vector.broadcast %mul3A_1600 : vector<20x1xf32> to vector<20x4096xf32>
    %mul3A_1602 = arith.mulf %convert_element_type3A_1596, %mul3A_1601 : vector<20x4096xf32>
    %add3A_1603 = arith.addf %add3A_1588, %mul3A_1602 : vector<20x4096xf32>
    %add3A_1604 = arith.constant 65 : i32
    %add3A_1605 = vector.broadcast %add3A_1604 : i32 to vector<20x1xi32>
    %add3A_1606 = arith.addi %slice3A_1556, %add3A_1605 : vector<20x1xi32>
    %eq3A_1607 = vector.broadcast %iota3A_114 : vector<1x4096xi32> to vector<20x4096xi32>
    %eq3A_1608 = vector.broadcast %add3A_1606 : vector<20x1xi32> to vector<20x4096xi32>
    %eq3A_1609 = arith.cmpi eq, %eq3A_1607, %eq3A_1608 : vector<20x4096xi32>
    %convert_element_type3A_1610 = arith.extui %eq3A_1609 : vector<20x4096xi1> to vector<20x4096xi32>
    %convert_element_type3A_1611 = arith.sitofp %convert_element_type3A_1610 : vector<20x4096xi32> to vector<20x4096xf32>
    %mul3A_1612 = arith.mulf %slice3A_1557, %slice3A_1558 : vector<20x1xf32>
    %mul3A_1613 = vector.broadcast %mul3A_1612 : vector<20x1xf32> to vector<20x4096xf32>
    %mul3A_1614 = arith.mulf %convert_element_type3A_1611, %mul3A_1613 : vector<20x4096xf32>
    %add3A_1615 = arith.addf %add3A_1603, %mul3A_1614 : vector<20x4096xf32>
    %slice3A_1616 = vector.extract_strided_slice %add3A_113 {offsets = [0, 25], sizes = [20, 1], strides = [1, 1]} : vector<20x49xi32> to vector<20x1xi32>
    %slice3A_1617 = vector.extract_strided_slice %min3A_100 {offsets = [0, 25], sizes = [20, 1], strides = [1, 1]} : vector<20x49xf32> to vector<20x1xf32>
    %slice3A_1618 = vector.extract_strided_slice %min3A_107 {offsets = [0, 25], sizes = [20, 1], strides = [1, 1]} : vector<20x49xf32> to vector<20x1xf32>
    %eq3A_1619 = vector.broadcast %iota3A_114 : vector<1x4096xi32> to vector<20x4096xi32>
    %eq3A_1620 = vector.broadcast %slice3A_1616 : vector<20x1xi32> to vector<20x4096xi32>
    %eq3A_1621 = arith.cmpi eq, %eq3A_1619, %eq3A_1620 : vector<20x4096xi32>
    %convert_element_type3A_1622 = arith.extui %eq3A_1621 : vector<20x4096xi1> to vector<20x4096xi32>
    %convert_element_type3A_1623 = arith.sitofp %convert_element_type3A_1622 : vector<20x4096xi32> to vector<20x4096xf32>
    %sub3A_1624 = arith.constant 1.000000e+00 : f32
    %sub3A_1625 = vector.broadcast %sub3A_1624 : f32 to vector<20x1xf32>
    %sub3A_1626 = arith.subf %sub3A_1625, %slice3A_1617 : vector<20x1xf32>
    %sub3A_1627 = arith.constant 1.000000e+00 : f32
    %sub3A_1628 = vector.broadcast %sub3A_1627 : f32 to vector<20x1xf32>
    %sub3A_1629 = arith.subf %sub3A_1628, %slice3A_1618 : vector<20x1xf32>
    %mul3A_1630 = arith.mulf %sub3A_1626, %sub3A_1629 : vector<20x1xf32>
    %mul3A_1631 = vector.broadcast %mul3A_1630 : vector<20x1xf32> to vector<20x4096xf32>
    %mul3A_1632 = arith.mulf %convert_element_type3A_1623, %mul3A_1631 : vector<20x4096xf32>
    %add3A_1633 = arith.addf %add3A_1615, %mul3A_1632 : vector<20x4096xf32>
    %add3A_1634 = arith.constant 1 : i32
    %add3A_1635 = vector.broadcast %add3A_1634 : i32 to vector<20x1xi32>
    %add3A_1636 = arith.addi %slice3A_1616, %add3A_1635 : vector<20x1xi32>
    %eq3A_1637 = vector.broadcast %iota3A_114 : vector<1x4096xi32> to vector<20x4096xi32>
    %eq3A_1638 = vector.broadcast %add3A_1636 : vector<20x1xi32> to vector<20x4096xi32>
    %eq3A_1639 = arith.cmpi eq, %eq3A_1637, %eq3A_1638 : vector<20x4096xi32>
    %convert_element_type3A_1640 = arith.extui %eq3A_1639 : vector<20x4096xi1> to vector<20x4096xi32>
    %convert_element_type3A_1641 = arith.sitofp %convert_element_type3A_1640 : vector<20x4096xi32> to vector<20x4096xf32>
    %sub3A_1642 = arith.constant 1.000000e+00 : f32
    %sub3A_1643 = vector.broadcast %sub3A_1642 : f32 to vector<20x1xf32>
    %sub3A_1644 = arith.subf %sub3A_1643, %slice3A_1617 : vector<20x1xf32>
    %mul3A_1645 = arith.mulf %sub3A_1644, %slice3A_1618 : vector<20x1xf32>
    %mul3A_1646 = vector.broadcast %mul3A_1645 : vector<20x1xf32> to vector<20x4096xf32>
    %mul3A_1647 = arith.mulf %convert_element_type3A_1641, %mul3A_1646 : vector<20x4096xf32>
    %add3A_1648 = arith.addf %add3A_1633, %mul3A_1647 : vector<20x4096xf32>
    %add3A_1649 = arith.constant 64 : i32
    %add3A_1650 = vector.broadcast %add3A_1649 : i32 to vector<20x1xi32>
    %add3A_1651 = arith.addi %slice3A_1616, %add3A_1650 : vector<20x1xi32>
    %eq3A_1652 = vector.broadcast %iota3A_114 : vector<1x4096xi32> to vector<20x4096xi32>
    %eq3A_1653 = vector.broadcast %add3A_1651 : vector<20x1xi32> to vector<20x4096xi32>
    %eq3A_1654 = arith.cmpi eq, %eq3A_1652, %eq3A_1653 : vector<20x4096xi32>
    %convert_element_type3A_1655 = arith.extui %eq3A_1654 : vector<20x4096xi1> to vector<20x4096xi32>
    %convert_element_type3A_1656 = arith.sitofp %convert_element_type3A_1655 : vector<20x4096xi32> to vector<20x4096xf32>
    %sub3A_1657 = arith.constant 1.000000e+00 : f32
    %sub3A_1658 = vector.broadcast %sub3A_1657 : f32 to vector<20x1xf32>
    %sub3A_1659 = arith.subf %sub3A_1658, %slice3A_1618 : vector<20x1xf32>
    %mul3A_1660 = arith.mulf %slice3A_1617, %sub3A_1659 : vector<20x1xf32>
    %mul3A_1661 = vector.broadcast %mul3A_1660 : vector<20x1xf32> to vector<20x4096xf32>
    %mul3A_1662 = arith.mulf %convert_element_type3A_1656, %mul3A_1661 : vector<20x4096xf32>
    %add3A_1663 = arith.addf %add3A_1648, %mul3A_1662 : vector<20x4096xf32>
    %add3A_1664 = arith.constant 65 : i32
    %add3A_1665 = vector.broadcast %add3A_1664 : i32 to vector<20x1xi32>
    %add3A_1666 = arith.addi %slice3A_1616, %add3A_1665 : vector<20x1xi32>
    %eq3A_1667 = vector.broadcast %iota3A_114 : vector<1x4096xi32> to vector<20x4096xi32>
    %eq3A_1668 = vector.broadcast %add3A_1666 : vector<20x1xi32> to vector<20x4096xi32>
    %eq3A_1669 = arith.cmpi eq, %eq3A_1667, %eq3A_1668 : vector<20x4096xi32>
    %convert_element_type3A_1670 = arith.extui %eq3A_1669 : vector<20x4096xi1> to vector<20x4096xi32>
    %convert_element_type3A_1671 = arith.sitofp %convert_element_type3A_1670 : vector<20x4096xi32> to vector<20x4096xf32>
    %mul3A_1672 = arith.mulf %slice3A_1617, %slice3A_1618 : vector<20x1xf32>
    %mul3A_1673 = vector.broadcast %mul3A_1672 : vector<20x1xf32> to vector<20x4096xf32>
    %mul3A_1674 = arith.mulf %convert_element_type3A_1671, %mul3A_1673 : vector<20x4096xf32>
    %add3A_1675 = arith.addf %add3A_1663, %mul3A_1674 : vector<20x4096xf32>
    %slice3A_1676 = vector.extract_strided_slice %add3A_113 {offsets = [0, 26], sizes = [20, 1], strides = [1, 1]} : vector<20x49xi32> to vector<20x1xi32>
    %slice3A_1677 = vector.extract_strided_slice %min3A_100 {offsets = [0, 26], sizes = [20, 1], strides = [1, 1]} : vector<20x49xf32> to vector<20x1xf32>
    %slice3A_1678 = vector.extract_strided_slice %min3A_107 {offsets = [0, 26], sizes = [20, 1], strides = [1, 1]} : vector<20x49xf32> to vector<20x1xf32>
    %eq3A_1679 = vector.broadcast %iota3A_114 : vector<1x4096xi32> to vector<20x4096xi32>
    %eq3A_1680 = vector.broadcast %slice3A_1676 : vector<20x1xi32> to vector<20x4096xi32>
    %eq3A_1681 = arith.cmpi eq, %eq3A_1679, %eq3A_1680 : vector<20x4096xi32>
    %convert_element_type3A_1682 = arith.extui %eq3A_1681 : vector<20x4096xi1> to vector<20x4096xi32>
    %convert_element_type3A_1683 = arith.sitofp %convert_element_type3A_1682 : vector<20x4096xi32> to vector<20x4096xf32>
    %sub3A_1684 = arith.constant 1.000000e+00 : f32
    %sub3A_1685 = vector.broadcast %sub3A_1684 : f32 to vector<20x1xf32>
    %sub3A_1686 = arith.subf %sub3A_1685, %slice3A_1677 : vector<20x1xf32>
    %sub3A_1687 = arith.constant 1.000000e+00 : f32
    %sub3A_1688 = vector.broadcast %sub3A_1687 : f32 to vector<20x1xf32>
    %sub3A_1689 = arith.subf %sub3A_1688, %slice3A_1678 : vector<20x1xf32>
    %mul3A_1690 = arith.mulf %sub3A_1686, %sub3A_1689 : vector<20x1xf32>
    %mul3A_1691 = vector.broadcast %mul3A_1690 : vector<20x1xf32> to vector<20x4096xf32>
    %mul3A_1692 = arith.mulf %convert_element_type3A_1683, %mul3A_1691 : vector<20x4096xf32>
    %add3A_1693 = arith.addf %add3A_1675, %mul3A_1692 : vector<20x4096xf32>
    %add3A_1694 = arith.constant 1 : i32
    %add3A_1695 = vector.broadcast %add3A_1694 : i32 to vector<20x1xi32>
    %add3A_1696 = arith.addi %slice3A_1676, %add3A_1695 : vector<20x1xi32>
    %eq3A_1697 = vector.broadcast %iota3A_114 : vector<1x4096xi32> to vector<20x4096xi32>
    %eq3A_1698 = vector.broadcast %add3A_1696 : vector<20x1xi32> to vector<20x4096xi32>
    %eq3A_1699 = arith.cmpi eq, %eq3A_1697, %eq3A_1698 : vector<20x4096xi32>
    %convert_element_type3A_1700 = arith.extui %eq3A_1699 : vector<20x4096xi1> to vector<20x4096xi32>
    %convert_element_type3A_1701 = arith.sitofp %convert_element_type3A_1700 : vector<20x4096xi32> to vector<20x4096xf32>
    %sub3A_1702 = arith.constant 1.000000e+00 : f32
    %sub3A_1703 = vector.broadcast %sub3A_1702 : f32 to vector<20x1xf32>
    %sub3A_1704 = arith.subf %sub3A_1703, %slice3A_1677 : vector<20x1xf32>
    %mul3A_1705 = arith.mulf %sub3A_1704, %slice3A_1678 : vector<20x1xf32>
    %mul3A_1706 = vector.broadcast %mul3A_1705 : vector<20x1xf32> to vector<20x4096xf32>
    %mul3A_1707 = arith.mulf %convert_element_type3A_1701, %mul3A_1706 : vector<20x4096xf32>
    %add3A_1708 = arith.addf %add3A_1693, %mul3A_1707 : vector<20x4096xf32>
    %add3A_1709 = arith.constant 64 : i32
    %add3A_1710 = vector.broadcast %add3A_1709 : i32 to vector<20x1xi32>
    %add3A_1711 = arith.addi %slice3A_1676, %add3A_1710 : vector<20x1xi32>
    %eq3A_1712 = vector.broadcast %iota3A_114 : vector<1x4096xi32> to vector<20x4096xi32>
    %eq3A_1713 = vector.broadcast %add3A_1711 : vector<20x1xi32> to vector<20x4096xi32>
    %eq3A_1714 = arith.cmpi eq, %eq3A_1712, %eq3A_1713 : vector<20x4096xi32>
    %convert_element_type3A_1715 = arith.extui %eq3A_1714 : vector<20x4096xi1> to vector<20x4096xi32>
    %convert_element_type3A_1716 = arith.sitofp %convert_element_type3A_1715 : vector<20x4096xi32> to vector<20x4096xf32>
    %sub3A_1717 = arith.constant 1.000000e+00 : f32
    %sub3A_1718 = vector.broadcast %sub3A_1717 : f32 to vector<20x1xf32>
    %sub3A_1719 = arith.subf %sub3A_1718, %slice3A_1678 : vector<20x1xf32>
    %mul3A_1720 = arith.mulf %slice3A_1677, %sub3A_1719 : vector<20x1xf32>
    %mul3A_1721 = vector.broadcast %mul3A_1720 : vector<20x1xf32> to vector<20x4096xf32>
    %mul3A_1722 = arith.mulf %convert_element_type3A_1716, %mul3A_1721 : vector<20x4096xf32>
    %add3A_1723 = arith.addf %add3A_1708, %mul3A_1722 : vector<20x4096xf32>
    %add3A_1724 = arith.constant 65 : i32
    %add3A_1725 = vector.broadcast %add3A_1724 : i32 to vector<20x1xi32>
    %add3A_1726 = arith.addi %slice3A_1676, %add3A_1725 : vector<20x1xi32>
    %eq3A_1727 = vector.broadcast %iota3A_114 : vector<1x4096xi32> to vector<20x4096xi32>
    %eq3A_1728 = vector.broadcast %add3A_1726 : vector<20x1xi32> to vector<20x4096xi32>
    %eq3A_1729 = arith.cmpi eq, %eq3A_1727, %eq3A_1728 : vector<20x4096xi32>
    %convert_element_type3A_1730 = arith.extui %eq3A_1729 : vector<20x4096xi1> to vector<20x4096xi32>
    %convert_element_type3A_1731 = arith.sitofp %convert_element_type3A_1730 : vector<20x4096xi32> to vector<20x4096xf32>
    %mul3A_1732 = arith.mulf %slice3A_1677, %slice3A_1678 : vector<20x1xf32>
    %mul3A_1733 = vector.broadcast %mul3A_1732 : vector<20x1xf32> to vector<20x4096xf32>
    %mul3A_1734 = arith.mulf %convert_element_type3A_1731, %mul3A_1733 : vector<20x4096xf32>
    %add3A_1735 = arith.addf %add3A_1723, %mul3A_1734 : vector<20x4096xf32>
    %slice3A_1736 = vector.extract_strided_slice %add3A_113 {offsets = [0, 27], sizes = [20, 1], strides = [1, 1]} : vector<20x49xi32> to vector<20x1xi32>
    %slice3A_1737 = vector.extract_strided_slice %min3A_100 {offsets = [0, 27], sizes = [20, 1], strides = [1, 1]} : vector<20x49xf32> to vector<20x1xf32>
    %slice3A_1738 = vector.extract_strided_slice %min3A_107 {offsets = [0, 27], sizes = [20, 1], strides = [1, 1]} : vector<20x49xf32> to vector<20x1xf32>
    %eq3A_1739 = vector.broadcast %iota3A_114 : vector<1x4096xi32> to vector<20x4096xi32>
    %eq3A_1740 = vector.broadcast %slice3A_1736 : vector<20x1xi32> to vector<20x4096xi32>
    %eq3A_1741 = arith.cmpi eq, %eq3A_1739, %eq3A_1740 : vector<20x4096xi32>
    %convert_element_type3A_1742 = arith.extui %eq3A_1741 : vector<20x4096xi1> to vector<20x4096xi32>
    %convert_element_type3A_1743 = arith.sitofp %convert_element_type3A_1742 : vector<20x4096xi32> to vector<20x4096xf32>
    %sub3A_1744 = arith.constant 1.000000e+00 : f32
    %sub3A_1745 = vector.broadcast %sub3A_1744 : f32 to vector<20x1xf32>
    %sub3A_1746 = arith.subf %sub3A_1745, %slice3A_1737 : vector<20x1xf32>
    %sub3A_1747 = arith.constant 1.000000e+00 : f32
    %sub3A_1748 = vector.broadcast %sub3A_1747 : f32 to vector<20x1xf32>
    %sub3A_1749 = arith.subf %sub3A_1748, %slice3A_1738 : vector<20x1xf32>
    %mul3A_1750 = arith.mulf %sub3A_1746, %sub3A_1749 : vector<20x1xf32>
    %mul3A_1751 = vector.broadcast %mul3A_1750 : vector<20x1xf32> to vector<20x4096xf32>
    %mul3A_1752 = arith.mulf %convert_element_type3A_1743, %mul3A_1751 : vector<20x4096xf32>
    %add3A_1753 = arith.addf %add3A_1735, %mul3A_1752 : vector<20x4096xf32>
    %add3A_1754 = arith.constant 1 : i32
    %add3A_1755 = vector.broadcast %add3A_1754 : i32 to vector<20x1xi32>
    %add3A_1756 = arith.addi %slice3A_1736, %add3A_1755 : vector<20x1xi32>
    %eq3A_1757 = vector.broadcast %iota3A_114 : vector<1x4096xi32> to vector<20x4096xi32>
    %eq3A_1758 = vector.broadcast %add3A_1756 : vector<20x1xi32> to vector<20x4096xi32>
    %eq3A_1759 = arith.cmpi eq, %eq3A_1757, %eq3A_1758 : vector<20x4096xi32>
    %convert_element_type3A_1760 = arith.extui %eq3A_1759 : vector<20x4096xi1> to vector<20x4096xi32>
    %convert_element_type3A_1761 = arith.sitofp %convert_element_type3A_1760 : vector<20x4096xi32> to vector<20x4096xf32>
    %sub3A_1762 = arith.constant 1.000000e+00 : f32
    %sub3A_1763 = vector.broadcast %sub3A_1762 : f32 to vector<20x1xf32>
    %sub3A_1764 = arith.subf %sub3A_1763, %slice3A_1737 : vector<20x1xf32>
    %mul3A_1765 = arith.mulf %sub3A_1764, %slice3A_1738 : vector<20x1xf32>
    %mul3A_1766 = vector.broadcast %mul3A_1765 : vector<20x1xf32> to vector<20x4096xf32>
    %mul3A_1767 = arith.mulf %convert_element_type3A_1761, %mul3A_1766 : vector<20x4096xf32>
    %add3A_1768 = arith.addf %add3A_1753, %mul3A_1767 : vector<20x4096xf32>
    %add3A_1769 = arith.constant 64 : i32
    %add3A_1770 = vector.broadcast %add3A_1769 : i32 to vector<20x1xi32>
    %add3A_1771 = arith.addi %slice3A_1736, %add3A_1770 : vector<20x1xi32>
    %eq3A_1772 = vector.broadcast %iota3A_114 : vector<1x4096xi32> to vector<20x4096xi32>
    %eq3A_1773 = vector.broadcast %add3A_1771 : vector<20x1xi32> to vector<20x4096xi32>
    %eq3A_1774 = arith.cmpi eq, %eq3A_1772, %eq3A_1773 : vector<20x4096xi32>
    %convert_element_type3A_1775 = arith.extui %eq3A_1774 : vector<20x4096xi1> to vector<20x4096xi32>
    %convert_element_type3A_1776 = arith.sitofp %convert_element_type3A_1775 : vector<20x4096xi32> to vector<20x4096xf32>
    %sub3A_1777 = arith.constant 1.000000e+00 : f32
    %sub3A_1778 = vector.broadcast %sub3A_1777 : f32 to vector<20x1xf32>
    %sub3A_1779 = arith.subf %sub3A_1778, %slice3A_1738 : vector<20x1xf32>
    %mul3A_1780 = arith.mulf %slice3A_1737, %sub3A_1779 : vector<20x1xf32>
    %mul3A_1781 = vector.broadcast %mul3A_1780 : vector<20x1xf32> to vector<20x4096xf32>
    %mul3A_1782 = arith.mulf %convert_element_type3A_1776, %mul3A_1781 : vector<20x4096xf32>
    %add3A_1783 = arith.addf %add3A_1768, %mul3A_1782 : vector<20x4096xf32>
    %add3A_1784 = arith.constant 65 : i32
    %add3A_1785 = vector.broadcast %add3A_1784 : i32 to vector<20x1xi32>
    %add3A_1786 = arith.addi %slice3A_1736, %add3A_1785 : vector<20x1xi32>
    %eq3A_1787 = vector.broadcast %iota3A_114 : vector<1x4096xi32> to vector<20x4096xi32>
    %eq3A_1788 = vector.broadcast %add3A_1786 : vector<20x1xi32> to vector<20x4096xi32>
    %eq3A_1789 = arith.cmpi eq, %eq3A_1787, %eq3A_1788 : vector<20x4096xi32>
    %convert_element_type3A_1790 = arith.extui %eq3A_1789 : vector<20x4096xi1> to vector<20x4096xi32>
    %convert_element_type3A_1791 = arith.sitofp %convert_element_type3A_1790 : vector<20x4096xi32> to vector<20x4096xf32>
    %mul3A_1792 = arith.mulf %slice3A_1737, %slice3A_1738 : vector<20x1xf32>
    %mul3A_1793 = vector.broadcast %mul3A_1792 : vector<20x1xf32> to vector<20x4096xf32>
    %mul3A_1794 = arith.mulf %convert_element_type3A_1791, %mul3A_1793 : vector<20x4096xf32>
    %add3A_1795 = arith.addf %add3A_1783, %mul3A_1794 : vector<20x4096xf32>
    %slice3A_1796 = vector.extract_strided_slice %add3A_113 {offsets = [0, 28], sizes = [20, 1], strides = [1, 1]} : vector<20x49xi32> to vector<20x1xi32>
    %slice3A_1797 = vector.extract_strided_slice %min3A_100 {offsets = [0, 28], sizes = [20, 1], strides = [1, 1]} : vector<20x49xf32> to vector<20x1xf32>
    %slice3A_1798 = vector.extract_strided_slice %min3A_107 {offsets = [0, 28], sizes = [20, 1], strides = [1, 1]} : vector<20x49xf32> to vector<20x1xf32>
    %eq3A_1799 = vector.broadcast %iota3A_114 : vector<1x4096xi32> to vector<20x4096xi32>
    %eq3A_1800 = vector.broadcast %slice3A_1796 : vector<20x1xi32> to vector<20x4096xi32>
    %eq3A_1801 = arith.cmpi eq, %eq3A_1799, %eq3A_1800 : vector<20x4096xi32>
    %convert_element_type3A_1802 = arith.extui %eq3A_1801 : vector<20x4096xi1> to vector<20x4096xi32>
    %convert_element_type3A_1803 = arith.sitofp %convert_element_type3A_1802 : vector<20x4096xi32> to vector<20x4096xf32>
    %sub3A_1804 = arith.constant 1.000000e+00 : f32
    %sub3A_1805 = vector.broadcast %sub3A_1804 : f32 to vector<20x1xf32>
    %sub3A_1806 = arith.subf %sub3A_1805, %slice3A_1797 : vector<20x1xf32>
    %sub3A_1807 = arith.constant 1.000000e+00 : f32
    %sub3A_1808 = vector.broadcast %sub3A_1807 : f32 to vector<20x1xf32>
    %sub3A_1809 = arith.subf %sub3A_1808, %slice3A_1798 : vector<20x1xf32>
    %mul3A_1810 = arith.mulf %sub3A_1806, %sub3A_1809 : vector<20x1xf32>
    %mul3A_1811 = vector.broadcast %mul3A_1810 : vector<20x1xf32> to vector<20x4096xf32>
    %mul3A_1812 = arith.mulf %convert_element_type3A_1803, %mul3A_1811 : vector<20x4096xf32>
    %add3A_1813 = arith.addf %add3A_1795, %mul3A_1812 : vector<20x4096xf32>
    %add3A_1814 = arith.constant 1 : i32
    %add3A_1815 = vector.broadcast %add3A_1814 : i32 to vector<20x1xi32>
    %add3A_1816 = arith.addi %slice3A_1796, %add3A_1815 : vector<20x1xi32>
    %eq3A_1817 = vector.broadcast %iota3A_114 : vector<1x4096xi32> to vector<20x4096xi32>
    %eq3A_1818 = vector.broadcast %add3A_1816 : vector<20x1xi32> to vector<20x4096xi32>
    %eq3A_1819 = arith.cmpi eq, %eq3A_1817, %eq3A_1818 : vector<20x4096xi32>
    %convert_element_type3A_1820 = arith.extui %eq3A_1819 : vector<20x4096xi1> to vector<20x4096xi32>
    %convert_element_type3A_1821 = arith.sitofp %convert_element_type3A_1820 : vector<20x4096xi32> to vector<20x4096xf32>
    %sub3A_1822 = arith.constant 1.000000e+00 : f32
    %sub3A_1823 = vector.broadcast %sub3A_1822 : f32 to vector<20x1xf32>
    %sub3A_1824 = arith.subf %sub3A_1823, %slice3A_1797 : vector<20x1xf32>
    %mul3A_1825 = arith.mulf %sub3A_1824, %slice3A_1798 : vector<20x1xf32>
    %mul3A_1826 = vector.broadcast %mul3A_1825 : vector<20x1xf32> to vector<20x4096xf32>
    %mul3A_1827 = arith.mulf %convert_element_type3A_1821, %mul3A_1826 : vector<20x4096xf32>
    %add3A_1828 = arith.addf %add3A_1813, %mul3A_1827 : vector<20x4096xf32>
    %add3A_1829 = arith.constant 64 : i32
    %add3A_1830 = vector.broadcast %add3A_1829 : i32 to vector<20x1xi32>
    %add3A_1831 = arith.addi %slice3A_1796, %add3A_1830 : vector<20x1xi32>
    %eq3A_1832 = vector.broadcast %iota3A_114 : vector<1x4096xi32> to vector<20x4096xi32>
    %eq3A_1833 = vector.broadcast %add3A_1831 : vector<20x1xi32> to vector<20x4096xi32>
    %eq3A_1834 = arith.cmpi eq, %eq3A_1832, %eq3A_1833 : vector<20x4096xi32>
    %convert_element_type3A_1835 = arith.extui %eq3A_1834 : vector<20x4096xi1> to vector<20x4096xi32>
    %convert_element_type3A_1836 = arith.sitofp %convert_element_type3A_1835 : vector<20x4096xi32> to vector<20x4096xf32>
    %sub3A_1837 = arith.constant 1.000000e+00 : f32
    %sub3A_1838 = vector.broadcast %sub3A_1837 : f32 to vector<20x1xf32>
    %sub3A_1839 = arith.subf %sub3A_1838, %slice3A_1798 : vector<20x1xf32>
    %mul3A_1840 = arith.mulf %slice3A_1797, %sub3A_1839 : vector<20x1xf32>
    %mul3A_1841 = vector.broadcast %mul3A_1840 : vector<20x1xf32> to vector<20x4096xf32>
    %mul3A_1842 = arith.mulf %convert_element_type3A_1836, %mul3A_1841 : vector<20x4096xf32>
    %add3A_1843 = arith.addf %add3A_1828, %mul3A_1842 : vector<20x4096xf32>
    %add3A_1844 = arith.constant 65 : i32
    %add3A_1845 = vector.broadcast %add3A_1844 : i32 to vector<20x1xi32>
    %add3A_1846 = arith.addi %slice3A_1796, %add3A_1845 : vector<20x1xi32>
    %eq3A_1847 = vector.broadcast %iota3A_114 : vector<1x4096xi32> to vector<20x4096xi32>
    %eq3A_1848 = vector.broadcast %add3A_1846 : vector<20x1xi32> to vector<20x4096xi32>
    %eq3A_1849 = arith.cmpi eq, %eq3A_1847, %eq3A_1848 : vector<20x4096xi32>
    %convert_element_type3A_1850 = arith.extui %eq3A_1849 : vector<20x4096xi1> to vector<20x4096xi32>
    %convert_element_type3A_1851 = arith.sitofp %convert_element_type3A_1850 : vector<20x4096xi32> to vector<20x4096xf32>
    %mul3A_1852 = arith.mulf %slice3A_1797, %slice3A_1798 : vector<20x1xf32>
    %mul3A_1853 = vector.broadcast %mul3A_1852 : vector<20x1xf32> to vector<20x4096xf32>
    %mul3A_1854 = arith.mulf %convert_element_type3A_1851, %mul3A_1853 : vector<20x4096xf32>
    %add3A_1855 = arith.addf %add3A_1843, %mul3A_1854 : vector<20x4096xf32>
    %slice3A_1856 = vector.extract_strided_slice %add3A_113 {offsets = [0, 29], sizes = [20, 1], strides = [1, 1]} : vector<20x49xi32> to vector<20x1xi32>
    %slice3A_1857 = vector.extract_strided_slice %min3A_100 {offsets = [0, 29], sizes = [20, 1], strides = [1, 1]} : vector<20x49xf32> to vector<20x1xf32>
    %slice3A_1858 = vector.extract_strided_slice %min3A_107 {offsets = [0, 29], sizes = [20, 1], strides = [1, 1]} : vector<20x49xf32> to vector<20x1xf32>
    %eq3A_1859 = vector.broadcast %iota3A_114 : vector<1x4096xi32> to vector<20x4096xi32>
    %eq3A_1860 = vector.broadcast %slice3A_1856 : vector<20x1xi32> to vector<20x4096xi32>
    %eq3A_1861 = arith.cmpi eq, %eq3A_1859, %eq3A_1860 : vector<20x4096xi32>
    %convert_element_type3A_1862 = arith.extui %eq3A_1861 : vector<20x4096xi1> to vector<20x4096xi32>
    %convert_element_type3A_1863 = arith.sitofp %convert_element_type3A_1862 : vector<20x4096xi32> to vector<20x4096xf32>
    %sub3A_1864 = arith.constant 1.000000e+00 : f32
    %sub3A_1865 = vector.broadcast %sub3A_1864 : f32 to vector<20x1xf32>
    %sub3A_1866 = arith.subf %sub3A_1865, %slice3A_1857 : vector<20x1xf32>
    %sub3A_1867 = arith.constant 1.000000e+00 : f32
    %sub3A_1868 = vector.broadcast %sub3A_1867 : f32 to vector<20x1xf32>
    %sub3A_1869 = arith.subf %sub3A_1868, %slice3A_1858 : vector<20x1xf32>
    %mul3A_1870 = arith.mulf %sub3A_1866, %sub3A_1869 : vector<20x1xf32>
    %mul3A_1871 = vector.broadcast %mul3A_1870 : vector<20x1xf32> to vector<20x4096xf32>
    %mul3A_1872 = arith.mulf %convert_element_type3A_1863, %mul3A_1871 : vector<20x4096xf32>
    %add3A_1873 = arith.addf %add3A_1855, %mul3A_1872 : vector<20x4096xf32>
    %add3A_1874 = arith.constant 1 : i32
    %add3A_1875 = vector.broadcast %add3A_1874 : i32 to vector<20x1xi32>
    %add3A_1876 = arith.addi %slice3A_1856, %add3A_1875 : vector<20x1xi32>
    %eq3A_1877 = vector.broadcast %iota3A_114 : vector<1x4096xi32> to vector<20x4096xi32>
    %eq3A_1878 = vector.broadcast %add3A_1876 : vector<20x1xi32> to vector<20x4096xi32>
    %eq3A_1879 = arith.cmpi eq, %eq3A_1877, %eq3A_1878 : vector<20x4096xi32>
    %convert_element_type3A_1880 = arith.extui %eq3A_1879 : vector<20x4096xi1> to vector<20x4096xi32>
    %convert_element_type3A_1881 = arith.sitofp %convert_element_type3A_1880 : vector<20x4096xi32> to vector<20x4096xf32>
    %sub3A_1882 = arith.constant 1.000000e+00 : f32
    %sub3A_1883 = vector.broadcast %sub3A_1882 : f32 to vector<20x1xf32>
    %sub3A_1884 = arith.subf %sub3A_1883, %slice3A_1857 : vector<20x1xf32>
    %mul3A_1885 = arith.mulf %sub3A_1884, %slice3A_1858 : vector<20x1xf32>
    %mul3A_1886 = vector.broadcast %mul3A_1885 : vector<20x1xf32> to vector<20x4096xf32>
    %mul3A_1887 = arith.mulf %convert_element_type3A_1881, %mul3A_1886 : vector<20x4096xf32>
    %add3A_1888 = arith.addf %add3A_1873, %mul3A_1887 : vector<20x4096xf32>
    %add3A_1889 = arith.constant 64 : i32
    %add3A_1890 = vector.broadcast %add3A_1889 : i32 to vector<20x1xi32>
    %add3A_1891 = arith.addi %slice3A_1856, %add3A_1890 : vector<20x1xi32>
    %eq3A_1892 = vector.broadcast %iota3A_114 : vector<1x4096xi32> to vector<20x4096xi32>
    %eq3A_1893 = vector.broadcast %add3A_1891 : vector<20x1xi32> to vector<20x4096xi32>
    %eq3A_1894 = arith.cmpi eq, %eq3A_1892, %eq3A_1893 : vector<20x4096xi32>
    %convert_element_type3A_1895 = arith.extui %eq3A_1894 : vector<20x4096xi1> to vector<20x4096xi32>
    %convert_element_type3A_1896 = arith.sitofp %convert_element_type3A_1895 : vector<20x4096xi32> to vector<20x4096xf32>
    %sub3A_1897 = arith.constant 1.000000e+00 : f32
    %sub3A_1898 = vector.broadcast %sub3A_1897 : f32 to vector<20x1xf32>
    %sub3A_1899 = arith.subf %sub3A_1898, %slice3A_1858 : vector<20x1xf32>
    %mul3A_1900 = arith.mulf %slice3A_1857, %sub3A_1899 : vector<20x1xf32>
    %mul3A_1901 = vector.broadcast %mul3A_1900 : vector<20x1xf32> to vector<20x4096xf32>
    %mul3A_1902 = arith.mulf %convert_element_type3A_1896, %mul3A_1901 : vector<20x4096xf32>
    %add3A_1903 = arith.addf %add3A_1888, %mul3A_1902 : vector<20x4096xf32>
    %add3A_1904 = arith.constant 65 : i32
    %add3A_1905 = vector.broadcast %add3A_1904 : i32 to vector<20x1xi32>
    %add3A_1906 = arith.addi %slice3A_1856, %add3A_1905 : vector<20x1xi32>
    %eq3A_1907 = vector.broadcast %iota3A_114 : vector<1x4096xi32> to vector<20x4096xi32>
    %eq3A_1908 = vector.broadcast %add3A_1906 : vector<20x1xi32> to vector<20x4096xi32>
    %eq3A_1909 = arith.cmpi eq, %eq3A_1907, %eq3A_1908 : vector<20x4096xi32>
    %convert_element_type3A_1910 = arith.extui %eq3A_1909 : vector<20x4096xi1> to vector<20x4096xi32>
    %convert_element_type3A_1911 = arith.sitofp %convert_element_type3A_1910 : vector<20x4096xi32> to vector<20x4096xf32>
    %mul3A_1912 = arith.mulf %slice3A_1857, %slice3A_1858 : vector<20x1xf32>
    %mul3A_1913 = vector.broadcast %mul3A_1912 : vector<20x1xf32> to vector<20x4096xf32>
    %mul3A_1914 = arith.mulf %convert_element_type3A_1911, %mul3A_1913 : vector<20x4096xf32>
    %add3A_1915 = arith.addf %add3A_1903, %mul3A_1914 : vector<20x4096xf32>
    %slice3A_1916 = vector.extract_strided_slice %add3A_113 {offsets = [0, 30], sizes = [20, 1], strides = [1, 1]} : vector<20x49xi32> to vector<20x1xi32>
    %slice3A_1917 = vector.extract_strided_slice %min3A_100 {offsets = [0, 30], sizes = [20, 1], strides = [1, 1]} : vector<20x49xf32> to vector<20x1xf32>
    %slice3A_1918 = vector.extract_strided_slice %min3A_107 {offsets = [0, 30], sizes = [20, 1], strides = [1, 1]} : vector<20x49xf32> to vector<20x1xf32>
    %eq3A_1919 = vector.broadcast %iota3A_114 : vector<1x4096xi32> to vector<20x4096xi32>
    %eq3A_1920 = vector.broadcast %slice3A_1916 : vector<20x1xi32> to vector<20x4096xi32>
    %eq3A_1921 = arith.cmpi eq, %eq3A_1919, %eq3A_1920 : vector<20x4096xi32>
    %convert_element_type3A_1922 = arith.extui %eq3A_1921 : vector<20x4096xi1> to vector<20x4096xi32>
    %convert_element_type3A_1923 = arith.sitofp %convert_element_type3A_1922 : vector<20x4096xi32> to vector<20x4096xf32>
    %sub3A_1924 = arith.constant 1.000000e+00 : f32
    %sub3A_1925 = vector.broadcast %sub3A_1924 : f32 to vector<20x1xf32>
    %sub3A_1926 = arith.subf %sub3A_1925, %slice3A_1917 : vector<20x1xf32>
    %sub3A_1927 = arith.constant 1.000000e+00 : f32
    %sub3A_1928 = vector.broadcast %sub3A_1927 : f32 to vector<20x1xf32>
    %sub3A_1929 = arith.subf %sub3A_1928, %slice3A_1918 : vector<20x1xf32>
    %mul3A_1930 = arith.mulf %sub3A_1926, %sub3A_1929 : vector<20x1xf32>
    %mul3A_1931 = vector.broadcast %mul3A_1930 : vector<20x1xf32> to vector<20x4096xf32>
    %mul3A_1932 = arith.mulf %convert_element_type3A_1923, %mul3A_1931 : vector<20x4096xf32>
    %add3A_1933 = arith.addf %add3A_1915, %mul3A_1932 : vector<20x4096xf32>
    %add3A_1934 = arith.constant 1 : i32
    %add3A_1935 = vector.broadcast %add3A_1934 : i32 to vector<20x1xi32>
    %add3A_1936 = arith.addi %slice3A_1916, %add3A_1935 : vector<20x1xi32>
    %eq3A_1937 = vector.broadcast %iota3A_114 : vector<1x4096xi32> to vector<20x4096xi32>
    %eq3A_1938 = vector.broadcast %add3A_1936 : vector<20x1xi32> to vector<20x4096xi32>
    %eq3A_1939 = arith.cmpi eq, %eq3A_1937, %eq3A_1938 : vector<20x4096xi32>
    %convert_element_type3A_1940 = arith.extui %eq3A_1939 : vector<20x4096xi1> to vector<20x4096xi32>
    %convert_element_type3A_1941 = arith.sitofp %convert_element_type3A_1940 : vector<20x4096xi32> to vector<20x4096xf32>
    %sub3A_1942 = arith.constant 1.000000e+00 : f32
    %sub3A_1943 = vector.broadcast %sub3A_1942 : f32 to vector<20x1xf32>
    %sub3A_1944 = arith.subf %sub3A_1943, %slice3A_1917 : vector<20x1xf32>
    %mul3A_1945 = arith.mulf %sub3A_1944, %slice3A_1918 : vector<20x1xf32>
    %mul3A_1946 = vector.broadcast %mul3A_1945 : vector<20x1xf32> to vector<20x4096xf32>
    %mul3A_1947 = arith.mulf %convert_element_type3A_1941, %mul3A_1946 : vector<20x4096xf32>
    %add3A_1948 = arith.addf %add3A_1933, %mul3A_1947 : vector<20x4096xf32>
    %add3A_1949 = arith.constant 64 : i32
    %add3A_1950 = vector.broadcast %add3A_1949 : i32 to vector<20x1xi32>
    %add3A_1951 = arith.addi %slice3A_1916, %add3A_1950 : vector<20x1xi32>
    %eq3A_1952 = vector.broadcast %iota3A_114 : vector<1x4096xi32> to vector<20x4096xi32>
    %eq3A_1953 = vector.broadcast %add3A_1951 : vector<20x1xi32> to vector<20x4096xi32>
    %eq3A_1954 = arith.cmpi eq, %eq3A_1952, %eq3A_1953 : vector<20x4096xi32>
    %convert_element_type3A_1955 = arith.extui %eq3A_1954 : vector<20x4096xi1> to vector<20x4096xi32>
    %convert_element_type3A_1956 = arith.sitofp %convert_element_type3A_1955 : vector<20x4096xi32> to vector<20x4096xf32>
    %sub3A_1957 = arith.constant 1.000000e+00 : f32
    %sub3A_1958 = vector.broadcast %sub3A_1957 : f32 to vector<20x1xf32>
    %sub3A_1959 = arith.subf %sub3A_1958, %slice3A_1918 : vector<20x1xf32>
    %mul3A_1960 = arith.mulf %slice3A_1917, %sub3A_1959 : vector<20x1xf32>
    %mul3A_1961 = vector.broadcast %mul3A_1960 : vector<20x1xf32> to vector<20x4096xf32>
    %mul3A_1962 = arith.mulf %convert_element_type3A_1956, %mul3A_1961 : vector<20x4096xf32>
    %add3A_1963 = arith.addf %add3A_1948, %mul3A_1962 : vector<20x4096xf32>
    %add3A_1964 = arith.constant 65 : i32
    %add3A_1965 = vector.broadcast %add3A_1964 : i32 to vector<20x1xi32>
    %add3A_1966 = arith.addi %slice3A_1916, %add3A_1965 : vector<20x1xi32>
    %eq3A_1967 = vector.broadcast %iota3A_114 : vector<1x4096xi32> to vector<20x4096xi32>
    %eq3A_1968 = vector.broadcast %add3A_1966 : vector<20x1xi32> to vector<20x4096xi32>
    %eq3A_1969 = arith.cmpi eq, %eq3A_1967, %eq3A_1968 : vector<20x4096xi32>
    %convert_element_type3A_1970 = arith.extui %eq3A_1969 : vector<20x4096xi1> to vector<20x4096xi32>
    %convert_element_type3A_1971 = arith.sitofp %convert_element_type3A_1970 : vector<20x4096xi32> to vector<20x4096xf32>
    %mul3A_1972 = arith.mulf %slice3A_1917, %slice3A_1918 : vector<20x1xf32>
    %mul3A_1973 = vector.broadcast %mul3A_1972 : vector<20x1xf32> to vector<20x4096xf32>
    %mul3A_1974 = arith.mulf %convert_element_type3A_1971, %mul3A_1973 : vector<20x4096xf32>
    %add3A_1975 = arith.addf %add3A_1963, %mul3A_1974 : vector<20x4096xf32>
    %slice3A_1976 = vector.extract_strided_slice %add3A_113 {offsets = [0, 31], sizes = [20, 1], strides = [1, 1]} : vector<20x49xi32> to vector<20x1xi32>
    %slice3A_1977 = vector.extract_strided_slice %min3A_100 {offsets = [0, 31], sizes = [20, 1], strides = [1, 1]} : vector<20x49xf32> to vector<20x1xf32>
    %slice3A_1978 = vector.extract_strided_slice %min3A_107 {offsets = [0, 31], sizes = [20, 1], strides = [1, 1]} : vector<20x49xf32> to vector<20x1xf32>
    %eq3A_1979 = vector.broadcast %iota3A_114 : vector<1x4096xi32> to vector<20x4096xi32>
    %eq3A_1980 = vector.broadcast %slice3A_1976 : vector<20x1xi32> to vector<20x4096xi32>
    %eq3A_1981 = arith.cmpi eq, %eq3A_1979, %eq3A_1980 : vector<20x4096xi32>
    %convert_element_type3A_1982 = arith.extui %eq3A_1981 : vector<20x4096xi1> to vector<20x4096xi32>
    %convert_element_type3A_1983 = arith.sitofp %convert_element_type3A_1982 : vector<20x4096xi32> to vector<20x4096xf32>
    %sub3A_1984 = arith.constant 1.000000e+00 : f32
    %sub3A_1985 = vector.broadcast %sub3A_1984 : f32 to vector<20x1xf32>
    %sub3A_1986 = arith.subf %sub3A_1985, %slice3A_1977 : vector<20x1xf32>
    %sub3A_1987 = arith.constant 1.000000e+00 : f32
    %sub3A_1988 = vector.broadcast %sub3A_1987 : f32 to vector<20x1xf32>
    %sub3A_1989 = arith.subf %sub3A_1988, %slice3A_1978 : vector<20x1xf32>
    %mul3A_1990 = arith.mulf %sub3A_1986, %sub3A_1989 : vector<20x1xf32>
    %mul3A_1991 = vector.broadcast %mul3A_1990 : vector<20x1xf32> to vector<20x4096xf32>
    %mul3A_1992 = arith.mulf %convert_element_type3A_1983, %mul3A_1991 : vector<20x4096xf32>
    %add3A_1993 = arith.addf %add3A_1975, %mul3A_1992 : vector<20x4096xf32>
    %add3A_1994 = arith.constant 1 : i32
    %add3A_1995 = vector.broadcast %add3A_1994 : i32 to vector<20x1xi32>
    %add3A_1996 = arith.addi %slice3A_1976, %add3A_1995 : vector<20x1xi32>
    %eq3A_1997 = vector.broadcast %iota3A_114 : vector<1x4096xi32> to vector<20x4096xi32>
    %eq3A_1998 = vector.broadcast %add3A_1996 : vector<20x1xi32> to vector<20x4096xi32>
    %eq3A_1999 = arith.cmpi eq, %eq3A_1997, %eq3A_1998 : vector<20x4096xi32>
    %convert_element_type3A_2000 = arith.extui %eq3A_1999 : vector<20x4096xi1> to vector<20x4096xi32>
    %convert_element_type3A_2001 = arith.sitofp %convert_element_type3A_2000 : vector<20x4096xi32> to vector<20x4096xf32>
    %sub3A_2002 = arith.constant 1.000000e+00 : f32
    %sub3A_2003 = vector.broadcast %sub3A_2002 : f32 to vector<20x1xf32>
    %sub3A_2004 = arith.subf %sub3A_2003, %slice3A_1977 : vector<20x1xf32>
    %mul3A_2005 = arith.mulf %sub3A_2004, %slice3A_1978 : vector<20x1xf32>
    %mul3A_2006 = vector.broadcast %mul3A_2005 : vector<20x1xf32> to vector<20x4096xf32>
    %mul3A_2007 = arith.mulf %convert_element_type3A_2001, %mul3A_2006 : vector<20x4096xf32>
    %add3A_2008 = arith.addf %add3A_1993, %mul3A_2007 : vector<20x4096xf32>
    %add3A_2009 = arith.constant 64 : i32
    %add3A_2010 = vector.broadcast %add3A_2009 : i32 to vector<20x1xi32>
    %add3A_2011 = arith.addi %slice3A_1976, %add3A_2010 : vector<20x1xi32>
    %eq3A_2012 = vector.broadcast %iota3A_114 : vector<1x4096xi32> to vector<20x4096xi32>
    %eq3A_2013 = vector.broadcast %add3A_2011 : vector<20x1xi32> to vector<20x4096xi32>
    %eq3A_2014 = arith.cmpi eq, %eq3A_2012, %eq3A_2013 : vector<20x4096xi32>
    %convert_element_type3A_2015 = arith.extui %eq3A_2014 : vector<20x4096xi1> to vector<20x4096xi32>
    %convert_element_type3A_2016 = arith.sitofp %convert_element_type3A_2015 : vector<20x4096xi32> to vector<20x4096xf32>
    %sub3A_2017 = arith.constant 1.000000e+00 : f32
    %sub3A_2018 = vector.broadcast %sub3A_2017 : f32 to vector<20x1xf32>
    %sub3A_2019 = arith.subf %sub3A_2018, %slice3A_1978 : vector<20x1xf32>
    %mul3A_2020 = arith.mulf %slice3A_1977, %sub3A_2019 : vector<20x1xf32>
    %mul3A_2021 = vector.broadcast %mul3A_2020 : vector<20x1xf32> to vector<20x4096xf32>
    %mul3A_2022 = arith.mulf %convert_element_type3A_2016, %mul3A_2021 : vector<20x4096xf32>
    %add3A_2023 = arith.addf %add3A_2008, %mul3A_2022 : vector<20x4096xf32>
    %add3A_2024 = arith.constant 65 : i32
    %add3A_2025 = vector.broadcast %add3A_2024 : i32 to vector<20x1xi32>
    %add3A_2026 = arith.addi %slice3A_1976, %add3A_2025 : vector<20x1xi32>
    %eq3A_2027 = vector.broadcast %iota3A_114 : vector<1x4096xi32> to vector<20x4096xi32>
    %eq3A_2028 = vector.broadcast %add3A_2026 : vector<20x1xi32> to vector<20x4096xi32>
    %eq3A_2029 = arith.cmpi eq, %eq3A_2027, %eq3A_2028 : vector<20x4096xi32>
    %convert_element_type3A_2030 = arith.extui %eq3A_2029 : vector<20x4096xi1> to vector<20x4096xi32>
    %convert_element_type3A_2031 = arith.sitofp %convert_element_type3A_2030 : vector<20x4096xi32> to vector<20x4096xf32>
    %mul3A_2032 = arith.mulf %slice3A_1977, %slice3A_1978 : vector<20x1xf32>
    %mul3A_2033 = vector.broadcast %mul3A_2032 : vector<20x1xf32> to vector<20x4096xf32>
    %mul3A_2034 = arith.mulf %convert_element_type3A_2031, %mul3A_2033 : vector<20x4096xf32>
    %add3A_2035 = arith.addf %add3A_2023, %mul3A_2034 : vector<20x4096xf32>
    %slice3A_2036 = vector.extract_strided_slice %add3A_113 {offsets = [0, 32], sizes = [20, 1], strides = [1, 1]} : vector<20x49xi32> to vector<20x1xi32>
    %slice3A_2037 = vector.extract_strided_slice %min3A_100 {offsets = [0, 32], sizes = [20, 1], strides = [1, 1]} : vector<20x49xf32> to vector<20x1xf32>
    %slice3A_2038 = vector.extract_strided_slice %min3A_107 {offsets = [0, 32], sizes = [20, 1], strides = [1, 1]} : vector<20x49xf32> to vector<20x1xf32>
    %eq3A_2039 = vector.broadcast %iota3A_114 : vector<1x4096xi32> to vector<20x4096xi32>
    %eq3A_2040 = vector.broadcast %slice3A_2036 : vector<20x1xi32> to vector<20x4096xi32>
    %eq3A_2041 = arith.cmpi eq, %eq3A_2039, %eq3A_2040 : vector<20x4096xi32>
    %convert_element_type3A_2042 = arith.extui %eq3A_2041 : vector<20x4096xi1> to vector<20x4096xi32>
    %convert_element_type3A_2043 = arith.sitofp %convert_element_type3A_2042 : vector<20x4096xi32> to vector<20x4096xf32>
    %sub3A_2044 = arith.constant 1.000000e+00 : f32
    %sub3A_2045 = vector.broadcast %sub3A_2044 : f32 to vector<20x1xf32>
    %sub3A_2046 = arith.subf %sub3A_2045, %slice3A_2037 : vector<20x1xf32>
    %sub3A_2047 = arith.constant 1.000000e+00 : f32
    %sub3A_2048 = vector.broadcast %sub3A_2047 : f32 to vector<20x1xf32>
    %sub3A_2049 = arith.subf %sub3A_2048, %slice3A_2038 : vector<20x1xf32>
    %mul3A_2050 = arith.mulf %sub3A_2046, %sub3A_2049 : vector<20x1xf32>
    %mul3A_2051 = vector.broadcast %mul3A_2050 : vector<20x1xf32> to vector<20x4096xf32>
    %mul3A_2052 = arith.mulf %convert_element_type3A_2043, %mul3A_2051 : vector<20x4096xf32>
    %add3A_2053 = arith.addf %add3A_2035, %mul3A_2052 : vector<20x4096xf32>
    %add3A_2054 = arith.constant 1 : i32
    %add3A_2055 = vector.broadcast %add3A_2054 : i32 to vector<20x1xi32>
    %add3A_2056 = arith.addi %slice3A_2036, %add3A_2055 : vector<20x1xi32>
    %eq3A_2057 = vector.broadcast %iota3A_114 : vector<1x4096xi32> to vector<20x4096xi32>
    %eq3A_2058 = vector.broadcast %add3A_2056 : vector<20x1xi32> to vector<20x4096xi32>
    %eq3A_2059 = arith.cmpi eq, %eq3A_2057, %eq3A_2058 : vector<20x4096xi32>
    %convert_element_type3A_2060 = arith.extui %eq3A_2059 : vector<20x4096xi1> to vector<20x4096xi32>
    %convert_element_type3A_2061 = arith.sitofp %convert_element_type3A_2060 : vector<20x4096xi32> to vector<20x4096xf32>
    %sub3A_2062 = arith.constant 1.000000e+00 : f32
    %sub3A_2063 = vector.broadcast %sub3A_2062 : f32 to vector<20x1xf32>
    %sub3A_2064 = arith.subf %sub3A_2063, %slice3A_2037 : vector<20x1xf32>
    %mul3A_2065 = arith.mulf %sub3A_2064, %slice3A_2038 : vector<20x1xf32>
    %mul3A_2066 = vector.broadcast %mul3A_2065 : vector<20x1xf32> to vector<20x4096xf32>
    %mul3A_2067 = arith.mulf %convert_element_type3A_2061, %mul3A_2066 : vector<20x4096xf32>
    %add3A_2068 = arith.addf %add3A_2053, %mul3A_2067 : vector<20x4096xf32>
    %add3A_2069 = arith.constant 64 : i32
    %add3A_2070 = vector.broadcast %add3A_2069 : i32 to vector<20x1xi32>
    %add3A_2071 = arith.addi %slice3A_2036, %add3A_2070 : vector<20x1xi32>
    %eq3A_2072 = vector.broadcast %iota3A_114 : vector<1x4096xi32> to vector<20x4096xi32>
    %eq3A_2073 = vector.broadcast %add3A_2071 : vector<20x1xi32> to vector<20x4096xi32>
    %eq3A_2074 = arith.cmpi eq, %eq3A_2072, %eq3A_2073 : vector<20x4096xi32>
    %convert_element_type3A_2075 = arith.extui %eq3A_2074 : vector<20x4096xi1> to vector<20x4096xi32>
    %convert_element_type3A_2076 = arith.sitofp %convert_element_type3A_2075 : vector<20x4096xi32> to vector<20x4096xf32>
    %sub3A_2077 = arith.constant 1.000000e+00 : f32
    %sub3A_2078 = vector.broadcast %sub3A_2077 : f32 to vector<20x1xf32>
    %sub3A_2079 = arith.subf %sub3A_2078, %slice3A_2038 : vector<20x1xf32>
    %mul3A_2080 = arith.mulf %slice3A_2037, %sub3A_2079 : vector<20x1xf32>
    %mul3A_2081 = vector.broadcast %mul3A_2080 : vector<20x1xf32> to vector<20x4096xf32>
    %mul3A_2082 = arith.mulf %convert_element_type3A_2076, %mul3A_2081 : vector<20x4096xf32>
    %add3A_2083 = arith.addf %add3A_2068, %mul3A_2082 : vector<20x4096xf32>
    %add3A_2084 = arith.constant 65 : i32
    %add3A_2085 = vector.broadcast %add3A_2084 : i32 to vector<20x1xi32>
    %add3A_2086 = arith.addi %slice3A_2036, %add3A_2085 : vector<20x1xi32>
    %eq3A_2087 = vector.broadcast %iota3A_114 : vector<1x4096xi32> to vector<20x4096xi32>
    %eq3A_2088 = vector.broadcast %add3A_2086 : vector<20x1xi32> to vector<20x4096xi32>
    %eq3A_2089 = arith.cmpi eq, %eq3A_2087, %eq3A_2088 : vector<20x4096xi32>
    %convert_element_type3A_2090 = arith.extui %eq3A_2089 : vector<20x4096xi1> to vector<20x4096xi32>
    %convert_element_type3A_2091 = arith.sitofp %convert_element_type3A_2090 : vector<20x4096xi32> to vector<20x4096xf32>
    %mul3A_2092 = arith.mulf %slice3A_2037, %slice3A_2038 : vector<20x1xf32>
    %mul3A_2093 = vector.broadcast %mul3A_2092 : vector<20x1xf32> to vector<20x4096xf32>
    %mul3A_2094 = arith.mulf %convert_element_type3A_2091, %mul3A_2093 : vector<20x4096xf32>
    %add3A_2095 = arith.addf %add3A_2083, %mul3A_2094 : vector<20x4096xf32>
    %slice3A_2096 = vector.extract_strided_slice %add3A_113 {offsets = [0, 33], sizes = [20, 1], strides = [1, 1]} : vector<20x49xi32> to vector<20x1xi32>
    %slice3A_2097 = vector.extract_strided_slice %min3A_100 {offsets = [0, 33], sizes = [20, 1], strides = [1, 1]} : vector<20x49xf32> to vector<20x1xf32>
    %slice3A_2098 = vector.extract_strided_slice %min3A_107 {offsets = [0, 33], sizes = [20, 1], strides = [1, 1]} : vector<20x49xf32> to vector<20x1xf32>
    %eq3A_2099 = vector.broadcast %iota3A_114 : vector<1x4096xi32> to vector<20x4096xi32>
    %eq3A_2100 = vector.broadcast %slice3A_2096 : vector<20x1xi32> to vector<20x4096xi32>
    %eq3A_2101 = arith.cmpi eq, %eq3A_2099, %eq3A_2100 : vector<20x4096xi32>
    %convert_element_type3A_2102 = arith.extui %eq3A_2101 : vector<20x4096xi1> to vector<20x4096xi32>
    %convert_element_type3A_2103 = arith.sitofp %convert_element_type3A_2102 : vector<20x4096xi32> to vector<20x4096xf32>
    %sub3A_2104 = arith.constant 1.000000e+00 : f32
    %sub3A_2105 = vector.broadcast %sub3A_2104 : f32 to vector<20x1xf32>
    %sub3A_2106 = arith.subf %sub3A_2105, %slice3A_2097 : vector<20x1xf32>
    %sub3A_2107 = arith.constant 1.000000e+00 : f32
    %sub3A_2108 = vector.broadcast %sub3A_2107 : f32 to vector<20x1xf32>
    %sub3A_2109 = arith.subf %sub3A_2108, %slice3A_2098 : vector<20x1xf32>
    %mul3A_2110 = arith.mulf %sub3A_2106, %sub3A_2109 : vector<20x1xf32>
    %mul3A_2111 = vector.broadcast %mul3A_2110 : vector<20x1xf32> to vector<20x4096xf32>
    %mul3A_2112 = arith.mulf %convert_element_type3A_2103, %mul3A_2111 : vector<20x4096xf32>
    %add3A_2113 = arith.addf %add3A_2095, %mul3A_2112 : vector<20x4096xf32>
    %add3A_2114 = arith.constant 1 : i32
    %add3A_2115 = vector.broadcast %add3A_2114 : i32 to vector<20x1xi32>
    %add3A_2116 = arith.addi %slice3A_2096, %add3A_2115 : vector<20x1xi32>
    %eq3A_2117 = vector.broadcast %iota3A_114 : vector<1x4096xi32> to vector<20x4096xi32>
    %eq3A_2118 = vector.broadcast %add3A_2116 : vector<20x1xi32> to vector<20x4096xi32>
    %eq3A_2119 = arith.cmpi eq, %eq3A_2117, %eq3A_2118 : vector<20x4096xi32>
    %convert_element_type3A_2120 = arith.extui %eq3A_2119 : vector<20x4096xi1> to vector<20x4096xi32>
    %convert_element_type3A_2121 = arith.sitofp %convert_element_type3A_2120 : vector<20x4096xi32> to vector<20x4096xf32>
    %sub3A_2122 = arith.constant 1.000000e+00 : f32
    %sub3A_2123 = vector.broadcast %sub3A_2122 : f32 to vector<20x1xf32>
    %sub3A_2124 = arith.subf %sub3A_2123, %slice3A_2097 : vector<20x1xf32>
    %mul3A_2125 = arith.mulf %sub3A_2124, %slice3A_2098 : vector<20x1xf32>
    %mul3A_2126 = vector.broadcast %mul3A_2125 : vector<20x1xf32> to vector<20x4096xf32>
    %mul3A_2127 = arith.mulf %convert_element_type3A_2121, %mul3A_2126 : vector<20x4096xf32>
    %add3A_2128 = arith.addf %add3A_2113, %mul3A_2127 : vector<20x4096xf32>
    %add3A_2129 = arith.constant 64 : i32
    %add3A_2130 = vector.broadcast %add3A_2129 : i32 to vector<20x1xi32>
    %add3A_2131 = arith.addi %slice3A_2096, %add3A_2130 : vector<20x1xi32>
    %eq3A_2132 = vector.broadcast %iota3A_114 : vector<1x4096xi32> to vector<20x4096xi32>
    %eq3A_2133 = vector.broadcast %add3A_2131 : vector<20x1xi32> to vector<20x4096xi32>
    %eq3A_2134 = arith.cmpi eq, %eq3A_2132, %eq3A_2133 : vector<20x4096xi32>
    %convert_element_type3A_2135 = arith.extui %eq3A_2134 : vector<20x4096xi1> to vector<20x4096xi32>
    %convert_element_type3A_2136 = arith.sitofp %convert_element_type3A_2135 : vector<20x4096xi32> to vector<20x4096xf32>
    %sub3A_2137 = arith.constant 1.000000e+00 : f32
    %sub3A_2138 = vector.broadcast %sub3A_2137 : f32 to vector<20x1xf32>
    %sub3A_2139 = arith.subf %sub3A_2138, %slice3A_2098 : vector<20x1xf32>
    %mul3A_2140 = arith.mulf %slice3A_2097, %sub3A_2139 : vector<20x1xf32>
    %mul3A_2141 = vector.broadcast %mul3A_2140 : vector<20x1xf32> to vector<20x4096xf32>
    %mul3A_2142 = arith.mulf %convert_element_type3A_2136, %mul3A_2141 : vector<20x4096xf32>
    %add3A_2143 = arith.addf %add3A_2128, %mul3A_2142 : vector<20x4096xf32>
    %add3A_2144 = arith.constant 65 : i32
    %add3A_2145 = vector.broadcast %add3A_2144 : i32 to vector<20x1xi32>
    %add3A_2146 = arith.addi %slice3A_2096, %add3A_2145 : vector<20x1xi32>
    %eq3A_2147 = vector.broadcast %iota3A_114 : vector<1x4096xi32> to vector<20x4096xi32>
    %eq3A_2148 = vector.broadcast %add3A_2146 : vector<20x1xi32> to vector<20x4096xi32>
    %eq3A_2149 = arith.cmpi eq, %eq3A_2147, %eq3A_2148 : vector<20x4096xi32>
    %convert_element_type3A_2150 = arith.extui %eq3A_2149 : vector<20x4096xi1> to vector<20x4096xi32>
    %convert_element_type3A_2151 = arith.sitofp %convert_element_type3A_2150 : vector<20x4096xi32> to vector<20x4096xf32>
    %mul3A_2152 = arith.mulf %slice3A_2097, %slice3A_2098 : vector<20x1xf32>
    %mul3A_2153 = vector.broadcast %mul3A_2152 : vector<20x1xf32> to vector<20x4096xf32>
    %mul3A_2154 = arith.mulf %convert_element_type3A_2151, %mul3A_2153 : vector<20x4096xf32>
    %add3A_2155 = arith.addf %add3A_2143, %mul3A_2154 : vector<20x4096xf32>
    %slice3A_2156 = vector.extract_strided_slice %add3A_113 {offsets = [0, 34], sizes = [20, 1], strides = [1, 1]} : vector<20x49xi32> to vector<20x1xi32>
    %slice3A_2157 = vector.extract_strided_slice %min3A_100 {offsets = [0, 34], sizes = [20, 1], strides = [1, 1]} : vector<20x49xf32> to vector<20x1xf32>
    %slice3A_2158 = vector.extract_strided_slice %min3A_107 {offsets = [0, 34], sizes = [20, 1], strides = [1, 1]} : vector<20x49xf32> to vector<20x1xf32>
    %eq3A_2159 = vector.broadcast %iota3A_114 : vector<1x4096xi32> to vector<20x4096xi32>
    %eq3A_2160 = vector.broadcast %slice3A_2156 : vector<20x1xi32> to vector<20x4096xi32>
    %eq3A_2161 = arith.cmpi eq, %eq3A_2159, %eq3A_2160 : vector<20x4096xi32>
    %convert_element_type3A_2162 = arith.extui %eq3A_2161 : vector<20x4096xi1> to vector<20x4096xi32>
    %convert_element_type3A_2163 = arith.sitofp %convert_element_type3A_2162 : vector<20x4096xi32> to vector<20x4096xf32>
    %sub3A_2164 = arith.constant 1.000000e+00 : f32
    %sub3A_2165 = vector.broadcast %sub3A_2164 : f32 to vector<20x1xf32>
    %sub3A_2166 = arith.subf %sub3A_2165, %slice3A_2157 : vector<20x1xf32>
    %sub3A_2167 = arith.constant 1.000000e+00 : f32
    %sub3A_2168 = vector.broadcast %sub3A_2167 : f32 to vector<20x1xf32>
    %sub3A_2169 = arith.subf %sub3A_2168, %slice3A_2158 : vector<20x1xf32>
    %mul3A_2170 = arith.mulf %sub3A_2166, %sub3A_2169 : vector<20x1xf32>
    %mul3A_2171 = vector.broadcast %mul3A_2170 : vector<20x1xf32> to vector<20x4096xf32>
    %mul3A_2172 = arith.mulf %convert_element_type3A_2163, %mul3A_2171 : vector<20x4096xf32>
    %add3A_2173 = arith.addf %add3A_2155, %mul3A_2172 : vector<20x4096xf32>
    %add3A_2174 = arith.constant 1 : i32
    %add3A_2175 = vector.broadcast %add3A_2174 : i32 to vector<20x1xi32>
    %add3A_2176 = arith.addi %slice3A_2156, %add3A_2175 : vector<20x1xi32>
    %eq3A_2177 = vector.broadcast %iota3A_114 : vector<1x4096xi32> to vector<20x4096xi32>
    %eq3A_2178 = vector.broadcast %add3A_2176 : vector<20x1xi32> to vector<20x4096xi32>
    %eq3A_2179 = arith.cmpi eq, %eq3A_2177, %eq3A_2178 : vector<20x4096xi32>
    %convert_element_type3A_2180 = arith.extui %eq3A_2179 : vector<20x4096xi1> to vector<20x4096xi32>
    %convert_element_type3A_2181 = arith.sitofp %convert_element_type3A_2180 : vector<20x4096xi32> to vector<20x4096xf32>
    %sub3A_2182 = arith.constant 1.000000e+00 : f32
    %sub3A_2183 = vector.broadcast %sub3A_2182 : f32 to vector<20x1xf32>
    %sub3A_2184 = arith.subf %sub3A_2183, %slice3A_2157 : vector<20x1xf32>
    %mul3A_2185 = arith.mulf %sub3A_2184, %slice3A_2158 : vector<20x1xf32>
    %mul3A_2186 = vector.broadcast %mul3A_2185 : vector<20x1xf32> to vector<20x4096xf32>
    %mul3A_2187 = arith.mulf %convert_element_type3A_2181, %mul3A_2186 : vector<20x4096xf32>
    %add3A_2188 = arith.addf %add3A_2173, %mul3A_2187 : vector<20x4096xf32>
    %add3A_2189 = arith.constant 64 : i32
    %add3A_2190 = vector.broadcast %add3A_2189 : i32 to vector<20x1xi32>
    %add3A_2191 = arith.addi %slice3A_2156, %add3A_2190 : vector<20x1xi32>
    %eq3A_2192 = vector.broadcast %iota3A_114 : vector<1x4096xi32> to vector<20x4096xi32>
    %eq3A_2193 = vector.broadcast %add3A_2191 : vector<20x1xi32> to vector<20x4096xi32>
    %eq3A_2194 = arith.cmpi eq, %eq3A_2192, %eq3A_2193 : vector<20x4096xi32>
    %convert_element_type3A_2195 = arith.extui %eq3A_2194 : vector<20x4096xi1> to vector<20x4096xi32>
    %convert_element_type3A_2196 = arith.sitofp %convert_element_type3A_2195 : vector<20x4096xi32> to vector<20x4096xf32>
    %sub3A_2197 = arith.constant 1.000000e+00 : f32
    %sub3A_2198 = vector.broadcast %sub3A_2197 : f32 to vector<20x1xf32>
    %sub3A_2199 = arith.subf %sub3A_2198, %slice3A_2158 : vector<20x1xf32>
    %mul3A_2200 = arith.mulf %slice3A_2157, %sub3A_2199 : vector<20x1xf32>
    %mul3A_2201 = vector.broadcast %mul3A_2200 : vector<20x1xf32> to vector<20x4096xf32>
    %mul3A_2202 = arith.mulf %convert_element_type3A_2196, %mul3A_2201 : vector<20x4096xf32>
    %add3A_2203 = arith.addf %add3A_2188, %mul3A_2202 : vector<20x4096xf32>
    %add3A_2204 = arith.constant 65 : i32
    %add3A_2205 = vector.broadcast %add3A_2204 : i32 to vector<20x1xi32>
    %add3A_2206 = arith.addi %slice3A_2156, %add3A_2205 : vector<20x1xi32>
    %eq3A_2207 = vector.broadcast %iota3A_114 : vector<1x4096xi32> to vector<20x4096xi32>
    %eq3A_2208 = vector.broadcast %add3A_2206 : vector<20x1xi32> to vector<20x4096xi32>
    %eq3A_2209 = arith.cmpi eq, %eq3A_2207, %eq3A_2208 : vector<20x4096xi32>
    %convert_element_type3A_2210 = arith.extui %eq3A_2209 : vector<20x4096xi1> to vector<20x4096xi32>
    %convert_element_type3A_2211 = arith.sitofp %convert_element_type3A_2210 : vector<20x4096xi32> to vector<20x4096xf32>
    %mul3A_2212 = arith.mulf %slice3A_2157, %slice3A_2158 : vector<20x1xf32>
    %mul3A_2213 = vector.broadcast %mul3A_2212 : vector<20x1xf32> to vector<20x4096xf32>
    %mul3A_2214 = arith.mulf %convert_element_type3A_2211, %mul3A_2213 : vector<20x4096xf32>
    %add3A_2215 = arith.addf %add3A_2203, %mul3A_2214 : vector<20x4096xf32>
    %slice3A_2216 = vector.extract_strided_slice %add3A_113 {offsets = [0, 35], sizes = [20, 1], strides = [1, 1]} : vector<20x49xi32> to vector<20x1xi32>
    %slice3A_2217 = vector.extract_strided_slice %min3A_100 {offsets = [0, 35], sizes = [20, 1], strides = [1, 1]} : vector<20x49xf32> to vector<20x1xf32>
    %slice3A_2218 = vector.extract_strided_slice %min3A_107 {offsets = [0, 35], sizes = [20, 1], strides = [1, 1]} : vector<20x49xf32> to vector<20x1xf32>
    %eq3A_2219 = vector.broadcast %iota3A_114 : vector<1x4096xi32> to vector<20x4096xi32>
    %eq3A_2220 = vector.broadcast %slice3A_2216 : vector<20x1xi32> to vector<20x4096xi32>
    %eq3A_2221 = arith.cmpi eq, %eq3A_2219, %eq3A_2220 : vector<20x4096xi32>
    %convert_element_type3A_2222 = arith.extui %eq3A_2221 : vector<20x4096xi1> to vector<20x4096xi32>
    %convert_element_type3A_2223 = arith.sitofp %convert_element_type3A_2222 : vector<20x4096xi32> to vector<20x4096xf32>
    %sub3A_2224 = arith.constant 1.000000e+00 : f32
    %sub3A_2225 = vector.broadcast %sub3A_2224 : f32 to vector<20x1xf32>
    %sub3A_2226 = arith.subf %sub3A_2225, %slice3A_2217 : vector<20x1xf32>
    %sub3A_2227 = arith.constant 1.000000e+00 : f32
    %sub3A_2228 = vector.broadcast %sub3A_2227 : f32 to vector<20x1xf32>
    %sub3A_2229 = arith.subf %sub3A_2228, %slice3A_2218 : vector<20x1xf32>
    %mul3A_2230 = arith.mulf %sub3A_2226, %sub3A_2229 : vector<20x1xf32>
    %mul3A_2231 = vector.broadcast %mul3A_2230 : vector<20x1xf32> to vector<20x4096xf32>
    %mul3A_2232 = arith.mulf %convert_element_type3A_2223, %mul3A_2231 : vector<20x4096xf32>
    %add3A_2233 = arith.addf %add3A_2215, %mul3A_2232 : vector<20x4096xf32>
    %add3A_2234 = arith.constant 1 : i32
    %add3A_2235 = vector.broadcast %add3A_2234 : i32 to vector<20x1xi32>
    %add3A_2236 = arith.addi %slice3A_2216, %add3A_2235 : vector<20x1xi32>
    %eq3A_2237 = vector.broadcast %iota3A_114 : vector<1x4096xi32> to vector<20x4096xi32>
    %eq3A_2238 = vector.broadcast %add3A_2236 : vector<20x1xi32> to vector<20x4096xi32>
    %eq3A_2239 = arith.cmpi eq, %eq3A_2237, %eq3A_2238 : vector<20x4096xi32>
    %convert_element_type3A_2240 = arith.extui %eq3A_2239 : vector<20x4096xi1> to vector<20x4096xi32>
    %convert_element_type3A_2241 = arith.sitofp %convert_element_type3A_2240 : vector<20x4096xi32> to vector<20x4096xf32>
    %sub3A_2242 = arith.constant 1.000000e+00 : f32
    %sub3A_2243 = vector.broadcast %sub3A_2242 : f32 to vector<20x1xf32>
    %sub3A_2244 = arith.subf %sub3A_2243, %slice3A_2217 : vector<20x1xf32>
    %mul3A_2245 = arith.mulf %sub3A_2244, %slice3A_2218 : vector<20x1xf32>
    %mul3A_2246 = vector.broadcast %mul3A_2245 : vector<20x1xf32> to vector<20x4096xf32>
    %mul3A_2247 = arith.mulf %convert_element_type3A_2241, %mul3A_2246 : vector<20x4096xf32>
    %add3A_2248 = arith.addf %add3A_2233, %mul3A_2247 : vector<20x4096xf32>
    %add3A_2249 = arith.constant 64 : i32
    %add3A_2250 = vector.broadcast %add3A_2249 : i32 to vector<20x1xi32>
    %add3A_2251 = arith.addi %slice3A_2216, %add3A_2250 : vector<20x1xi32>
    %eq3A_2252 = vector.broadcast %iota3A_114 : vector<1x4096xi32> to vector<20x4096xi32>
    %eq3A_2253 = vector.broadcast %add3A_2251 : vector<20x1xi32> to vector<20x4096xi32>
    %eq3A_2254 = arith.cmpi eq, %eq3A_2252, %eq3A_2253 : vector<20x4096xi32>
    %convert_element_type3A_2255 = arith.extui %eq3A_2254 : vector<20x4096xi1> to vector<20x4096xi32>
    %convert_element_type3A_2256 = arith.sitofp %convert_element_type3A_2255 : vector<20x4096xi32> to vector<20x4096xf32>
    %sub3A_2257 = arith.constant 1.000000e+00 : f32
    %sub3A_2258 = vector.broadcast %sub3A_2257 : f32 to vector<20x1xf32>
    %sub3A_2259 = arith.subf %sub3A_2258, %slice3A_2218 : vector<20x1xf32>
    %mul3A_2260 = arith.mulf %slice3A_2217, %sub3A_2259 : vector<20x1xf32>
    %mul3A_2261 = vector.broadcast %mul3A_2260 : vector<20x1xf32> to vector<20x4096xf32>
    %mul3A_2262 = arith.mulf %convert_element_type3A_2256, %mul3A_2261 : vector<20x4096xf32>
    %add3A_2263 = arith.addf %add3A_2248, %mul3A_2262 : vector<20x4096xf32>
    %add3A_2264 = arith.constant 65 : i32
    %add3A_2265 = vector.broadcast %add3A_2264 : i32 to vector<20x1xi32>
    %add3A_2266 = arith.addi %slice3A_2216, %add3A_2265 : vector<20x1xi32>
    %eq3A_2267 = vector.broadcast %iota3A_114 : vector<1x4096xi32> to vector<20x4096xi32>
    %eq3A_2268 = vector.broadcast %add3A_2266 : vector<20x1xi32> to vector<20x4096xi32>
    %eq3A_2269 = arith.cmpi eq, %eq3A_2267, %eq3A_2268 : vector<20x4096xi32>
    %convert_element_type3A_2270 = arith.extui %eq3A_2269 : vector<20x4096xi1> to vector<20x4096xi32>
    %convert_element_type3A_2271 = arith.sitofp %convert_element_type3A_2270 : vector<20x4096xi32> to vector<20x4096xf32>
    %mul3A_2272 = arith.mulf %slice3A_2217, %slice3A_2218 : vector<20x1xf32>
    %mul3A_2273 = vector.broadcast %mul3A_2272 : vector<20x1xf32> to vector<20x4096xf32>
    %mul3A_2274 = arith.mulf %convert_element_type3A_2271, %mul3A_2273 : vector<20x4096xf32>
    %add3A_2275 = arith.addf %add3A_2263, %mul3A_2274 : vector<20x4096xf32>
    %slice3A_2276 = vector.extract_strided_slice %add3A_113 {offsets = [0, 36], sizes = [20, 1], strides = [1, 1]} : vector<20x49xi32> to vector<20x1xi32>
    %slice3A_2277 = vector.extract_strided_slice %min3A_100 {offsets = [0, 36], sizes = [20, 1], strides = [1, 1]} : vector<20x49xf32> to vector<20x1xf32>
    %slice3A_2278 = vector.extract_strided_slice %min3A_107 {offsets = [0, 36], sizes = [20, 1], strides = [1, 1]} : vector<20x49xf32> to vector<20x1xf32>
    %eq3A_2279 = vector.broadcast %iota3A_114 : vector<1x4096xi32> to vector<20x4096xi32>
    %eq3A_2280 = vector.broadcast %slice3A_2276 : vector<20x1xi32> to vector<20x4096xi32>
    %eq3A_2281 = arith.cmpi eq, %eq3A_2279, %eq3A_2280 : vector<20x4096xi32>
    %convert_element_type3A_2282 = arith.extui %eq3A_2281 : vector<20x4096xi1> to vector<20x4096xi32>
    %convert_element_type3A_2283 = arith.sitofp %convert_element_type3A_2282 : vector<20x4096xi32> to vector<20x4096xf32>
    %sub3A_2284 = arith.constant 1.000000e+00 : f32
    %sub3A_2285 = vector.broadcast %sub3A_2284 : f32 to vector<20x1xf32>
    %sub3A_2286 = arith.subf %sub3A_2285, %slice3A_2277 : vector<20x1xf32>
    %sub3A_2287 = arith.constant 1.000000e+00 : f32
    %sub3A_2288 = vector.broadcast %sub3A_2287 : f32 to vector<20x1xf32>
    %sub3A_2289 = arith.subf %sub3A_2288, %slice3A_2278 : vector<20x1xf32>
    %mul3A_2290 = arith.mulf %sub3A_2286, %sub3A_2289 : vector<20x1xf32>
    %mul3A_2291 = vector.broadcast %mul3A_2290 : vector<20x1xf32> to vector<20x4096xf32>
    %mul3A_2292 = arith.mulf %convert_element_type3A_2283, %mul3A_2291 : vector<20x4096xf32>
    %add3A_2293 = arith.addf %add3A_2275, %mul3A_2292 : vector<20x4096xf32>
    %add3A_2294 = arith.constant 1 : i32
    %add3A_2295 = vector.broadcast %add3A_2294 : i32 to vector<20x1xi32>
    %add3A_2296 = arith.addi %slice3A_2276, %add3A_2295 : vector<20x1xi32>
    %eq3A_2297 = vector.broadcast %iota3A_114 : vector<1x4096xi32> to vector<20x4096xi32>
    %eq3A_2298 = vector.broadcast %add3A_2296 : vector<20x1xi32> to vector<20x4096xi32>
    %eq3A_2299 = arith.cmpi eq, %eq3A_2297, %eq3A_2298 : vector<20x4096xi32>
    %convert_element_type3A_2300 = arith.extui %eq3A_2299 : vector<20x4096xi1> to vector<20x4096xi32>
    %convert_element_type3A_2301 = arith.sitofp %convert_element_type3A_2300 : vector<20x4096xi32> to vector<20x4096xf32>
    %sub3A_2302 = arith.constant 1.000000e+00 : f32
    %sub3A_2303 = vector.broadcast %sub3A_2302 : f32 to vector<20x1xf32>
    %sub3A_2304 = arith.subf %sub3A_2303, %slice3A_2277 : vector<20x1xf32>
    %mul3A_2305 = arith.mulf %sub3A_2304, %slice3A_2278 : vector<20x1xf32>
    %mul3A_2306 = vector.broadcast %mul3A_2305 : vector<20x1xf32> to vector<20x4096xf32>
    %mul3A_2307 = arith.mulf %convert_element_type3A_2301, %mul3A_2306 : vector<20x4096xf32>
    %add3A_2308 = arith.addf %add3A_2293, %mul3A_2307 : vector<20x4096xf32>
    %add3A_2309 = arith.constant 64 : i32
    %add3A_2310 = vector.broadcast %add3A_2309 : i32 to vector<20x1xi32>
    %add3A_2311 = arith.addi %slice3A_2276, %add3A_2310 : vector<20x1xi32>
    %eq3A_2312 = vector.broadcast %iota3A_114 : vector<1x4096xi32> to vector<20x4096xi32>
    %eq3A_2313 = vector.broadcast %add3A_2311 : vector<20x1xi32> to vector<20x4096xi32>
    %eq3A_2314 = arith.cmpi eq, %eq3A_2312, %eq3A_2313 : vector<20x4096xi32>
    %convert_element_type3A_2315 = arith.extui %eq3A_2314 : vector<20x4096xi1> to vector<20x4096xi32>
    %convert_element_type3A_2316 = arith.sitofp %convert_element_type3A_2315 : vector<20x4096xi32> to vector<20x4096xf32>
    %sub3A_2317 = arith.constant 1.000000e+00 : f32
    %sub3A_2318 = vector.broadcast %sub3A_2317 : f32 to vector<20x1xf32>
    %sub3A_2319 = arith.subf %sub3A_2318, %slice3A_2278 : vector<20x1xf32>
    %mul3A_2320 = arith.mulf %slice3A_2277, %sub3A_2319 : vector<20x1xf32>
    %mul3A_2321 = vector.broadcast %mul3A_2320 : vector<20x1xf32> to vector<20x4096xf32>
    %mul3A_2322 = arith.mulf %convert_element_type3A_2316, %mul3A_2321 : vector<20x4096xf32>
    %add3A_2323 = arith.addf %add3A_2308, %mul3A_2322 : vector<20x4096xf32>
    %add3A_2324 = arith.constant 65 : i32
    %add3A_2325 = vector.broadcast %add3A_2324 : i32 to vector<20x1xi32>
    %add3A_2326 = arith.addi %slice3A_2276, %add3A_2325 : vector<20x1xi32>
    %eq3A_2327 = vector.broadcast %iota3A_114 : vector<1x4096xi32> to vector<20x4096xi32>
    %eq3A_2328 = vector.broadcast %add3A_2326 : vector<20x1xi32> to vector<20x4096xi32>
    %eq3A_2329 = arith.cmpi eq, %eq3A_2327, %eq3A_2328 : vector<20x4096xi32>
    %convert_element_type3A_2330 = arith.extui %eq3A_2329 : vector<20x4096xi1> to vector<20x4096xi32>
    %convert_element_type3A_2331 = arith.sitofp %convert_element_type3A_2330 : vector<20x4096xi32> to vector<20x4096xf32>
    %mul3A_2332 = arith.mulf %slice3A_2277, %slice3A_2278 : vector<20x1xf32>
    %mul3A_2333 = vector.broadcast %mul3A_2332 : vector<20x1xf32> to vector<20x4096xf32>
    %mul3A_2334 = arith.mulf %convert_element_type3A_2331, %mul3A_2333 : vector<20x4096xf32>
    %add3A_2335 = arith.addf %add3A_2323, %mul3A_2334 : vector<20x4096xf32>
    %slice3A_2336 = vector.extract_strided_slice %add3A_113 {offsets = [0, 37], sizes = [20, 1], strides = [1, 1]} : vector<20x49xi32> to vector<20x1xi32>
    %slice3A_2337 = vector.extract_strided_slice %min3A_100 {offsets = [0, 37], sizes = [20, 1], strides = [1, 1]} : vector<20x49xf32> to vector<20x1xf32>
    %slice3A_2338 = vector.extract_strided_slice %min3A_107 {offsets = [0, 37], sizes = [20, 1], strides = [1, 1]} : vector<20x49xf32> to vector<20x1xf32>
    %eq3A_2339 = vector.broadcast %iota3A_114 : vector<1x4096xi32> to vector<20x4096xi32>
    %eq3A_2340 = vector.broadcast %slice3A_2336 : vector<20x1xi32> to vector<20x4096xi32>
    %eq3A_2341 = arith.cmpi eq, %eq3A_2339, %eq3A_2340 : vector<20x4096xi32>
    %convert_element_type3A_2342 = arith.extui %eq3A_2341 : vector<20x4096xi1> to vector<20x4096xi32>
    %convert_element_type3A_2343 = arith.sitofp %convert_element_type3A_2342 : vector<20x4096xi32> to vector<20x4096xf32>
    %sub3A_2344 = arith.constant 1.000000e+00 : f32
    %sub3A_2345 = vector.broadcast %sub3A_2344 : f32 to vector<20x1xf32>
    %sub3A_2346 = arith.subf %sub3A_2345, %slice3A_2337 : vector<20x1xf32>
    %sub3A_2347 = arith.constant 1.000000e+00 : f32
    %sub3A_2348 = vector.broadcast %sub3A_2347 : f32 to vector<20x1xf32>
    %sub3A_2349 = arith.subf %sub3A_2348, %slice3A_2338 : vector<20x1xf32>
    %mul3A_2350 = arith.mulf %sub3A_2346, %sub3A_2349 : vector<20x1xf32>
    %mul3A_2351 = vector.broadcast %mul3A_2350 : vector<20x1xf32> to vector<20x4096xf32>
    %mul3A_2352 = arith.mulf %convert_element_type3A_2343, %mul3A_2351 : vector<20x4096xf32>
    %add3A_2353 = arith.addf %add3A_2335, %mul3A_2352 : vector<20x4096xf32>
    %add3A_2354 = arith.constant 1 : i32
    %add3A_2355 = vector.broadcast %add3A_2354 : i32 to vector<20x1xi32>
    %add3A_2356 = arith.addi %slice3A_2336, %add3A_2355 : vector<20x1xi32>
    %eq3A_2357 = vector.broadcast %iota3A_114 : vector<1x4096xi32> to vector<20x4096xi32>
    %eq3A_2358 = vector.broadcast %add3A_2356 : vector<20x1xi32> to vector<20x4096xi32>
    %eq3A_2359 = arith.cmpi eq, %eq3A_2357, %eq3A_2358 : vector<20x4096xi32>
    %convert_element_type3A_2360 = arith.extui %eq3A_2359 : vector<20x4096xi1> to vector<20x4096xi32>
    %convert_element_type3A_2361 = arith.sitofp %convert_element_type3A_2360 : vector<20x4096xi32> to vector<20x4096xf32>
    %sub3A_2362 = arith.constant 1.000000e+00 : f32
    %sub3A_2363 = vector.broadcast %sub3A_2362 : f32 to vector<20x1xf32>
    %sub3A_2364 = arith.subf %sub3A_2363, %slice3A_2337 : vector<20x1xf32>
    %mul3A_2365 = arith.mulf %sub3A_2364, %slice3A_2338 : vector<20x1xf32>
    %mul3A_2366 = vector.broadcast %mul3A_2365 : vector<20x1xf32> to vector<20x4096xf32>
    %mul3A_2367 = arith.mulf %convert_element_type3A_2361, %mul3A_2366 : vector<20x4096xf32>
    %add3A_2368 = arith.addf %add3A_2353, %mul3A_2367 : vector<20x4096xf32>
    %add3A_2369 = arith.constant 64 : i32
    %add3A_2370 = vector.broadcast %add3A_2369 : i32 to vector<20x1xi32>
    %add3A_2371 = arith.addi %slice3A_2336, %add3A_2370 : vector<20x1xi32>
    %eq3A_2372 = vector.broadcast %iota3A_114 : vector<1x4096xi32> to vector<20x4096xi32>
    %eq3A_2373 = vector.broadcast %add3A_2371 : vector<20x1xi32> to vector<20x4096xi32>
    %eq3A_2374 = arith.cmpi eq, %eq3A_2372, %eq3A_2373 : vector<20x4096xi32>
    %convert_element_type3A_2375 = arith.extui %eq3A_2374 : vector<20x4096xi1> to vector<20x4096xi32>
    %convert_element_type3A_2376 = arith.sitofp %convert_element_type3A_2375 : vector<20x4096xi32> to vector<20x4096xf32>
    %sub3A_2377 = arith.constant 1.000000e+00 : f32
    %sub3A_2378 = vector.broadcast %sub3A_2377 : f32 to vector<20x1xf32>
    %sub3A_2379 = arith.subf %sub3A_2378, %slice3A_2338 : vector<20x1xf32>
    %mul3A_2380 = arith.mulf %slice3A_2337, %sub3A_2379 : vector<20x1xf32>
    %mul3A_2381 = vector.broadcast %mul3A_2380 : vector<20x1xf32> to vector<20x4096xf32>
    %mul3A_2382 = arith.mulf %convert_element_type3A_2376, %mul3A_2381 : vector<20x4096xf32>
    %add3A_2383 = arith.addf %add3A_2368, %mul3A_2382 : vector<20x4096xf32>
    %add3A_2384 = arith.constant 65 : i32
    %add3A_2385 = vector.broadcast %add3A_2384 : i32 to vector<20x1xi32>
    %add3A_2386 = arith.addi %slice3A_2336, %add3A_2385 : vector<20x1xi32>
    %eq3A_2387 = vector.broadcast %iota3A_114 : vector<1x4096xi32> to vector<20x4096xi32>
    %eq3A_2388 = vector.broadcast %add3A_2386 : vector<20x1xi32> to vector<20x4096xi32>
    %eq3A_2389 = arith.cmpi eq, %eq3A_2387, %eq3A_2388 : vector<20x4096xi32>
    %convert_element_type3A_2390 = arith.extui %eq3A_2389 : vector<20x4096xi1> to vector<20x4096xi32>
    %convert_element_type3A_2391 = arith.sitofp %convert_element_type3A_2390 : vector<20x4096xi32> to vector<20x4096xf32>
    %mul3A_2392 = arith.mulf %slice3A_2337, %slice3A_2338 : vector<20x1xf32>
    %mul3A_2393 = vector.broadcast %mul3A_2392 : vector<20x1xf32> to vector<20x4096xf32>
    %mul3A_2394 = arith.mulf %convert_element_type3A_2391, %mul3A_2393 : vector<20x4096xf32>
    %add3A_2395 = arith.addf %add3A_2383, %mul3A_2394 : vector<20x4096xf32>
    %slice3A_2396 = vector.extract_strided_slice %add3A_113 {offsets = [0, 38], sizes = [20, 1], strides = [1, 1]} : vector<20x49xi32> to vector<20x1xi32>
    %slice3A_2397 = vector.extract_strided_slice %min3A_100 {offsets = [0, 38], sizes = [20, 1], strides = [1, 1]} : vector<20x49xf32> to vector<20x1xf32>
    %slice3A_2398 = vector.extract_strided_slice %min3A_107 {offsets = [0, 38], sizes = [20, 1], strides = [1, 1]} : vector<20x49xf32> to vector<20x1xf32>
    %eq3A_2399 = vector.broadcast %iota3A_114 : vector<1x4096xi32> to vector<20x4096xi32>
    %eq3A_2400 = vector.broadcast %slice3A_2396 : vector<20x1xi32> to vector<20x4096xi32>
    %eq3A_2401 = arith.cmpi eq, %eq3A_2399, %eq3A_2400 : vector<20x4096xi32>
    %convert_element_type3A_2402 = arith.extui %eq3A_2401 : vector<20x4096xi1> to vector<20x4096xi32>
    %convert_element_type3A_2403 = arith.sitofp %convert_element_type3A_2402 : vector<20x4096xi32> to vector<20x4096xf32>
    %sub3A_2404 = arith.constant 1.000000e+00 : f32
    %sub3A_2405 = vector.broadcast %sub3A_2404 : f32 to vector<20x1xf32>
    %sub3A_2406 = arith.subf %sub3A_2405, %slice3A_2397 : vector<20x1xf32>
    %sub3A_2407 = arith.constant 1.000000e+00 : f32
    %sub3A_2408 = vector.broadcast %sub3A_2407 : f32 to vector<20x1xf32>
    %sub3A_2409 = arith.subf %sub3A_2408, %slice3A_2398 : vector<20x1xf32>
    %mul3A_2410 = arith.mulf %sub3A_2406, %sub3A_2409 : vector<20x1xf32>
    %mul3A_2411 = vector.broadcast %mul3A_2410 : vector<20x1xf32> to vector<20x4096xf32>
    %mul3A_2412 = arith.mulf %convert_element_type3A_2403, %mul3A_2411 : vector<20x4096xf32>
    %add3A_2413 = arith.addf %add3A_2395, %mul3A_2412 : vector<20x4096xf32>
    %add3A_2414 = arith.constant 1 : i32
    %add3A_2415 = vector.broadcast %add3A_2414 : i32 to vector<20x1xi32>
    %add3A_2416 = arith.addi %slice3A_2396, %add3A_2415 : vector<20x1xi32>
    %eq3A_2417 = vector.broadcast %iota3A_114 : vector<1x4096xi32> to vector<20x4096xi32>
    %eq3A_2418 = vector.broadcast %add3A_2416 : vector<20x1xi32> to vector<20x4096xi32>
    %eq3A_2419 = arith.cmpi eq, %eq3A_2417, %eq3A_2418 : vector<20x4096xi32>
    %convert_element_type3A_2420 = arith.extui %eq3A_2419 : vector<20x4096xi1> to vector<20x4096xi32>
    %convert_element_type3A_2421 = arith.sitofp %convert_element_type3A_2420 : vector<20x4096xi32> to vector<20x4096xf32>
    %sub3A_2422 = arith.constant 1.000000e+00 : f32
    %sub3A_2423 = vector.broadcast %sub3A_2422 : f32 to vector<20x1xf32>
    %sub3A_2424 = arith.subf %sub3A_2423, %slice3A_2397 : vector<20x1xf32>
    %mul3A_2425 = arith.mulf %sub3A_2424, %slice3A_2398 : vector<20x1xf32>
    %mul3A_2426 = vector.broadcast %mul3A_2425 : vector<20x1xf32> to vector<20x4096xf32>
    %mul3A_2427 = arith.mulf %convert_element_type3A_2421, %mul3A_2426 : vector<20x4096xf32>
    %add3A_2428 = arith.addf %add3A_2413, %mul3A_2427 : vector<20x4096xf32>
    %add3A_2429 = arith.constant 64 : i32
    %add3A_2430 = vector.broadcast %add3A_2429 : i32 to vector<20x1xi32>
    %add3A_2431 = arith.addi %slice3A_2396, %add3A_2430 : vector<20x1xi32>
    %eq3A_2432 = vector.broadcast %iota3A_114 : vector<1x4096xi32> to vector<20x4096xi32>
    %eq3A_2433 = vector.broadcast %add3A_2431 : vector<20x1xi32> to vector<20x4096xi32>
    %eq3A_2434 = arith.cmpi eq, %eq3A_2432, %eq3A_2433 : vector<20x4096xi32>
    %convert_element_type3A_2435 = arith.extui %eq3A_2434 : vector<20x4096xi1> to vector<20x4096xi32>
    %convert_element_type3A_2436 = arith.sitofp %convert_element_type3A_2435 : vector<20x4096xi32> to vector<20x4096xf32>
    %sub3A_2437 = arith.constant 1.000000e+00 : f32
    %sub3A_2438 = vector.broadcast %sub3A_2437 : f32 to vector<20x1xf32>
    %sub3A_2439 = arith.subf %sub3A_2438, %slice3A_2398 : vector<20x1xf32>
    %mul3A_2440 = arith.mulf %slice3A_2397, %sub3A_2439 : vector<20x1xf32>
    %mul3A_2441 = vector.broadcast %mul3A_2440 : vector<20x1xf32> to vector<20x4096xf32>
    %mul3A_2442 = arith.mulf %convert_element_type3A_2436, %mul3A_2441 : vector<20x4096xf32>
    %add3A_2443 = arith.addf %add3A_2428, %mul3A_2442 : vector<20x4096xf32>
    %add3A_2444 = arith.constant 65 : i32
    %add3A_2445 = vector.broadcast %add3A_2444 : i32 to vector<20x1xi32>
    %add3A_2446 = arith.addi %slice3A_2396, %add3A_2445 : vector<20x1xi32>
    %eq3A_2447 = vector.broadcast %iota3A_114 : vector<1x4096xi32> to vector<20x4096xi32>
    %eq3A_2448 = vector.broadcast %add3A_2446 : vector<20x1xi32> to vector<20x4096xi32>
    %eq3A_2449 = arith.cmpi eq, %eq3A_2447, %eq3A_2448 : vector<20x4096xi32>
    %convert_element_type3A_2450 = arith.extui %eq3A_2449 : vector<20x4096xi1> to vector<20x4096xi32>
    %convert_element_type3A_2451 = arith.sitofp %convert_element_type3A_2450 : vector<20x4096xi32> to vector<20x4096xf32>
    %mul3A_2452 = arith.mulf %slice3A_2397, %slice3A_2398 : vector<20x1xf32>
    %mul3A_2453 = vector.broadcast %mul3A_2452 : vector<20x1xf32> to vector<20x4096xf32>
    %mul3A_2454 = arith.mulf %convert_element_type3A_2451, %mul3A_2453 : vector<20x4096xf32>
    %add3A_2455 = arith.addf %add3A_2443, %mul3A_2454 : vector<20x4096xf32>
    %slice3A_2456 = vector.extract_strided_slice %add3A_113 {offsets = [0, 39], sizes = [20, 1], strides = [1, 1]} : vector<20x49xi32> to vector<20x1xi32>
    %slice3A_2457 = vector.extract_strided_slice %min3A_100 {offsets = [0, 39], sizes = [20, 1], strides = [1, 1]} : vector<20x49xf32> to vector<20x1xf32>
    %slice3A_2458 = vector.extract_strided_slice %min3A_107 {offsets = [0, 39], sizes = [20, 1], strides = [1, 1]} : vector<20x49xf32> to vector<20x1xf32>
    %eq3A_2459 = vector.broadcast %iota3A_114 : vector<1x4096xi32> to vector<20x4096xi32>
    %eq3A_2460 = vector.broadcast %slice3A_2456 : vector<20x1xi32> to vector<20x4096xi32>
    %eq3A_2461 = arith.cmpi eq, %eq3A_2459, %eq3A_2460 : vector<20x4096xi32>
    %convert_element_type3A_2462 = arith.extui %eq3A_2461 : vector<20x4096xi1> to vector<20x4096xi32>
    %convert_element_type3A_2463 = arith.sitofp %convert_element_type3A_2462 : vector<20x4096xi32> to vector<20x4096xf32>
    %sub3A_2464 = arith.constant 1.000000e+00 : f32
    %sub3A_2465 = vector.broadcast %sub3A_2464 : f32 to vector<20x1xf32>
    %sub3A_2466 = arith.subf %sub3A_2465, %slice3A_2457 : vector<20x1xf32>
    %sub3A_2467 = arith.constant 1.000000e+00 : f32
    %sub3A_2468 = vector.broadcast %sub3A_2467 : f32 to vector<20x1xf32>
    %sub3A_2469 = arith.subf %sub3A_2468, %slice3A_2458 : vector<20x1xf32>
    %mul3A_2470 = arith.mulf %sub3A_2466, %sub3A_2469 : vector<20x1xf32>
    %mul3A_2471 = vector.broadcast %mul3A_2470 : vector<20x1xf32> to vector<20x4096xf32>
    %mul3A_2472 = arith.mulf %convert_element_type3A_2463, %mul3A_2471 : vector<20x4096xf32>
    %add3A_2473 = arith.addf %add3A_2455, %mul3A_2472 : vector<20x4096xf32>
    %add3A_2474 = arith.constant 1 : i32
    %add3A_2475 = vector.broadcast %add3A_2474 : i32 to vector<20x1xi32>
    %add3A_2476 = arith.addi %slice3A_2456, %add3A_2475 : vector<20x1xi32>
    %eq3A_2477 = vector.broadcast %iota3A_114 : vector<1x4096xi32> to vector<20x4096xi32>
    %eq3A_2478 = vector.broadcast %add3A_2476 : vector<20x1xi32> to vector<20x4096xi32>
    %eq3A_2479 = arith.cmpi eq, %eq3A_2477, %eq3A_2478 : vector<20x4096xi32>
    %convert_element_type3A_2480 = arith.extui %eq3A_2479 : vector<20x4096xi1> to vector<20x4096xi32>
    %convert_element_type3A_2481 = arith.sitofp %convert_element_type3A_2480 : vector<20x4096xi32> to vector<20x4096xf32>
    %sub3A_2482 = arith.constant 1.000000e+00 : f32
    %sub3A_2483 = vector.broadcast %sub3A_2482 : f32 to vector<20x1xf32>
    %sub3A_2484 = arith.subf %sub3A_2483, %slice3A_2457 : vector<20x1xf32>
    %mul3A_2485 = arith.mulf %sub3A_2484, %slice3A_2458 : vector<20x1xf32>
    %mul3A_2486 = vector.broadcast %mul3A_2485 : vector<20x1xf32> to vector<20x4096xf32>
    %mul3A_2487 = arith.mulf %convert_element_type3A_2481, %mul3A_2486 : vector<20x4096xf32>
    %add3A_2488 = arith.addf %add3A_2473, %mul3A_2487 : vector<20x4096xf32>
    %add3A_2489 = arith.constant 64 : i32
    %add3A_2490 = vector.broadcast %add3A_2489 : i32 to vector<20x1xi32>
    %add3A_2491 = arith.addi %slice3A_2456, %add3A_2490 : vector<20x1xi32>
    %eq3A_2492 = vector.broadcast %iota3A_114 : vector<1x4096xi32> to vector<20x4096xi32>
    %eq3A_2493 = vector.broadcast %add3A_2491 : vector<20x1xi32> to vector<20x4096xi32>
    %eq3A_2494 = arith.cmpi eq, %eq3A_2492, %eq3A_2493 : vector<20x4096xi32>
    %convert_element_type3A_2495 = arith.extui %eq3A_2494 : vector<20x4096xi1> to vector<20x4096xi32>
    %convert_element_type3A_2496 = arith.sitofp %convert_element_type3A_2495 : vector<20x4096xi32> to vector<20x4096xf32>
    %sub3A_2497 = arith.constant 1.000000e+00 : f32
    %sub3A_2498 = vector.broadcast %sub3A_2497 : f32 to vector<20x1xf32>
    %sub3A_2499 = arith.subf %sub3A_2498, %slice3A_2458 : vector<20x1xf32>
    %mul3A_2500 = arith.mulf %slice3A_2457, %sub3A_2499 : vector<20x1xf32>
    %mul3A_2501 = vector.broadcast %mul3A_2500 : vector<20x1xf32> to vector<20x4096xf32>
    %mul3A_2502 = arith.mulf %convert_element_type3A_2496, %mul3A_2501 : vector<20x4096xf32>
    %add3A_2503 = arith.addf %add3A_2488, %mul3A_2502 : vector<20x4096xf32>
    %add3A_2504 = arith.constant 65 : i32
    %add3A_2505 = vector.broadcast %add3A_2504 : i32 to vector<20x1xi32>
    %add3A_2506 = arith.addi %slice3A_2456, %add3A_2505 : vector<20x1xi32>
    %eq3A_2507 = vector.broadcast %iota3A_114 : vector<1x4096xi32> to vector<20x4096xi32>
    %eq3A_2508 = vector.broadcast %add3A_2506 : vector<20x1xi32> to vector<20x4096xi32>
    %eq3A_2509 = arith.cmpi eq, %eq3A_2507, %eq3A_2508 : vector<20x4096xi32>
    %convert_element_type3A_2510 = arith.extui %eq3A_2509 : vector<20x4096xi1> to vector<20x4096xi32>
    %convert_element_type3A_2511 = arith.sitofp %convert_element_type3A_2510 : vector<20x4096xi32> to vector<20x4096xf32>
    %mul3A_2512 = arith.mulf %slice3A_2457, %slice3A_2458 : vector<20x1xf32>
    %mul3A_2513 = vector.broadcast %mul3A_2512 : vector<20x1xf32> to vector<20x4096xf32>
    %mul3A_2514 = arith.mulf %convert_element_type3A_2511, %mul3A_2513 : vector<20x4096xf32>
    %add3A_2515 = arith.addf %add3A_2503, %mul3A_2514 : vector<20x4096xf32>
    %slice3A_2516 = vector.extract_strided_slice %add3A_113 {offsets = [0, 40], sizes = [20, 1], strides = [1, 1]} : vector<20x49xi32> to vector<20x1xi32>
    %slice3A_2517 = vector.extract_strided_slice %min3A_100 {offsets = [0, 40], sizes = [20, 1], strides = [1, 1]} : vector<20x49xf32> to vector<20x1xf32>
    %slice3A_2518 = vector.extract_strided_slice %min3A_107 {offsets = [0, 40], sizes = [20, 1], strides = [1, 1]} : vector<20x49xf32> to vector<20x1xf32>
    %eq3A_2519 = vector.broadcast %iota3A_114 : vector<1x4096xi32> to vector<20x4096xi32>
    %eq3A_2520 = vector.broadcast %slice3A_2516 : vector<20x1xi32> to vector<20x4096xi32>
    %eq3A_2521 = arith.cmpi eq, %eq3A_2519, %eq3A_2520 : vector<20x4096xi32>
    %convert_element_type3A_2522 = arith.extui %eq3A_2521 : vector<20x4096xi1> to vector<20x4096xi32>
    %convert_element_type3A_2523 = arith.sitofp %convert_element_type3A_2522 : vector<20x4096xi32> to vector<20x4096xf32>
    %sub3A_2524 = arith.constant 1.000000e+00 : f32
    %sub3A_2525 = vector.broadcast %sub3A_2524 : f32 to vector<20x1xf32>
    %sub3A_2526 = arith.subf %sub3A_2525, %slice3A_2517 : vector<20x1xf32>
    %sub3A_2527 = arith.constant 1.000000e+00 : f32
    %sub3A_2528 = vector.broadcast %sub3A_2527 : f32 to vector<20x1xf32>
    %sub3A_2529 = arith.subf %sub3A_2528, %slice3A_2518 : vector<20x1xf32>
    %mul3A_2530 = arith.mulf %sub3A_2526, %sub3A_2529 : vector<20x1xf32>
    %mul3A_2531 = vector.broadcast %mul3A_2530 : vector<20x1xf32> to vector<20x4096xf32>
    %mul3A_2532 = arith.mulf %convert_element_type3A_2523, %mul3A_2531 : vector<20x4096xf32>
    %add3A_2533 = arith.addf %add3A_2515, %mul3A_2532 : vector<20x4096xf32>
    %add3A_2534 = arith.constant 1 : i32
    %add3A_2535 = vector.broadcast %add3A_2534 : i32 to vector<20x1xi32>
    %add3A_2536 = arith.addi %slice3A_2516, %add3A_2535 : vector<20x1xi32>
    %eq3A_2537 = vector.broadcast %iota3A_114 : vector<1x4096xi32> to vector<20x4096xi32>
    %eq3A_2538 = vector.broadcast %add3A_2536 : vector<20x1xi32> to vector<20x4096xi32>
    %eq3A_2539 = arith.cmpi eq, %eq3A_2537, %eq3A_2538 : vector<20x4096xi32>
    %convert_element_type3A_2540 = arith.extui %eq3A_2539 : vector<20x4096xi1> to vector<20x4096xi32>
    %convert_element_type3A_2541 = arith.sitofp %convert_element_type3A_2540 : vector<20x4096xi32> to vector<20x4096xf32>
    %sub3A_2542 = arith.constant 1.000000e+00 : f32
    %sub3A_2543 = vector.broadcast %sub3A_2542 : f32 to vector<20x1xf32>
    %sub3A_2544 = arith.subf %sub3A_2543, %slice3A_2517 : vector<20x1xf32>
    %mul3A_2545 = arith.mulf %sub3A_2544, %slice3A_2518 : vector<20x1xf32>
    %mul3A_2546 = vector.broadcast %mul3A_2545 : vector<20x1xf32> to vector<20x4096xf32>
    %mul3A_2547 = arith.mulf %convert_element_type3A_2541, %mul3A_2546 : vector<20x4096xf32>
    %add3A_2548 = arith.addf %add3A_2533, %mul3A_2547 : vector<20x4096xf32>
    %add3A_2549 = arith.constant 64 : i32
    %add3A_2550 = vector.broadcast %add3A_2549 : i32 to vector<20x1xi32>
    %add3A_2551 = arith.addi %slice3A_2516, %add3A_2550 : vector<20x1xi32>
    %eq3A_2552 = vector.broadcast %iota3A_114 : vector<1x4096xi32> to vector<20x4096xi32>
    %eq3A_2553 = vector.broadcast %add3A_2551 : vector<20x1xi32> to vector<20x4096xi32>
    %eq3A_2554 = arith.cmpi eq, %eq3A_2552, %eq3A_2553 : vector<20x4096xi32>
    %convert_element_type3A_2555 = arith.extui %eq3A_2554 : vector<20x4096xi1> to vector<20x4096xi32>
    %convert_element_type3A_2556 = arith.sitofp %convert_element_type3A_2555 : vector<20x4096xi32> to vector<20x4096xf32>
    %sub3A_2557 = arith.constant 1.000000e+00 : f32
    %sub3A_2558 = vector.broadcast %sub3A_2557 : f32 to vector<20x1xf32>
    %sub3A_2559 = arith.subf %sub3A_2558, %slice3A_2518 : vector<20x1xf32>
    %mul3A_2560 = arith.mulf %slice3A_2517, %sub3A_2559 : vector<20x1xf32>
    %mul3A_2561 = vector.broadcast %mul3A_2560 : vector<20x1xf32> to vector<20x4096xf32>
    %mul3A_2562 = arith.mulf %convert_element_type3A_2556, %mul3A_2561 : vector<20x4096xf32>
    %add3A_2563 = arith.addf %add3A_2548, %mul3A_2562 : vector<20x4096xf32>
    %add3A_2564 = arith.constant 65 : i32
    %add3A_2565 = vector.broadcast %add3A_2564 : i32 to vector<20x1xi32>
    %add3A_2566 = arith.addi %slice3A_2516, %add3A_2565 : vector<20x1xi32>
    %eq3A_2567 = vector.broadcast %iota3A_114 : vector<1x4096xi32> to vector<20x4096xi32>
    %eq3A_2568 = vector.broadcast %add3A_2566 : vector<20x1xi32> to vector<20x4096xi32>
    %eq3A_2569 = arith.cmpi eq, %eq3A_2567, %eq3A_2568 : vector<20x4096xi32>
    %convert_element_type3A_2570 = arith.extui %eq3A_2569 : vector<20x4096xi1> to vector<20x4096xi32>
    %convert_element_type3A_2571 = arith.sitofp %convert_element_type3A_2570 : vector<20x4096xi32> to vector<20x4096xf32>
    %mul3A_2572 = arith.mulf %slice3A_2517, %slice3A_2518 : vector<20x1xf32>
    %mul3A_2573 = vector.broadcast %mul3A_2572 : vector<20x1xf32> to vector<20x4096xf32>
    %mul3A_2574 = arith.mulf %convert_element_type3A_2571, %mul3A_2573 : vector<20x4096xf32>
    %add3A_2575 = arith.addf %add3A_2563, %mul3A_2574 : vector<20x4096xf32>
    %slice3A_2576 = vector.extract_strided_slice %add3A_113 {offsets = [0, 41], sizes = [20, 1], strides = [1, 1]} : vector<20x49xi32> to vector<20x1xi32>
    %slice3A_2577 = vector.extract_strided_slice %min3A_100 {offsets = [0, 41], sizes = [20, 1], strides = [1, 1]} : vector<20x49xf32> to vector<20x1xf32>
    %slice3A_2578 = vector.extract_strided_slice %min3A_107 {offsets = [0, 41], sizes = [20, 1], strides = [1, 1]} : vector<20x49xf32> to vector<20x1xf32>
    %eq3A_2579 = vector.broadcast %iota3A_114 : vector<1x4096xi32> to vector<20x4096xi32>
    %eq3A_2580 = vector.broadcast %slice3A_2576 : vector<20x1xi32> to vector<20x4096xi32>
    %eq3A_2581 = arith.cmpi eq, %eq3A_2579, %eq3A_2580 : vector<20x4096xi32>
    %convert_element_type3A_2582 = arith.extui %eq3A_2581 : vector<20x4096xi1> to vector<20x4096xi32>
    %convert_element_type3A_2583 = arith.sitofp %convert_element_type3A_2582 : vector<20x4096xi32> to vector<20x4096xf32>
    %sub3A_2584 = arith.constant 1.000000e+00 : f32
    %sub3A_2585 = vector.broadcast %sub3A_2584 : f32 to vector<20x1xf32>
    %sub3A_2586 = arith.subf %sub3A_2585, %slice3A_2577 : vector<20x1xf32>
    %sub3A_2587 = arith.constant 1.000000e+00 : f32
    %sub3A_2588 = vector.broadcast %sub3A_2587 : f32 to vector<20x1xf32>
    %sub3A_2589 = arith.subf %sub3A_2588, %slice3A_2578 : vector<20x1xf32>
    %mul3A_2590 = arith.mulf %sub3A_2586, %sub3A_2589 : vector<20x1xf32>
    %mul3A_2591 = vector.broadcast %mul3A_2590 : vector<20x1xf32> to vector<20x4096xf32>
    %mul3A_2592 = arith.mulf %convert_element_type3A_2583, %mul3A_2591 : vector<20x4096xf32>
    %add3A_2593 = arith.addf %add3A_2575, %mul3A_2592 : vector<20x4096xf32>
    %add3A_2594 = arith.constant 1 : i32
    %add3A_2595 = vector.broadcast %add3A_2594 : i32 to vector<20x1xi32>
    %add3A_2596 = arith.addi %slice3A_2576, %add3A_2595 : vector<20x1xi32>
    %eq3A_2597 = vector.broadcast %iota3A_114 : vector<1x4096xi32> to vector<20x4096xi32>
    %eq3A_2598 = vector.broadcast %add3A_2596 : vector<20x1xi32> to vector<20x4096xi32>
    %eq3A_2599 = arith.cmpi eq, %eq3A_2597, %eq3A_2598 : vector<20x4096xi32>
    %convert_element_type3A_2600 = arith.extui %eq3A_2599 : vector<20x4096xi1> to vector<20x4096xi32>
    %convert_element_type3A_2601 = arith.sitofp %convert_element_type3A_2600 : vector<20x4096xi32> to vector<20x4096xf32>
    %sub3A_2602 = arith.constant 1.000000e+00 : f32
    %sub3A_2603 = vector.broadcast %sub3A_2602 : f32 to vector<20x1xf32>
    %sub3A_2604 = arith.subf %sub3A_2603, %slice3A_2577 : vector<20x1xf32>
    %mul3A_2605 = arith.mulf %sub3A_2604, %slice3A_2578 : vector<20x1xf32>
    %mul3A_2606 = vector.broadcast %mul3A_2605 : vector<20x1xf32> to vector<20x4096xf32>
    %mul3A_2607 = arith.mulf %convert_element_type3A_2601, %mul3A_2606 : vector<20x4096xf32>
    %add3A_2608 = arith.addf %add3A_2593, %mul3A_2607 : vector<20x4096xf32>
    %add3A_2609 = arith.constant 64 : i32
    %add3A_2610 = vector.broadcast %add3A_2609 : i32 to vector<20x1xi32>
    %add3A_2611 = arith.addi %slice3A_2576, %add3A_2610 : vector<20x1xi32>
    %eq3A_2612 = vector.broadcast %iota3A_114 : vector<1x4096xi32> to vector<20x4096xi32>
    %eq3A_2613 = vector.broadcast %add3A_2611 : vector<20x1xi32> to vector<20x4096xi32>
    %eq3A_2614 = arith.cmpi eq, %eq3A_2612, %eq3A_2613 : vector<20x4096xi32>
    %convert_element_type3A_2615 = arith.extui %eq3A_2614 : vector<20x4096xi1> to vector<20x4096xi32>
    %convert_element_type3A_2616 = arith.sitofp %convert_element_type3A_2615 : vector<20x4096xi32> to vector<20x4096xf32>
    %sub3A_2617 = arith.constant 1.000000e+00 : f32
    %sub3A_2618 = vector.broadcast %sub3A_2617 : f32 to vector<20x1xf32>
    %sub3A_2619 = arith.subf %sub3A_2618, %slice3A_2578 : vector<20x1xf32>
    %mul3A_2620 = arith.mulf %slice3A_2577, %sub3A_2619 : vector<20x1xf32>
    %mul3A_2621 = vector.broadcast %mul3A_2620 : vector<20x1xf32> to vector<20x4096xf32>
    %mul3A_2622 = arith.mulf %convert_element_type3A_2616, %mul3A_2621 : vector<20x4096xf32>
    %add3A_2623 = arith.addf %add3A_2608, %mul3A_2622 : vector<20x4096xf32>
    %add3A_2624 = arith.constant 65 : i32
    %add3A_2625 = vector.broadcast %add3A_2624 : i32 to vector<20x1xi32>
    %add3A_2626 = arith.addi %slice3A_2576, %add3A_2625 : vector<20x1xi32>
    %eq3A_2627 = vector.broadcast %iota3A_114 : vector<1x4096xi32> to vector<20x4096xi32>
    %eq3A_2628 = vector.broadcast %add3A_2626 : vector<20x1xi32> to vector<20x4096xi32>
    %eq3A_2629 = arith.cmpi eq, %eq3A_2627, %eq3A_2628 : vector<20x4096xi32>
    %convert_element_type3A_2630 = arith.extui %eq3A_2629 : vector<20x4096xi1> to vector<20x4096xi32>
    %convert_element_type3A_2631 = arith.sitofp %convert_element_type3A_2630 : vector<20x4096xi32> to vector<20x4096xf32>
    %mul3A_2632 = arith.mulf %slice3A_2577, %slice3A_2578 : vector<20x1xf32>
    %mul3A_2633 = vector.broadcast %mul3A_2632 : vector<20x1xf32> to vector<20x4096xf32>
    %mul3A_2634 = arith.mulf %convert_element_type3A_2631, %mul3A_2633 : vector<20x4096xf32>
    %add3A_2635 = arith.addf %add3A_2623, %mul3A_2634 : vector<20x4096xf32>
    %slice3A_2636 = vector.extract_strided_slice %add3A_113 {offsets = [0, 42], sizes = [20, 1], strides = [1, 1]} : vector<20x49xi32> to vector<20x1xi32>
    %slice3A_2637 = vector.extract_strided_slice %min3A_100 {offsets = [0, 42], sizes = [20, 1], strides = [1, 1]} : vector<20x49xf32> to vector<20x1xf32>
    %slice3A_2638 = vector.extract_strided_slice %min3A_107 {offsets = [0, 42], sizes = [20, 1], strides = [1, 1]} : vector<20x49xf32> to vector<20x1xf32>
    %eq3A_2639 = vector.broadcast %iota3A_114 : vector<1x4096xi32> to vector<20x4096xi32>
    %eq3A_2640 = vector.broadcast %slice3A_2636 : vector<20x1xi32> to vector<20x4096xi32>
    %eq3A_2641 = arith.cmpi eq, %eq3A_2639, %eq3A_2640 : vector<20x4096xi32>
    %convert_element_type3A_2642 = arith.extui %eq3A_2641 : vector<20x4096xi1> to vector<20x4096xi32>
    %convert_element_type3A_2643 = arith.sitofp %convert_element_type3A_2642 : vector<20x4096xi32> to vector<20x4096xf32>
    %sub3A_2644 = arith.constant 1.000000e+00 : f32
    %sub3A_2645 = vector.broadcast %sub3A_2644 : f32 to vector<20x1xf32>
    %sub3A_2646 = arith.subf %sub3A_2645, %slice3A_2637 : vector<20x1xf32>
    %sub3A_2647 = arith.constant 1.000000e+00 : f32
    %sub3A_2648 = vector.broadcast %sub3A_2647 : f32 to vector<20x1xf32>
    %sub3A_2649 = arith.subf %sub3A_2648, %slice3A_2638 : vector<20x1xf32>
    %mul3A_2650 = arith.mulf %sub3A_2646, %sub3A_2649 : vector<20x1xf32>
    %mul3A_2651 = vector.broadcast %mul3A_2650 : vector<20x1xf32> to vector<20x4096xf32>
    %mul3A_2652 = arith.mulf %convert_element_type3A_2643, %mul3A_2651 : vector<20x4096xf32>
    %add3A_2653 = arith.addf %add3A_2635, %mul3A_2652 : vector<20x4096xf32>
    %add3A_2654 = arith.constant 1 : i32
    %add3A_2655 = vector.broadcast %add3A_2654 : i32 to vector<20x1xi32>
    %add3A_2656 = arith.addi %slice3A_2636, %add3A_2655 : vector<20x1xi32>
    %eq3A_2657 = vector.broadcast %iota3A_114 : vector<1x4096xi32> to vector<20x4096xi32>
    %eq3A_2658 = vector.broadcast %add3A_2656 : vector<20x1xi32> to vector<20x4096xi32>
    %eq3A_2659 = arith.cmpi eq, %eq3A_2657, %eq3A_2658 : vector<20x4096xi32>
    %convert_element_type3A_2660 = arith.extui %eq3A_2659 : vector<20x4096xi1> to vector<20x4096xi32>
    %convert_element_type3A_2661 = arith.sitofp %convert_element_type3A_2660 : vector<20x4096xi32> to vector<20x4096xf32>
    %sub3A_2662 = arith.constant 1.000000e+00 : f32
    %sub3A_2663 = vector.broadcast %sub3A_2662 : f32 to vector<20x1xf32>
    %sub3A_2664 = arith.subf %sub3A_2663, %slice3A_2637 : vector<20x1xf32>
    %mul3A_2665 = arith.mulf %sub3A_2664, %slice3A_2638 : vector<20x1xf32>
    %mul3A_2666 = vector.broadcast %mul3A_2665 : vector<20x1xf32> to vector<20x4096xf32>
    %mul3A_2667 = arith.mulf %convert_element_type3A_2661, %mul3A_2666 : vector<20x4096xf32>
    %add3A_2668 = arith.addf %add3A_2653, %mul3A_2667 : vector<20x4096xf32>
    %add3A_2669 = arith.constant 64 : i32
    %add3A_2670 = vector.broadcast %add3A_2669 : i32 to vector<20x1xi32>
    %add3A_2671 = arith.addi %slice3A_2636, %add3A_2670 : vector<20x1xi32>
    %eq3A_2672 = vector.broadcast %iota3A_114 : vector<1x4096xi32> to vector<20x4096xi32>
    %eq3A_2673 = vector.broadcast %add3A_2671 : vector<20x1xi32> to vector<20x4096xi32>
    %eq3A_2674 = arith.cmpi eq, %eq3A_2672, %eq3A_2673 : vector<20x4096xi32>
    %convert_element_type3A_2675 = arith.extui %eq3A_2674 : vector<20x4096xi1> to vector<20x4096xi32>
    %convert_element_type3A_2676 = arith.sitofp %convert_element_type3A_2675 : vector<20x4096xi32> to vector<20x4096xf32>
    %sub3A_2677 = arith.constant 1.000000e+00 : f32
    %sub3A_2678 = vector.broadcast %sub3A_2677 : f32 to vector<20x1xf32>
    %sub3A_2679 = arith.subf %sub3A_2678, %slice3A_2638 : vector<20x1xf32>
    %mul3A_2680 = arith.mulf %slice3A_2637, %sub3A_2679 : vector<20x1xf32>
    %mul3A_2681 = vector.broadcast %mul3A_2680 : vector<20x1xf32> to vector<20x4096xf32>
    %mul3A_2682 = arith.mulf %convert_element_type3A_2676, %mul3A_2681 : vector<20x4096xf32>
    %add3A_2683 = arith.addf %add3A_2668, %mul3A_2682 : vector<20x4096xf32>
    %add3A_2684 = arith.constant 65 : i32
    %add3A_2685 = vector.broadcast %add3A_2684 : i32 to vector<20x1xi32>
    %add3A_2686 = arith.addi %slice3A_2636, %add3A_2685 : vector<20x1xi32>
    %eq3A_2687 = vector.broadcast %iota3A_114 : vector<1x4096xi32> to vector<20x4096xi32>
    %eq3A_2688 = vector.broadcast %add3A_2686 : vector<20x1xi32> to vector<20x4096xi32>
    %eq3A_2689 = arith.cmpi eq, %eq3A_2687, %eq3A_2688 : vector<20x4096xi32>
    %convert_element_type3A_2690 = arith.extui %eq3A_2689 : vector<20x4096xi1> to vector<20x4096xi32>
    %convert_element_type3A_2691 = arith.sitofp %convert_element_type3A_2690 : vector<20x4096xi32> to vector<20x4096xf32>
    %mul3A_2692 = arith.mulf %slice3A_2637, %slice3A_2638 : vector<20x1xf32>
    %mul3A_2693 = vector.broadcast %mul3A_2692 : vector<20x1xf32> to vector<20x4096xf32>
    %mul3A_2694 = arith.mulf %convert_element_type3A_2691, %mul3A_2693 : vector<20x4096xf32>
    %add3A_2695 = arith.addf %add3A_2683, %mul3A_2694 : vector<20x4096xf32>
    %slice3A_2696 = vector.extract_strided_slice %add3A_113 {offsets = [0, 43], sizes = [20, 1], strides = [1, 1]} : vector<20x49xi32> to vector<20x1xi32>
    %slice3A_2697 = vector.extract_strided_slice %min3A_100 {offsets = [0, 43], sizes = [20, 1], strides = [1, 1]} : vector<20x49xf32> to vector<20x1xf32>
    %slice3A_2698 = vector.extract_strided_slice %min3A_107 {offsets = [0, 43], sizes = [20, 1], strides = [1, 1]} : vector<20x49xf32> to vector<20x1xf32>
    %eq3A_2699 = vector.broadcast %iota3A_114 : vector<1x4096xi32> to vector<20x4096xi32>
    %eq3A_2700 = vector.broadcast %slice3A_2696 : vector<20x1xi32> to vector<20x4096xi32>
    %eq3A_2701 = arith.cmpi eq, %eq3A_2699, %eq3A_2700 : vector<20x4096xi32>
    %convert_element_type3A_2702 = arith.extui %eq3A_2701 : vector<20x4096xi1> to vector<20x4096xi32>
    %convert_element_type3A_2703 = arith.sitofp %convert_element_type3A_2702 : vector<20x4096xi32> to vector<20x4096xf32>
    %sub3A_2704 = arith.constant 1.000000e+00 : f32
    %sub3A_2705 = vector.broadcast %sub3A_2704 : f32 to vector<20x1xf32>
    %sub3A_2706 = arith.subf %sub3A_2705, %slice3A_2697 : vector<20x1xf32>
    %sub3A_2707 = arith.constant 1.000000e+00 : f32
    %sub3A_2708 = vector.broadcast %sub3A_2707 : f32 to vector<20x1xf32>
    %sub3A_2709 = arith.subf %sub3A_2708, %slice3A_2698 : vector<20x1xf32>
    %mul3A_2710 = arith.mulf %sub3A_2706, %sub3A_2709 : vector<20x1xf32>
    %mul3A_2711 = vector.broadcast %mul3A_2710 : vector<20x1xf32> to vector<20x4096xf32>
    %mul3A_2712 = arith.mulf %convert_element_type3A_2703, %mul3A_2711 : vector<20x4096xf32>
    %add3A_2713 = arith.addf %add3A_2695, %mul3A_2712 : vector<20x4096xf32>
    %add3A_2714 = arith.constant 1 : i32
    %add3A_2715 = vector.broadcast %add3A_2714 : i32 to vector<20x1xi32>
    %add3A_2716 = arith.addi %slice3A_2696, %add3A_2715 : vector<20x1xi32>
    %eq3A_2717 = vector.broadcast %iota3A_114 : vector<1x4096xi32> to vector<20x4096xi32>
    %eq3A_2718 = vector.broadcast %add3A_2716 : vector<20x1xi32> to vector<20x4096xi32>
    %eq3A_2719 = arith.cmpi eq, %eq3A_2717, %eq3A_2718 : vector<20x4096xi32>
    %convert_element_type3A_2720 = arith.extui %eq3A_2719 : vector<20x4096xi1> to vector<20x4096xi32>
    %convert_element_type3A_2721 = arith.sitofp %convert_element_type3A_2720 : vector<20x4096xi32> to vector<20x4096xf32>
    %sub3A_2722 = arith.constant 1.000000e+00 : f32
    %sub3A_2723 = vector.broadcast %sub3A_2722 : f32 to vector<20x1xf32>
    %sub3A_2724 = arith.subf %sub3A_2723, %slice3A_2697 : vector<20x1xf32>
    %mul3A_2725 = arith.mulf %sub3A_2724, %slice3A_2698 : vector<20x1xf32>
    %mul3A_2726 = vector.broadcast %mul3A_2725 : vector<20x1xf32> to vector<20x4096xf32>
    %mul3A_2727 = arith.mulf %convert_element_type3A_2721, %mul3A_2726 : vector<20x4096xf32>
    %add3A_2728 = arith.addf %add3A_2713, %mul3A_2727 : vector<20x4096xf32>
    %add3A_2729 = arith.constant 64 : i32
    %add3A_2730 = vector.broadcast %add3A_2729 : i32 to vector<20x1xi32>
    %add3A_2731 = arith.addi %slice3A_2696, %add3A_2730 : vector<20x1xi32>
    %eq3A_2732 = vector.broadcast %iota3A_114 : vector<1x4096xi32> to vector<20x4096xi32>
    %eq3A_2733 = vector.broadcast %add3A_2731 : vector<20x1xi32> to vector<20x4096xi32>
    %eq3A_2734 = arith.cmpi eq, %eq3A_2732, %eq3A_2733 : vector<20x4096xi32>
    %convert_element_type3A_2735 = arith.extui %eq3A_2734 : vector<20x4096xi1> to vector<20x4096xi32>
    %convert_element_type3A_2736 = arith.sitofp %convert_element_type3A_2735 : vector<20x4096xi32> to vector<20x4096xf32>
    %sub3A_2737 = arith.constant 1.000000e+00 : f32
    %sub3A_2738 = vector.broadcast %sub3A_2737 : f32 to vector<20x1xf32>
    %sub3A_2739 = arith.subf %sub3A_2738, %slice3A_2698 : vector<20x1xf32>
    %mul3A_2740 = arith.mulf %slice3A_2697, %sub3A_2739 : vector<20x1xf32>
    %mul3A_2741 = vector.broadcast %mul3A_2740 : vector<20x1xf32> to vector<20x4096xf32>
    %mul3A_2742 = arith.mulf %convert_element_type3A_2736, %mul3A_2741 : vector<20x4096xf32>
    %add3A_2743 = arith.addf %add3A_2728, %mul3A_2742 : vector<20x4096xf32>
    %add3A_2744 = arith.constant 65 : i32
    %add3A_2745 = vector.broadcast %add3A_2744 : i32 to vector<20x1xi32>
    %add3A_2746 = arith.addi %slice3A_2696, %add3A_2745 : vector<20x1xi32>
    %eq3A_2747 = vector.broadcast %iota3A_114 : vector<1x4096xi32> to vector<20x4096xi32>
    %eq3A_2748 = vector.broadcast %add3A_2746 : vector<20x1xi32> to vector<20x4096xi32>
    %eq3A_2749 = arith.cmpi eq, %eq3A_2747, %eq3A_2748 : vector<20x4096xi32>
    %convert_element_type3A_2750 = arith.extui %eq3A_2749 : vector<20x4096xi1> to vector<20x4096xi32>
    %convert_element_type3A_2751 = arith.sitofp %convert_element_type3A_2750 : vector<20x4096xi32> to vector<20x4096xf32>
    %mul3A_2752 = arith.mulf %slice3A_2697, %slice3A_2698 : vector<20x1xf32>
    %mul3A_2753 = vector.broadcast %mul3A_2752 : vector<20x1xf32> to vector<20x4096xf32>
    %mul3A_2754 = arith.mulf %convert_element_type3A_2751, %mul3A_2753 : vector<20x4096xf32>
    %add3A_2755 = arith.addf %add3A_2743, %mul3A_2754 : vector<20x4096xf32>
    %slice3A_2756 = vector.extract_strided_slice %add3A_113 {offsets = [0, 44], sizes = [20, 1], strides = [1, 1]} : vector<20x49xi32> to vector<20x1xi32>
    %slice3A_2757 = vector.extract_strided_slice %min3A_100 {offsets = [0, 44], sizes = [20, 1], strides = [1, 1]} : vector<20x49xf32> to vector<20x1xf32>
    %slice3A_2758 = vector.extract_strided_slice %min3A_107 {offsets = [0, 44], sizes = [20, 1], strides = [1, 1]} : vector<20x49xf32> to vector<20x1xf32>
    %eq3A_2759 = vector.broadcast %iota3A_114 : vector<1x4096xi32> to vector<20x4096xi32>
    %eq3A_2760 = vector.broadcast %slice3A_2756 : vector<20x1xi32> to vector<20x4096xi32>
    %eq3A_2761 = arith.cmpi eq, %eq3A_2759, %eq3A_2760 : vector<20x4096xi32>
    %convert_element_type3A_2762 = arith.extui %eq3A_2761 : vector<20x4096xi1> to vector<20x4096xi32>
    %convert_element_type3A_2763 = arith.sitofp %convert_element_type3A_2762 : vector<20x4096xi32> to vector<20x4096xf32>
    %sub3A_2764 = arith.constant 1.000000e+00 : f32
    %sub3A_2765 = vector.broadcast %sub3A_2764 : f32 to vector<20x1xf32>
    %sub3A_2766 = arith.subf %sub3A_2765, %slice3A_2757 : vector<20x1xf32>
    %sub3A_2767 = arith.constant 1.000000e+00 : f32
    %sub3A_2768 = vector.broadcast %sub3A_2767 : f32 to vector<20x1xf32>
    %sub3A_2769 = arith.subf %sub3A_2768, %slice3A_2758 : vector<20x1xf32>
    %mul3A_2770 = arith.mulf %sub3A_2766, %sub3A_2769 : vector<20x1xf32>
    %mul3A_2771 = vector.broadcast %mul3A_2770 : vector<20x1xf32> to vector<20x4096xf32>
    %mul3A_2772 = arith.mulf %convert_element_type3A_2763, %mul3A_2771 : vector<20x4096xf32>
    %add3A_2773 = arith.addf %add3A_2755, %mul3A_2772 : vector<20x4096xf32>
    %add3A_2774 = arith.constant 1 : i32
    %add3A_2775 = vector.broadcast %add3A_2774 : i32 to vector<20x1xi32>
    %add3A_2776 = arith.addi %slice3A_2756, %add3A_2775 : vector<20x1xi32>
    %eq3A_2777 = vector.broadcast %iota3A_114 : vector<1x4096xi32> to vector<20x4096xi32>
    %eq3A_2778 = vector.broadcast %add3A_2776 : vector<20x1xi32> to vector<20x4096xi32>
    %eq3A_2779 = arith.cmpi eq, %eq3A_2777, %eq3A_2778 : vector<20x4096xi32>
    %convert_element_type3A_2780 = arith.extui %eq3A_2779 : vector<20x4096xi1> to vector<20x4096xi32>
    %convert_element_type3A_2781 = arith.sitofp %convert_element_type3A_2780 : vector<20x4096xi32> to vector<20x4096xf32>
    %sub3A_2782 = arith.constant 1.000000e+00 : f32
    %sub3A_2783 = vector.broadcast %sub3A_2782 : f32 to vector<20x1xf32>
    %sub3A_2784 = arith.subf %sub3A_2783, %slice3A_2757 : vector<20x1xf32>
    %mul3A_2785 = arith.mulf %sub3A_2784, %slice3A_2758 : vector<20x1xf32>
    %mul3A_2786 = vector.broadcast %mul3A_2785 : vector<20x1xf32> to vector<20x4096xf32>
    %mul3A_2787 = arith.mulf %convert_element_type3A_2781, %mul3A_2786 : vector<20x4096xf32>
    %add3A_2788 = arith.addf %add3A_2773, %mul3A_2787 : vector<20x4096xf32>
    %add3A_2789 = arith.constant 64 : i32
    %add3A_2790 = vector.broadcast %add3A_2789 : i32 to vector<20x1xi32>
    %add3A_2791 = arith.addi %slice3A_2756, %add3A_2790 : vector<20x1xi32>
    %eq3A_2792 = vector.broadcast %iota3A_114 : vector<1x4096xi32> to vector<20x4096xi32>
    %eq3A_2793 = vector.broadcast %add3A_2791 : vector<20x1xi32> to vector<20x4096xi32>
    %eq3A_2794 = arith.cmpi eq, %eq3A_2792, %eq3A_2793 : vector<20x4096xi32>
    %convert_element_type3A_2795 = arith.extui %eq3A_2794 : vector<20x4096xi1> to vector<20x4096xi32>
    %convert_element_type3A_2796 = arith.sitofp %convert_element_type3A_2795 : vector<20x4096xi32> to vector<20x4096xf32>
    %sub3A_2797 = arith.constant 1.000000e+00 : f32
    %sub3A_2798 = vector.broadcast %sub3A_2797 : f32 to vector<20x1xf32>
    %sub3A_2799 = arith.subf %sub3A_2798, %slice3A_2758 : vector<20x1xf32>
    %mul3A_2800 = arith.mulf %slice3A_2757, %sub3A_2799 : vector<20x1xf32>
    %mul3A_2801 = vector.broadcast %mul3A_2800 : vector<20x1xf32> to vector<20x4096xf32>
    %mul3A_2802 = arith.mulf %convert_element_type3A_2796, %mul3A_2801 : vector<20x4096xf32>
    %add3A_2803 = arith.addf %add3A_2788, %mul3A_2802 : vector<20x4096xf32>
    %add3A_2804 = arith.constant 65 : i32
    %add3A_2805 = vector.broadcast %add3A_2804 : i32 to vector<20x1xi32>
    %add3A_2806 = arith.addi %slice3A_2756, %add3A_2805 : vector<20x1xi32>
    %eq3A_2807 = vector.broadcast %iota3A_114 : vector<1x4096xi32> to vector<20x4096xi32>
    %eq3A_2808 = vector.broadcast %add3A_2806 : vector<20x1xi32> to vector<20x4096xi32>
    %eq3A_2809 = arith.cmpi eq, %eq3A_2807, %eq3A_2808 : vector<20x4096xi32>
    %convert_element_type3A_2810 = arith.extui %eq3A_2809 : vector<20x4096xi1> to vector<20x4096xi32>
    %convert_element_type3A_2811 = arith.sitofp %convert_element_type3A_2810 : vector<20x4096xi32> to vector<20x4096xf32>
    %mul3A_2812 = arith.mulf %slice3A_2757, %slice3A_2758 : vector<20x1xf32>
    %mul3A_2813 = vector.broadcast %mul3A_2812 : vector<20x1xf32> to vector<20x4096xf32>
    %mul3A_2814 = arith.mulf %convert_element_type3A_2811, %mul3A_2813 : vector<20x4096xf32>
    %add3A_2815 = arith.addf %add3A_2803, %mul3A_2814 : vector<20x4096xf32>
    %slice3A_2816 = vector.extract_strided_slice %add3A_113 {offsets = [0, 45], sizes = [20, 1], strides = [1, 1]} : vector<20x49xi32> to vector<20x1xi32>
    %slice3A_2817 = vector.extract_strided_slice %min3A_100 {offsets = [0, 45], sizes = [20, 1], strides = [1, 1]} : vector<20x49xf32> to vector<20x1xf32>
    %slice3A_2818 = vector.extract_strided_slice %min3A_107 {offsets = [0, 45], sizes = [20, 1], strides = [1, 1]} : vector<20x49xf32> to vector<20x1xf32>
    %eq3A_2819 = vector.broadcast %iota3A_114 : vector<1x4096xi32> to vector<20x4096xi32>
    %eq3A_2820 = vector.broadcast %slice3A_2816 : vector<20x1xi32> to vector<20x4096xi32>
    %eq3A_2821 = arith.cmpi eq, %eq3A_2819, %eq3A_2820 : vector<20x4096xi32>
    %convert_element_type3A_2822 = arith.extui %eq3A_2821 : vector<20x4096xi1> to vector<20x4096xi32>
    %convert_element_type3A_2823 = arith.sitofp %convert_element_type3A_2822 : vector<20x4096xi32> to vector<20x4096xf32>
    %sub3A_2824 = arith.constant 1.000000e+00 : f32
    %sub3A_2825 = vector.broadcast %sub3A_2824 : f32 to vector<20x1xf32>
    %sub3A_2826 = arith.subf %sub3A_2825, %slice3A_2817 : vector<20x1xf32>
    %sub3A_2827 = arith.constant 1.000000e+00 : f32
    %sub3A_2828 = vector.broadcast %sub3A_2827 : f32 to vector<20x1xf32>
    %sub3A_2829 = arith.subf %sub3A_2828, %slice3A_2818 : vector<20x1xf32>
    %mul3A_2830 = arith.mulf %sub3A_2826, %sub3A_2829 : vector<20x1xf32>
    %mul3A_2831 = vector.broadcast %mul3A_2830 : vector<20x1xf32> to vector<20x4096xf32>
    %mul3A_2832 = arith.mulf %convert_element_type3A_2823, %mul3A_2831 : vector<20x4096xf32>
    %add3A_2833 = arith.addf %add3A_2815, %mul3A_2832 : vector<20x4096xf32>
    %add3A_2834 = arith.constant 1 : i32
    %add3A_2835 = vector.broadcast %add3A_2834 : i32 to vector<20x1xi32>
    %add3A_2836 = arith.addi %slice3A_2816, %add3A_2835 : vector<20x1xi32>
    %eq3A_2837 = vector.broadcast %iota3A_114 : vector<1x4096xi32> to vector<20x4096xi32>
    %eq3A_2838 = vector.broadcast %add3A_2836 : vector<20x1xi32> to vector<20x4096xi32>
    %eq3A_2839 = arith.cmpi eq, %eq3A_2837, %eq3A_2838 : vector<20x4096xi32>
    %convert_element_type3A_2840 = arith.extui %eq3A_2839 : vector<20x4096xi1> to vector<20x4096xi32>
    %convert_element_type3A_2841 = arith.sitofp %convert_element_type3A_2840 : vector<20x4096xi32> to vector<20x4096xf32>
    %sub3A_2842 = arith.constant 1.000000e+00 : f32
    %sub3A_2843 = vector.broadcast %sub3A_2842 : f32 to vector<20x1xf32>
    %sub3A_2844 = arith.subf %sub3A_2843, %slice3A_2817 : vector<20x1xf32>
    %mul3A_2845 = arith.mulf %sub3A_2844, %slice3A_2818 : vector<20x1xf32>
    %mul3A_2846 = vector.broadcast %mul3A_2845 : vector<20x1xf32> to vector<20x4096xf32>
    %mul3A_2847 = arith.mulf %convert_element_type3A_2841, %mul3A_2846 : vector<20x4096xf32>
    %add3A_2848 = arith.addf %add3A_2833, %mul3A_2847 : vector<20x4096xf32>
    %add3A_2849 = arith.constant 64 : i32
    %add3A_2850 = vector.broadcast %add3A_2849 : i32 to vector<20x1xi32>
    %add3A_2851 = arith.addi %slice3A_2816, %add3A_2850 : vector<20x1xi32>
    %eq3A_2852 = vector.broadcast %iota3A_114 : vector<1x4096xi32> to vector<20x4096xi32>
    %eq3A_2853 = vector.broadcast %add3A_2851 : vector<20x1xi32> to vector<20x4096xi32>
    %eq3A_2854 = arith.cmpi eq, %eq3A_2852, %eq3A_2853 : vector<20x4096xi32>
    %convert_element_type3A_2855 = arith.extui %eq3A_2854 : vector<20x4096xi1> to vector<20x4096xi32>
    %convert_element_type3A_2856 = arith.sitofp %convert_element_type3A_2855 : vector<20x4096xi32> to vector<20x4096xf32>
    %sub3A_2857 = arith.constant 1.000000e+00 : f32
    %sub3A_2858 = vector.broadcast %sub3A_2857 : f32 to vector<20x1xf32>
    %sub3A_2859 = arith.subf %sub3A_2858, %slice3A_2818 : vector<20x1xf32>
    %mul3A_2860 = arith.mulf %slice3A_2817, %sub3A_2859 : vector<20x1xf32>
    %mul3A_2861 = vector.broadcast %mul3A_2860 : vector<20x1xf32> to vector<20x4096xf32>
    %mul3A_2862 = arith.mulf %convert_element_type3A_2856, %mul3A_2861 : vector<20x4096xf32>
    %add3A_2863 = arith.addf %add3A_2848, %mul3A_2862 : vector<20x4096xf32>
    %add3A_2864 = arith.constant 65 : i32
    %add3A_2865 = vector.broadcast %add3A_2864 : i32 to vector<20x1xi32>
    %add3A_2866 = arith.addi %slice3A_2816, %add3A_2865 : vector<20x1xi32>
    %eq3A_2867 = vector.broadcast %iota3A_114 : vector<1x4096xi32> to vector<20x4096xi32>
    %eq3A_2868 = vector.broadcast %add3A_2866 : vector<20x1xi32> to vector<20x4096xi32>
    %eq3A_2869 = arith.cmpi eq, %eq3A_2867, %eq3A_2868 : vector<20x4096xi32>
    %convert_element_type3A_2870 = arith.extui %eq3A_2869 : vector<20x4096xi1> to vector<20x4096xi32>
    %convert_element_type3A_2871 = arith.sitofp %convert_element_type3A_2870 : vector<20x4096xi32> to vector<20x4096xf32>
    %mul3A_2872 = arith.mulf %slice3A_2817, %slice3A_2818 : vector<20x1xf32>
    %mul3A_2873 = vector.broadcast %mul3A_2872 : vector<20x1xf32> to vector<20x4096xf32>
    %mul3A_2874 = arith.mulf %convert_element_type3A_2871, %mul3A_2873 : vector<20x4096xf32>
    %add3A_2875 = arith.addf %add3A_2863, %mul3A_2874 : vector<20x4096xf32>
    %slice3A_2876 = vector.extract_strided_slice %add3A_113 {offsets = [0, 46], sizes = [20, 1], strides = [1, 1]} : vector<20x49xi32> to vector<20x1xi32>
    %slice3A_2877 = vector.extract_strided_slice %min3A_100 {offsets = [0, 46], sizes = [20, 1], strides = [1, 1]} : vector<20x49xf32> to vector<20x1xf32>
    %slice3A_2878 = vector.extract_strided_slice %min3A_107 {offsets = [0, 46], sizes = [20, 1], strides = [1, 1]} : vector<20x49xf32> to vector<20x1xf32>
    %eq3A_2879 = vector.broadcast %iota3A_114 : vector<1x4096xi32> to vector<20x4096xi32>
    %eq3A_2880 = vector.broadcast %slice3A_2876 : vector<20x1xi32> to vector<20x4096xi32>
    %eq3A_2881 = arith.cmpi eq, %eq3A_2879, %eq3A_2880 : vector<20x4096xi32>
    %convert_element_type3A_2882 = arith.extui %eq3A_2881 : vector<20x4096xi1> to vector<20x4096xi32>
    %convert_element_type3A_2883 = arith.sitofp %convert_element_type3A_2882 : vector<20x4096xi32> to vector<20x4096xf32>
    %sub3A_2884 = arith.constant 1.000000e+00 : f32
    %sub3A_2885 = vector.broadcast %sub3A_2884 : f32 to vector<20x1xf32>
    %sub3A_2886 = arith.subf %sub3A_2885, %slice3A_2877 : vector<20x1xf32>
    %sub3A_2887 = arith.constant 1.000000e+00 : f32
    %sub3A_2888 = vector.broadcast %sub3A_2887 : f32 to vector<20x1xf32>
    %sub3A_2889 = arith.subf %sub3A_2888, %slice3A_2878 : vector<20x1xf32>
    %mul3A_2890 = arith.mulf %sub3A_2886, %sub3A_2889 : vector<20x1xf32>
    %mul3A_2891 = vector.broadcast %mul3A_2890 : vector<20x1xf32> to vector<20x4096xf32>
    %mul3A_2892 = arith.mulf %convert_element_type3A_2883, %mul3A_2891 : vector<20x4096xf32>
    %add3A_2893 = arith.addf %add3A_2875, %mul3A_2892 : vector<20x4096xf32>
    %add3A_2894 = arith.constant 1 : i32
    %add3A_2895 = vector.broadcast %add3A_2894 : i32 to vector<20x1xi32>
    %add3A_2896 = arith.addi %slice3A_2876, %add3A_2895 : vector<20x1xi32>
    %eq3A_2897 = vector.broadcast %iota3A_114 : vector<1x4096xi32> to vector<20x4096xi32>
    %eq3A_2898 = vector.broadcast %add3A_2896 : vector<20x1xi32> to vector<20x4096xi32>
    %eq3A_2899 = arith.cmpi eq, %eq3A_2897, %eq3A_2898 : vector<20x4096xi32>
    %convert_element_type3A_2900 = arith.extui %eq3A_2899 : vector<20x4096xi1> to vector<20x4096xi32>
    %convert_element_type3A_2901 = arith.sitofp %convert_element_type3A_2900 : vector<20x4096xi32> to vector<20x4096xf32>
    %sub3A_2902 = arith.constant 1.000000e+00 : f32
    %sub3A_2903 = vector.broadcast %sub3A_2902 : f32 to vector<20x1xf32>
    %sub3A_2904 = arith.subf %sub3A_2903, %slice3A_2877 : vector<20x1xf32>
    %mul3A_2905 = arith.mulf %sub3A_2904, %slice3A_2878 : vector<20x1xf32>
    %mul3A_2906 = vector.broadcast %mul3A_2905 : vector<20x1xf32> to vector<20x4096xf32>
    %mul3A_2907 = arith.mulf %convert_element_type3A_2901, %mul3A_2906 : vector<20x4096xf32>
    %add3A_2908 = arith.addf %add3A_2893, %mul3A_2907 : vector<20x4096xf32>
    %add3A_2909 = arith.constant 64 : i32
    %add3A_2910 = vector.broadcast %add3A_2909 : i32 to vector<20x1xi32>
    %add3A_2911 = arith.addi %slice3A_2876, %add3A_2910 : vector<20x1xi32>
    %eq3A_2912 = vector.broadcast %iota3A_114 : vector<1x4096xi32> to vector<20x4096xi32>
    %eq3A_2913 = vector.broadcast %add3A_2911 : vector<20x1xi32> to vector<20x4096xi32>
    %eq3A_2914 = arith.cmpi eq, %eq3A_2912, %eq3A_2913 : vector<20x4096xi32>
    %convert_element_type3A_2915 = arith.extui %eq3A_2914 : vector<20x4096xi1> to vector<20x4096xi32>
    %convert_element_type3A_2916 = arith.sitofp %convert_element_type3A_2915 : vector<20x4096xi32> to vector<20x4096xf32>
    %sub3A_2917 = arith.constant 1.000000e+00 : f32
    %sub3A_2918 = vector.broadcast %sub3A_2917 : f32 to vector<20x1xf32>
    %sub3A_2919 = arith.subf %sub3A_2918, %slice3A_2878 : vector<20x1xf32>
    %mul3A_2920 = arith.mulf %slice3A_2877, %sub3A_2919 : vector<20x1xf32>
    %mul3A_2921 = vector.broadcast %mul3A_2920 : vector<20x1xf32> to vector<20x4096xf32>
    %mul3A_2922 = arith.mulf %convert_element_type3A_2916, %mul3A_2921 : vector<20x4096xf32>
    %add3A_2923 = arith.addf %add3A_2908, %mul3A_2922 : vector<20x4096xf32>
    %add3A_2924 = arith.constant 65 : i32
    %add3A_2925 = vector.broadcast %add3A_2924 : i32 to vector<20x1xi32>
    %add3A_2926 = arith.addi %slice3A_2876, %add3A_2925 : vector<20x1xi32>
    %eq3A_2927 = vector.broadcast %iota3A_114 : vector<1x4096xi32> to vector<20x4096xi32>
    %eq3A_2928 = vector.broadcast %add3A_2926 : vector<20x1xi32> to vector<20x4096xi32>
    %eq3A_2929 = arith.cmpi eq, %eq3A_2927, %eq3A_2928 : vector<20x4096xi32>
    %convert_element_type3A_2930 = arith.extui %eq3A_2929 : vector<20x4096xi1> to vector<20x4096xi32>
    %convert_element_type3A_2931 = arith.sitofp %convert_element_type3A_2930 : vector<20x4096xi32> to vector<20x4096xf32>
    %mul3A_2932 = arith.mulf %slice3A_2877, %slice3A_2878 : vector<20x1xf32>
    %mul3A_2933 = vector.broadcast %mul3A_2932 : vector<20x1xf32> to vector<20x4096xf32>
    %mul3A_2934 = arith.mulf %convert_element_type3A_2931, %mul3A_2933 : vector<20x4096xf32>
    %add3A_2935 = arith.addf %add3A_2923, %mul3A_2934 : vector<20x4096xf32>
    %slice3A_2936 = vector.extract_strided_slice %add3A_113 {offsets = [0, 47], sizes = [20, 1], strides = [1, 1]} : vector<20x49xi32> to vector<20x1xi32>
    %slice3A_2937 = vector.extract_strided_slice %min3A_100 {offsets = [0, 47], sizes = [20, 1], strides = [1, 1]} : vector<20x49xf32> to vector<20x1xf32>
    %slice3A_2938 = vector.extract_strided_slice %min3A_107 {offsets = [0, 47], sizes = [20, 1], strides = [1, 1]} : vector<20x49xf32> to vector<20x1xf32>
    %eq3A_2939 = vector.broadcast %iota3A_114 : vector<1x4096xi32> to vector<20x4096xi32>
    %eq3A_2940 = vector.broadcast %slice3A_2936 : vector<20x1xi32> to vector<20x4096xi32>
    %eq3A_2941 = arith.cmpi eq, %eq3A_2939, %eq3A_2940 : vector<20x4096xi32>
    %convert_element_type3A_2942 = arith.extui %eq3A_2941 : vector<20x4096xi1> to vector<20x4096xi32>
    %convert_element_type3A_2943 = arith.sitofp %convert_element_type3A_2942 : vector<20x4096xi32> to vector<20x4096xf32>
    %sub3A_2944 = arith.constant 1.000000e+00 : f32
    %sub3A_2945 = vector.broadcast %sub3A_2944 : f32 to vector<20x1xf32>
    %sub3A_2946 = arith.subf %sub3A_2945, %slice3A_2937 : vector<20x1xf32>
    %sub3A_2947 = arith.constant 1.000000e+00 : f32
    %sub3A_2948 = vector.broadcast %sub3A_2947 : f32 to vector<20x1xf32>
    %sub3A_2949 = arith.subf %sub3A_2948, %slice3A_2938 : vector<20x1xf32>
    %mul3A_2950 = arith.mulf %sub3A_2946, %sub3A_2949 : vector<20x1xf32>
    %mul3A_2951 = vector.broadcast %mul3A_2950 : vector<20x1xf32> to vector<20x4096xf32>
    %mul3A_2952 = arith.mulf %convert_element_type3A_2943, %mul3A_2951 : vector<20x4096xf32>
    %add3A_2953 = arith.addf %add3A_2935, %mul3A_2952 : vector<20x4096xf32>
    %add3A_2954 = arith.constant 1 : i32
    %add3A_2955 = vector.broadcast %add3A_2954 : i32 to vector<20x1xi32>
    %add3A_2956 = arith.addi %slice3A_2936, %add3A_2955 : vector<20x1xi32>
    %eq3A_2957 = vector.broadcast %iota3A_114 : vector<1x4096xi32> to vector<20x4096xi32>
    %eq3A_2958 = vector.broadcast %add3A_2956 : vector<20x1xi32> to vector<20x4096xi32>
    %eq3A_2959 = arith.cmpi eq, %eq3A_2957, %eq3A_2958 : vector<20x4096xi32>
    %convert_element_type3A_2960 = arith.extui %eq3A_2959 : vector<20x4096xi1> to vector<20x4096xi32>
    %convert_element_type3A_2961 = arith.sitofp %convert_element_type3A_2960 : vector<20x4096xi32> to vector<20x4096xf32>
    %sub3A_2962 = arith.constant 1.000000e+00 : f32
    %sub3A_2963 = vector.broadcast %sub3A_2962 : f32 to vector<20x1xf32>
    %sub3A_2964 = arith.subf %sub3A_2963, %slice3A_2937 : vector<20x1xf32>
    %mul3A_2965 = arith.mulf %sub3A_2964, %slice3A_2938 : vector<20x1xf32>
    %mul3A_2966 = vector.broadcast %mul3A_2965 : vector<20x1xf32> to vector<20x4096xf32>
    %mul3A_2967 = arith.mulf %convert_element_type3A_2961, %mul3A_2966 : vector<20x4096xf32>
    %add3A_2968 = arith.addf %add3A_2953, %mul3A_2967 : vector<20x4096xf32>
    %add3A_2969 = arith.constant 64 : i32
    %add3A_2970 = vector.broadcast %add3A_2969 : i32 to vector<20x1xi32>
    %add3A_2971 = arith.addi %slice3A_2936, %add3A_2970 : vector<20x1xi32>
    %eq3A_2972 = vector.broadcast %iota3A_114 : vector<1x4096xi32> to vector<20x4096xi32>
    %eq3A_2973 = vector.broadcast %add3A_2971 : vector<20x1xi32> to vector<20x4096xi32>
    %eq3A_2974 = arith.cmpi eq, %eq3A_2972, %eq3A_2973 : vector<20x4096xi32>
    %convert_element_type3A_2975 = arith.extui %eq3A_2974 : vector<20x4096xi1> to vector<20x4096xi32>
    %convert_element_type3A_2976 = arith.sitofp %convert_element_type3A_2975 : vector<20x4096xi32> to vector<20x4096xf32>
    %sub3A_2977 = arith.constant 1.000000e+00 : f32
    %sub3A_2978 = vector.broadcast %sub3A_2977 : f32 to vector<20x1xf32>
    %sub3A_2979 = arith.subf %sub3A_2978, %slice3A_2938 : vector<20x1xf32>
    %mul3A_2980 = arith.mulf %slice3A_2937, %sub3A_2979 : vector<20x1xf32>
    %mul3A_2981 = vector.broadcast %mul3A_2980 : vector<20x1xf32> to vector<20x4096xf32>
    %mul3A_2982 = arith.mulf %convert_element_type3A_2976, %mul3A_2981 : vector<20x4096xf32>
    %add3A_2983 = arith.addf %add3A_2968, %mul3A_2982 : vector<20x4096xf32>
    %add3A_2984 = arith.constant 65 : i32
    %add3A_2985 = vector.broadcast %add3A_2984 : i32 to vector<20x1xi32>
    %add3A_2986 = arith.addi %slice3A_2936, %add3A_2985 : vector<20x1xi32>
    %eq3A_2987 = vector.broadcast %iota3A_114 : vector<1x4096xi32> to vector<20x4096xi32>
    %eq3A_2988 = vector.broadcast %add3A_2986 : vector<20x1xi32> to vector<20x4096xi32>
    %eq3A_2989 = arith.cmpi eq, %eq3A_2987, %eq3A_2988 : vector<20x4096xi32>
    %convert_element_type3A_2990 = arith.extui %eq3A_2989 : vector<20x4096xi1> to vector<20x4096xi32>
    %convert_element_type3A_2991 = arith.sitofp %convert_element_type3A_2990 : vector<20x4096xi32> to vector<20x4096xf32>
    %mul3A_2992 = arith.mulf %slice3A_2937, %slice3A_2938 : vector<20x1xf32>
    %mul3A_2993 = vector.broadcast %mul3A_2992 : vector<20x1xf32> to vector<20x4096xf32>
    %mul3A_2994 = arith.mulf %convert_element_type3A_2991, %mul3A_2993 : vector<20x4096xf32>
    %add3A_2995 = arith.addf %add3A_2983, %mul3A_2994 : vector<20x4096xf32>
    %slice3A_2996 = vector.extract_strided_slice %add3A_113 {offsets = [0, 48], sizes = [20, 1], strides = [1, 1]} : vector<20x49xi32> to vector<20x1xi32>
    %slice3A_2997 = vector.extract_strided_slice %min3A_100 {offsets = [0, 48], sizes = [20, 1], strides = [1, 1]} : vector<20x49xf32> to vector<20x1xf32>
    %slice3A_2998 = vector.extract_strided_slice %min3A_107 {offsets = [0, 48], sizes = [20, 1], strides = [1, 1]} : vector<20x49xf32> to vector<20x1xf32>
    %eq3A_2999 = vector.broadcast %iota3A_114 : vector<1x4096xi32> to vector<20x4096xi32>
    %eq3A_3000 = vector.broadcast %slice3A_2996 : vector<20x1xi32> to vector<20x4096xi32>
    %eq3A_3001 = arith.cmpi eq, %eq3A_2999, %eq3A_3000 : vector<20x4096xi32>
    %convert_element_type3A_3002 = arith.extui %eq3A_3001 : vector<20x4096xi1> to vector<20x4096xi32>
    %convert_element_type3A_3003 = arith.sitofp %convert_element_type3A_3002 : vector<20x4096xi32> to vector<20x4096xf32>
    %sub3A_3004 = arith.constant 1.000000e+00 : f32
    %sub3A_3005 = vector.broadcast %sub3A_3004 : f32 to vector<20x1xf32>
    %sub3A_3006 = arith.subf %sub3A_3005, %slice3A_2997 : vector<20x1xf32>
    %sub3A_3007 = arith.constant 1.000000e+00 : f32
    %sub3A_3008 = vector.broadcast %sub3A_3007 : f32 to vector<20x1xf32>
    %sub3A_3009 = arith.subf %sub3A_3008, %slice3A_2998 : vector<20x1xf32>
    %mul3A_3010 = arith.mulf %sub3A_3006, %sub3A_3009 : vector<20x1xf32>
    %mul3A_3011 = vector.broadcast %mul3A_3010 : vector<20x1xf32> to vector<20x4096xf32>
    %mul3A_3012 = arith.mulf %convert_element_type3A_3003, %mul3A_3011 : vector<20x4096xf32>
    %add3A_3013 = arith.addf %add3A_2995, %mul3A_3012 : vector<20x4096xf32>
    %add3A_3014 = arith.constant 1 : i32
    %add3A_3015 = vector.broadcast %add3A_3014 : i32 to vector<20x1xi32>
    %add3A_3016 = arith.addi %slice3A_2996, %add3A_3015 : vector<20x1xi32>
    %eq3A_3017 = vector.broadcast %iota3A_114 : vector<1x4096xi32> to vector<20x4096xi32>
    %eq3A_3018 = vector.broadcast %add3A_3016 : vector<20x1xi32> to vector<20x4096xi32>
    %eq3A_3019 = arith.cmpi eq, %eq3A_3017, %eq3A_3018 : vector<20x4096xi32>
    %convert_element_type3A_3020 = arith.extui %eq3A_3019 : vector<20x4096xi1> to vector<20x4096xi32>
    %convert_element_type3A_3021 = arith.sitofp %convert_element_type3A_3020 : vector<20x4096xi32> to vector<20x4096xf32>
    %sub3A_3022 = arith.constant 1.000000e+00 : f32
    %sub3A_3023 = vector.broadcast %sub3A_3022 : f32 to vector<20x1xf32>
    %sub3A_3024 = arith.subf %sub3A_3023, %slice3A_2997 : vector<20x1xf32>
    %mul3A_3025 = arith.mulf %sub3A_3024, %slice3A_2998 : vector<20x1xf32>
    %mul3A_3026 = vector.broadcast %mul3A_3025 : vector<20x1xf32> to vector<20x4096xf32>
    %mul3A_3027 = arith.mulf %convert_element_type3A_3021, %mul3A_3026 : vector<20x4096xf32>
    %add3A_3028 = arith.addf %add3A_3013, %mul3A_3027 : vector<20x4096xf32>
    %add3A_3029 = arith.constant 64 : i32
    %add3A_3030 = vector.broadcast %add3A_3029 : i32 to vector<20x1xi32>
    %add3A_3031 = arith.addi %slice3A_2996, %add3A_3030 : vector<20x1xi32>
    %eq3A_3032 = vector.broadcast %iota3A_114 : vector<1x4096xi32> to vector<20x4096xi32>
    %eq3A_3033 = vector.broadcast %add3A_3031 : vector<20x1xi32> to vector<20x4096xi32>
    %eq3A_3034 = arith.cmpi eq, %eq3A_3032, %eq3A_3033 : vector<20x4096xi32>
    %convert_element_type3A_3035 = arith.extui %eq3A_3034 : vector<20x4096xi1> to vector<20x4096xi32>
    %convert_element_type3A_3036 = arith.sitofp %convert_element_type3A_3035 : vector<20x4096xi32> to vector<20x4096xf32>
    %sub3A_3037 = arith.constant 1.000000e+00 : f32
    %sub3A_3038 = vector.broadcast %sub3A_3037 : f32 to vector<20x1xf32>
    %sub3A_3039 = arith.subf %sub3A_3038, %slice3A_2998 : vector<20x1xf32>
    %mul3A_3040 = arith.mulf %slice3A_2997, %sub3A_3039 : vector<20x1xf32>
    %mul3A_3041 = vector.broadcast %mul3A_3040 : vector<20x1xf32> to vector<20x4096xf32>
    %mul3A_3042 = arith.mulf %convert_element_type3A_3036, %mul3A_3041 : vector<20x4096xf32>
    %add3A_3043 = arith.addf %add3A_3028, %mul3A_3042 : vector<20x4096xf32>
    %add3A_3044 = arith.constant 65 : i32
    %add3A_3045 = vector.broadcast %add3A_3044 : i32 to vector<20x1xi32>
    %add3A_3046 = arith.addi %slice3A_2996, %add3A_3045 : vector<20x1xi32>
    %eq3A_3047 = vector.broadcast %iota3A_114 : vector<1x4096xi32> to vector<20x4096xi32>
    %eq3A_3048 = vector.broadcast %add3A_3046 : vector<20x1xi32> to vector<20x4096xi32>
    %eq3A_3049 = arith.cmpi eq, %eq3A_3047, %eq3A_3048 : vector<20x4096xi32>
    %convert_element_type3A_3050 = arith.extui %eq3A_3049 : vector<20x4096xi1> to vector<20x4096xi32>
    %convert_element_type3A_3051 = arith.sitofp %convert_element_type3A_3050 : vector<20x4096xi32> to vector<20x4096xf32>
    %mul3A_3052 = arith.mulf %slice3A_2997, %slice3A_2998 : vector<20x1xf32>
    %mul3A_3053 = vector.broadcast %mul3A_3052 : vector<20x1xf32> to vector<20x4096xf32>
    %mul3A_3054 = arith.mulf %convert_element_type3A_3051, %mul3A_3053 : vector<20x4096xf32>
    %add3A_3055 = arith.addf %add3A_3043, %mul3A_3054 : vector<20x4096xf32>
    %get3A_3056 = arith.constant 0 : index
    %get3A_3057 = arith.constant 0 : index
    %get3A_3058 = vector.load %arg0[%get3A_3056, %get3A_3057] : memref<256x4096xf32, #tpu.memory_space<vmem>>, vector<256x4096xf32>
    %dot_general3A = arith.constant dense<0.000000e+00> : vector<20x256xf32>
    %dot_general3A_3059 = tpu.matmul %add3A_3055, %get3A_3058, %dot_general3A {dimension_numbers = #tpu.dot_dimension_numbers<[1], [1], [0], [0], [0, 0, 1, 0], [], []>, transpose_lhs_hint = false} : vector<20x4096xf32>, vector<256x4096xf32>, vector<20x256xf32> -> vector<20x256xf32>
    %mul3A_3060 = arith.constant 0.0204081628 : f32
    %mul3A_3061 = vector.broadcast %mul3A_3060 : f32 to vector<20x256xf32>
    %mul3A_3062 = arith.mulf %dot_general3A_3059, %mul3A_3061 : vector<20x256xf32>
    %slice3A_3063 = vector.extract_strided_slice %mul3A_3062 {offsets = [0, 0], sizes = [10, 256], strides = [1, 1]} : vector<20x256xf32> to vector<10x256xf32>
    %slice3A_3064 = vector.extract_strided_slice %mul3A_3062 {offsets = [10, 0], sizes = [10, 256], strides = [1, 1]} : vector<20x256xf32> to vector<10x256xf32>
    %get3A_3065 = arith.constant 0 : index
    %get3A_3066 = arith.constant 0 : index
    %get3A_3067 = vector.load %arg3[%get3A_3065, %get3A_3066] : memref<512x1024xf32, #tpu.memory_space<vmem>>, vector<256x1024xf32>
    %get3A_3068 = arith.constant 256 : index
    %get3A_3069 = arith.constant 0 : index
    %get3A_3070 = vector.load %arg3[%get3A_3068, %get3A_3069] : memref<512x1024xf32, #tpu.memory_space<vmem>>, vector<256x1024xf32>
    %dot_general3A_3071 = arith.constant dense<0.000000e+00> : vector<10x1024xf32>
    %dot_general3A_3072 = tpu.matmul %slice3A_3063, %get3A_3067, %dot_general3A_3071 {dimension_numbers = #tpu.dot_dimension_numbers<[1], [0], [0], [1], [0, 0, 1, 1], [], []>, transpose_lhs_hint = false} : vector<10x256xf32>, vector<256x1024xf32>, vector<10x1024xf32> -> vector<10x1024xf32>
    %dot_general3A_3073 = arith.constant dense<0.000000e+00> : vector<10x1024xf32>
    %dot_general3A_3074 = tpu.matmul %slice3A_3064, %get3A_3070, %dot_general3A_3073 {dimension_numbers = #tpu.dot_dimension_numbers<[1], [0], [0], [1], [0, 0, 1, 1], [], []>, transpose_lhs_hint = false} : vector<10x256xf32>, vector<256x1024xf32>, vector<10x1024xf32> -> vector<10x1024xf32>
    %iota3A_3075 = tpu.iota {dimensions = array<i32: 0>} : vector<100x1xi32>
    %iota3A_3076 = tpu.iota {dimensions = array<i32: 1>} : vector<1x10xi32>
    %jit3A_3077 = arith.constant 10 : i32
    %div3A_3078 = vector.broadcast %jit3A_3077 : i32 to vector<100x1xi32>
    %div3A_3079 = arith.divsi %iota3A_3075, %div3A_3078 : vector<100x1xi32>
    %sign3A_3080 = arith.constant 0 : i32
    %sign3A_3081 = vector.broadcast %sign3A_3080 : i32 to vector<100x1xi32>
    %sign3A_3082 = arith.cmpi sgt, %iota3A_3075, %sign3A_3081 : vector<100x1xi32>
    %sign3A_3083 = arith.extui %sign3A_3082 : vector<100x1xi1> to vector<100x1xi32>
    %sign3A_3084 = arith.constant 0 : i32
    %sign3A_3085 = vector.broadcast %sign3A_3084 : i32 to vector<100x1xi32>
    %sign3A_3086 = arith.cmpi slt, %iota3A_3075, %sign3A_3085 : vector<100x1xi32>
    %sign3A_3087 = arith.extui %sign3A_3086 : vector<100x1xi1> to vector<100x1xi32>
    %sign3A_3088 = arith.subi %sign3A_3083, %sign3A_3087 : vector<100x1xi32>
    %sign3A_3089 = arith.constant 0 : i32
    %sign3A_3090 = arith.cmpi sgt, %jit3A_3077, %sign3A_3089 : i32
    %sign3A_3091 = arith.extui %sign3A_3090 : i1 to i32
    %sign3A_3092 = arith.constant 0 : i32
    %sign3A_3093 = arith.cmpi slt, %jit3A_3077, %sign3A_3092 : i32
    %sign3A_3094 = arith.extui %sign3A_3093 : i1 to i32
    %sign3A_3095 = arith.subi %sign3A_3091, %sign3A_3094 : i32
    %ne3A_3096 = vector.broadcast %sign3A_3095 : i32 to vector<100x1xi32>
    %ne3A_3097 = arith.cmpi ne, %sign3A_3088, %ne3A_3096 : vector<100x1xi32>
    %rem3A_3098 = vector.broadcast %jit3A_3077 : i32 to vector<100x1xi32>
    %rem3A_3099 = arith.remsi %iota3A_3075, %rem3A_3098 : vector<100x1xi32>
    %ne3A_3100 = arith.constant 0 : i32
    %ne3A_3101 = vector.broadcast %ne3A_3100 : i32 to vector<100x1xi32>
    %ne3A_3102 = arith.cmpi ne, %rem3A_3099, %ne3A_3101 : vector<100x1xi32>
    %and3A_3103 = arith.andi %ne3A_3097, %ne3A_3102 : vector<100x1xi1>
    %sub3A_3104 = arith.constant 1 : i32
    %sub3A_3105 = vector.broadcast %sub3A_3104 : i32 to vector<100x1xi32>
    %sub3A_3106 = arith.subi %div3A_3079, %sub3A_3105 : vector<100x1xi32>
    %select_n3A_3107 = arith.select %and3A_3103, %sub3A_3106, %div3A_3079 : vector<100x1xi1>, vector<100x1xi32>
    %eq3A_3108 = vector.broadcast %select_n3A_3107 : vector<100x1xi32> to vector<100x10xi32>
    %eq3A_3109 = vector.broadcast %iota3A_3076 : vector<1x10xi32> to vector<100x10xi32>
    %eq3A_3110 = arith.cmpi eq, %eq3A_3108, %eq3A_3109 : vector<100x10xi32>
    %convert_element_type3A_3111 = arith.extui %eq3A_3110 : vector<100x10xi1> to vector<100x10xi32>
    %convert_element_type3A_3112 = arith.sitofp %convert_element_type3A_3111 : vector<100x10xi32> to vector<100x10xf32>
    %jit3A_3113 = arith.constant 10 : i32
    %eq3A_3114 = arith.constant 0 : i32
    %eq3A_3115 = arith.cmpi eq, %jit3A_3113, %eq3A_3114 : i32
    %jit3A_3116 = arith.constant 1 : i32
    %select_n3A_3117 = arith.select %eq3A_3115, %jit3A_3116, %jit3A_3113 : i32
    %rem3A_3118 = vector.broadcast %select_n3A_3117 : i32 to vector<100x1xi32>
    %rem3A_3119 = arith.remsi %iota3A_3075, %rem3A_3118 : vector<100x1xi32>
    %ne3A_3120 = arith.constant 0 : i32
    %ne3A_3121 = vector.broadcast %ne3A_3120 : i32 to vector<100x1xi32>
    %ne3A_3122 = arith.cmpi ne, %rem3A_3119, %ne3A_3121 : vector<100x1xi32>
    %lt3A_3123 = arith.constant 0 : i32
    %lt3A_3124 = vector.broadcast %lt3A_3123 : i32 to vector<100x1xi32>
    %lt3A_3125 = arith.cmpi slt, %rem3A_3119, %lt3A_3124 : vector<100x1xi32>
    %lt3A_3126 = arith.constant 0 : i32
    %lt3A_3127 = arith.cmpi slt, %select_n3A_3117, %lt3A_3126 : i32
    %ne3A_3128 = vector.broadcast %lt3A_3127 : i1 to vector<100x1xi1>
    %ne3A_3129 = vector.broadcast %ne3A_3128 : vector<100x1xi1> to vector<100x1xi1>
    %ne3A_3130 = arith.xori %lt3A_3125, %ne3A_3129 : vector<100x1xi1>
    %and3A_3131 = arith.andi %ne3A_3130, %ne3A_3122 : vector<100x1xi1>
    %add3A_3132 = vector.broadcast %select_n3A_3117 : i32 to vector<100x1xi32>
    %add3A_3133 = arith.addi %rem3A_3119, %add3A_3132 : vector<100x1xi32>
    %select_n3A_3134 = arith.select %and3A_3131, %add3A_3133, %rem3A_3119 : vector<100x1xi1>, vector<100x1xi32>
    %eq3A_3135 = vector.broadcast %select_n3A_3134 : vector<100x1xi32> to vector<100x10xi32>
    %eq3A_3136 = vector.broadcast %iota3A_3076 : vector<1x10xi32> to vector<100x10xi32>
    %eq3A_3137 = arith.cmpi eq, %eq3A_3135, %eq3A_3136 : vector<100x10xi32>
    %convert_element_type3A_3138 = arith.extui %eq3A_3137 : vector<100x10xi1> to vector<100x10xi32>
    %convert_element_type3A_3139 = arith.sitofp %convert_element_type3A_3138 : vector<100x10xi32> to vector<100x10xf32>
    %dot_general3A_3140 = arith.constant dense<0.000000e+00> : vector<100x1024xf32>
    %dot_general3A_3141 = tpu.matmul %convert_element_type3A_3112, %dot_general3A_3072, %dot_general3A_3140 {dimension_numbers = #tpu.dot_dimension_numbers<[1], [0], [0], [1], [0, 0, 1, 1], [], []>, transpose_lhs_hint = false} : vector<100x10xf32>, vector<10x1024xf32>, vector<100x1024xf32> -> vector<100x1024xf32>
    %dot_general3A_3142 = arith.constant dense<0.000000e+00> : vector<100x1024xf32>
    %dot_general3A_3143 = tpu.matmul %convert_element_type3A_3139, %dot_general3A_3074, %dot_general3A_3142 {dimension_numbers = #tpu.dot_dimension_numbers<[1], [0], [0], [1], [0, 0, 1, 1], [], []>, transpose_lhs_hint = false} : vector<100x10xf32>, vector<10x1024xf32>, vector<100x1024xf32> -> vector<100x1024xf32>
    %add3A_3144 = arith.addf %dot_general3A_3141, %dot_general3A_3143 : vector<100x1024xf32>
    %get3A_3145 = arith.constant 0 : index
    %get3A_3146 = arith.constant 0 : index
    %get3A_3147 = vector.load %arg4[%get3A_3145, %get3A_3146] : memref<1x1024xf32, #tpu.memory_space<vmem>>, vector<1x1024xf32>
    %add3A_3148 = vector.broadcast %get3A_3147 : vector<1x1024xf32> to vector<100x1024xf32>
    %add3A_3149 = arith.addf %add3A_3144, %add3A_3148 : vector<100x1024xf32>
    %max3A_3150 = arith.constant 0.000000e+00 : f32
    %max3A_3151 = vector.broadcast %max3A_3150 : f32 to vector<100x1024xf32>
    %max3A_3152 = arith.maximumf %add3A_3149, %max3A_3151 : vector<100x1024xf32>
    %get3A_3153 = arith.constant 0 : index
    %get3A_3154 = arith.constant 0 : index
    %get3A_3155 = vector.load %arg5[%get3A_3153, %get3A_3154] : memref<1024x117xf32, #tpu.memory_space<vmem>>, vector<1024x117xf32>
    %dot_general3A_3156 = arith.constant dense<0.000000e+00> : vector<100x117xf32>
    %dot_general3A_3157 = tpu.matmul %max3A_3152, %get3A_3155, %dot_general3A_3156 {dimension_numbers = #tpu.dot_dimension_numbers<[1], [0], [0], [1], [0, 0, 1, 1], [], []>, transpose_lhs_hint = false} : vector<100x1024xf32>, vector<1024x117xf32>, vector<100x117xf32> -> vector<100x117xf32>
    %get3A_3158 = arith.constant 0 : index
    %get3A_3159 = arith.constant 0 : index
    %get3A_3160 = vector.load %arg6[%get3A_3158, %get3A_3159] : memref<1x117xf32, #tpu.memory_space<vmem>>, vector<1x117xf32>
    %add3A_3161 = vector.broadcast %get3A_3160 : vector<1x117xf32> to vector<100x117xf32>
    %add3A_3162 = arith.addf %dot_general3A_3157, %add3A_3161 : vector<100x117xf32>
    %logistic3A = arith.negf %add3A_3162 : vector<100x117xf32>
    %logistic3A_3163 = math.exp %logistic3A : vector<100x117xf32>
    %logistic3A_3164 = arith.constant 1.000000e+00 : f32
    %logistic3A_3165 = vector.broadcast %logistic3A_3164 : f32 to vector<100x117xf32>
    %logistic3A_3166 = arith.addf %logistic3A_3165, %logistic3A_3163 : vector<100x117xf32>
    %logistic3A_3167 = arith.divf %logistic3A_3165, %logistic3A_3166 : vector<100x117xf32>
    %get3A_3168 = arith.constant 0 : index
    %get3A_3169 = arith.constant 0 : index
    %get3A_3170 = vector.load %arg2[%get3A_3168, %get3A_3169] : memref<100x1xf32, #tpu.memory_space<vmem>>, vector<100x1xf32>
    %mul3A_3171 = vector.broadcast %get3A_3170 : vector<100x1xf32> to vector<100x117xf32>
    %mul3A_3172 = arith.mulf %logistic3A_3167, %mul3A_3171 : vector<100x117xf32>
    %swap3A = arith.constant 0 : index
    %swap3A_3173 = arith.constant 0 : index
    %swap3A_3174 = vector.load %arg7[%swap3A, %swap3A_3173] : memref<100x117xf32, #tpu.memory_space<vmem>>, vector<100x117xf32>
    tpu.vector_store %arg7[%swap3A, %swap3A_3173], %mul3A_3172 {strides = array<i32>} : memref<100x117xf32, #tpu.memory_space<vmem>>, vector<100x117xf32>,
    return
  }
}

</mosaic_0001>

<sc_bundles>
// kernel: kernel.5.cloned.1.call-start
scs
__scs_entry_jumppad:
0x0: {  	(pc) =	sbr.rel $0x88, $3  }
0x1: {  	(tag) =	ssettag $0x0;
	lr =	simm.s32 $0x1  }
0x2: {  	[smem:$0x3F99] =	sst lr;
	_ =	strace $0xD0000000  }
0x3: {  	_ = 	snop  }
0x4: {  	_ = 	snop  }
0x5: {  	_ = 	snop  }
0x6: {  	_ = 	snop  }
0x7: {  	_ = 	snop  }
__scs_overlays_trampoline_lowered:
0x8: {  	[smem:$0x3FA8] =	sst s0  }
0x9: {  	[smem:$0x3FA9] =	sst s1  }
0xa: {  	[smem:$0x3FAA] =	sst s2  }
0xb: {  	[smem:$0x3FAB] =	sst s3  }
0xc: {  	[smem:$0x3FAC] =	sst s4  }
0xd: {  	[smem:$0x3FAD] =	sst s5  }
0xe: {  	[smem:$0x3FAE] =	sst s6  }
0xf: {  	[smem:$0x3FAF] =	sst s7  }
0x10: {  	[smem:$0x3FB0] =	sst s8  }
0x11: {  	[smem:$0x3FB1] =	sst s9;
	s0 =	simm.s32 @!p0 $0x0  }
0x12: {  	s1 =	sld [smem:$0x3F97];
	s0 =	simm.s32 @p0 $0x1  }
0x13: {  	[smem:$0x3FB2] =	sst s0;
	s0 =	simm.s32 @!p1 $0x0  }
0x14: {  	s2 =	sld [smem:$0x3F96];
	s0 =	simm.s32 @p1 $0x1  }
0x15: {  	[smem:$0x3FB3] =	sst s0;
	s0 =	simm.s32 @!p2 $0x0  }
0x16: {  	s3 =	sld [smem:$0x3FDB];
	s0 =	simm.s32 @p2 $0x1  }
0x17: {  	s4 =	simm.s32 $0x1BF5;
	[smem:$0x3FB5] =	sst s0  }
0x18: {  	s0 =	sld [smem:$0x3F98];
	_ =	swait.ge [sflag:s4], $0x0  }
0x19: {  	s7 =	sld [smem:$0x3F99]  }
0x1a: {  	s8 =	sadd.s32 $0xFFFFE003, lr  }
0x1b: {  	s9 =	sadd.s32 $0xFFFFFEF7, lr;
	s5 =	simm.s32 $0xFFFFFFFF;
	p2 =	slt.u32 s8, $0xFFFFF086  }
0x1c: {  	p1 =	slt.u32 s9, $0xF7A;
	s5 =	simm.s32 @!p2 $0x0  }
0x1d: {  	s5 =	simm.s32 @p1 $0x1;
	p0 =	seq.s32 s7, s2  }
0x1e: {  	s7 =	smul.u32 @!p0 $0xF7A, s2;
	p2 =	seq.s32 @!p0 s5, $0x0  }
0x1f: {  	s9 =	smul.u32 $0xF7A, s1;
	s8 =	simm.s32 @!p0 $0x1BF5;
	p2 =	por !p2, p0  }
0x20: {  	[sflag:s8] =	ssyncset.s32 @!p0 $0xFFFFF086;
	s6 =	sadd.s32 @!p0 s3, s7;
	s7 =	simm.s32 @!p0 $0x108  }
0x21: {  	s3 =	sadd.s32 s3, s9;
	s6 =	sadd.s32 @!p0 $0x88, s6;
	s7 =	simm.s32 @p2 $0x1082  }
0x22: {  	[simem:s7], [sflag:s8] =	dma.local @!p0 [hbm:s6], $0xF7A  }
0x23: {  	s9 =	sor.u32 $0xD0000000, s2;
	s6 =	simm.s32 $0x108;
	_ =	swait.ge @!p0 [sflag:s8], $0x0  }
0x24: {  	s3 =	sadd.s32 $0x88, s3;
	s6 =	simm.s32 @!p1 $0x1082;
	[sflag:s4] =	ssyncset.s32 $0xFFFFF086  }
0x25: {  	[simem:s6], [sflag:s4] =	dma.local [hbm:s3], $0xF7A  }
0x26: {  	[smem:$0x3F99] =	sst s1;
	(tag) =	ssettag s2;
	_ =	strace s9  }
0x27: {  	s1 =	sld [smem:$0x3FA9]  }
0x28: {  	s2 =	sld [smem:$0x3FAA]  }
0x29: {  	s4 =	sld [smem:$0x3FAC]  }
0x2a: {  	p0 =	seq.s32 s5, $0x0;
	s5 =	sld [smem:$0x3FAD]  }
0x2b: {  	s6 =	sld [smem:$0x3FAE]  }
0x2c: {  	s7 =	sld [smem:$0x3FAF]  }
0x2d: {  	s3 =	simm.s32 $0x108;
	s8 =	sld [smem:$0x3FB0]  }
0x2e: {  	s3 =	simm.s32 @!p0 $0x1082;
	s9 =	sld [smem:$0x3FB1]  }
0x2f: {  	lr =	sadd.s32 s0, s3;
	s0 =	sld [smem:$0x3FA8]  }
0x30: {  	s3 =	sld [smem:$0x3FAB]  }
0x31: {  	[smem:$0x3FB4] =	sst s10  }
0x32: {  	s10 =	sld [smem:$0x3FB2];
	_ =	sdelay $0x3  }
0x33: {  	p0 =	seq.s32 s10, $0x1;
	s10 =	sld [smem:$0x3FB4];
	_ =	sdelay $0x3  }
0x34: {  	[smem:$0x3FB4] =	sst s10  }
0x35: {  	s10 =	sld [smem:$0x3FB3];
	_ =	sdelay $0x3  }
0x36: {  	p1 =	seq.s32 s10, $0x1;
	s10 =	sld [smem:$0x3FB4];
	_ =	sdelay $0x3  }
0x37: {  	[smem:$0x3FB4] =	sst s10  }
0x38: {  	s10 =	sld [smem:$0x3FB5]  }
0x39: {  	_ = 	snop;
	(pc) =	sbr.ind lr, $3  }
0x3a: {  	_ = 	snop  }
0x3b: {  	_ = 	snop  }
0x3c: {  	p2 =	seq.s32 s10, $0x1;
	s10 =	sld [smem:$0x3FB4]  }
0x3d: {  	_ =	shalt  }
0x3e: {  	_ =	shalt  }
0x3f: {  	_ =	shalt  }
0x40: {  	_ =	shalt  }
0x41: {  	_ =	shalt  }
0x42: {  	_ =	shalt  }
0x43: {  	_ =	shalt  }
0x44: {  	_ =	shalt  }
0x45: {  	_ =	shalt  }
0x46: {  	_ =	shalt  }
0x47: {  	_ =	shalt  }
0x48: {  	_ =	shalt  }
0x49: {  	_ =	shalt  }
0x4a: {  	_ =	shalt  }
0x4b: {  	_ =	shalt  }
0x4c: {  	_ =	shalt  }
0x4d: {  	_ =	shalt  }
0x4e: {  	_ =	shalt  }
0x4f: {  	_ =	shalt  }
0x50: {  	_ =	shalt  }
0x51: {  	_ =	shalt  }
0x52: {  	_ =	shalt  }
0x53: {  	_ =	shalt  }
0x54: {  	_ =	shalt  }
0x55: {  	_ =	shalt  }
0x56: {  	_ =	shalt  }
0x57: {  	_ =	shalt  }
0x58: {  	_ =	shalt  }
0x59: {  	_ =	shalt  }
0x5a: {  	_ =	shalt  }
0x5b: {  	_ =	shalt  }
0x5c: {  	_ =	shalt  }
0x5d: {  	_ =	shalt  }
0x5e: {  	_ =	shalt  }
0x5f: {  	_ =	shalt  }
0x60: {  	_ =	shalt  }
0x61: {  	_ =	shalt  }
0x62: {  	_ =	shalt  }
0x63: {  	_ =	shalt  }
0x64: {  	_ =	shalt  }
0x65: {  	_ =	shalt  }
0x66: {  	_ =	shalt  }
0x67: {  	_ =	shalt  }
0x68: {  	_ =	shalt  }
0x69: {  	_ =	shalt  }
0x6a: {  	_ =	shalt  }
0x6b: {  	_ =	shalt  }
0x6c: {  	_ =	shalt  }
0x6d: {  	_ =	shalt  }
0x6e: {  	_ =	shalt  }
0x6f: {  	_ =	shalt  }
0x70: {  	_ =	shalt  }
0x71: {  	_ =	shalt  }
0x72: {  	_ =	shalt  }
0x73: {  	_ =	shalt  }
0x74: {  	_ =	shalt  }
0x75: {  	_ =	shalt  }
0x76: {  	_ =	shalt  }
0x77: {  	_ =	shalt  }
0x78: {  	_ =	shalt  }
0x79: {  	_ =	shalt  }
0x7a: {  	_ =	shalt  }
0x7b: {  	_ =	shalt  }
0x7c: {  	_ =	shalt  }
0x7d: {  	_ =	shalt  }
0x7e: {  	_ =	shalt  }
0x7f: {  	_ =	shalt  }
0x80: {  	_ =	shalt  }
0x81: {  	_ =	shalt  }
0x82: {  	_ =	shalt  }
0x83: {  	_ =	shalt  }
0x84: {  	_ =	shalt  }
0x85: {  	_ =	shalt  }
0x86: {  	_ =	shalt  }
0x87: {  	_ =	shalt  }
.Lfunc_end0:
.L_simem_size_0:
called_computation_lowered:
.L_overlay_start_0:
0x88: {  	s2 =	sld [smem:$0x3FD9]  }
0x89: {  	s3 =	sld [smem:$0x3FFE];
	_ =	sdelay $0x1  }
0x8a: {  	s1 =	srdreg.scid  }
0x8b: {  	s0 =	sand.u32 $0x1, s1  }
0x8c: {  	s14 =	sshll.u32 s0, $0xA;
	s2 =	sadd.s32 s3, s2  }
0x8d: {  	s2 =	sadd.s32 s2, s14  }
0x8e: {  	[smem:$0x3FC0] =	sst s2  }
0x8f: {  	_ = 	snop  }
0x90: {  	s2 =	sld [smem:$0x3FD0];
	_ =	sdelay $0x2  }
0x91: {  	s15 =	simm.s32 $0xA;
	s4 =	simm.s32 $0x10  }
0x92: {  	[smem:s4], [sflag:s15] =	dma.local [hbm:s2], $0x1  }
0x93: {  	_ =	swait.eq [sflag:s15], $0x1  }
0x94: {  	[sflag:s15] =	ssyncset.done $0x0  }
0x95: {  	[sflag:s15] =	ssyncadd.s32 $0xFFFFFFFF  }
0x96: {  	s16 =	sld [smem:$0x14];
	(tm) =	ssettm $0x1  }
0x97: {  	s17 =	sld [smem:$0x3FFB];
	_ =	sdelay $0x3  }
0x98: {  	_ =	strace s17  }
0x99: {  	s3 =	sld [smem:$0x3FFC];
	_ =	sdelay $0x3  }
0x9a: {  	_ =	strace s3  }
0x9b: {  	s3 =	sld [smem:$0x3FFD];
	_ =	sdelay $0x3  }
0x9c: {  	_ =	strace s3  }
0x9d: {  	_ =	strace $0x8FFFFFFF  }
0x9e: {  	s18 =	sld [smem:$0x3FDB];
	_ =	sdelay $0x1  }
0x9f: {  	s19 =	simm.s32 $_scs_section_size  }
0xa0: {  	s5 =	simm.s32 $_size__tile_overlayer_lowered;
	s6 =	simm.s32 $_tile_overlayer_lowered  }
0xa1: {  	s22 =	simm.s32 $0x1BFF;
	s21 =	sshll.u32 s6, $0x1;
	s3 =	sadd.s32 s19, s18  }
0xa2: {  	s7 =	simm.s32 $0x0;
	s20 =	sshll.u32 s5, $0x1;
	s5 =	sadd.s32 s21, s3  }
0xa3: {  	[timem:s7], [sflag:s22] =	dma.local [hbm:s5], s20  }
0xa4: {  	_ =	swait.ge [sflag:s22], s20  }
0xa5: {  	s4 =	ssub.s32 $0x0, s20;
	[sflag:s22] =	ssyncset.done $0x0  }
0xa6: {  	[sflag:s22] =	ssyncadd.s32 s4;
	_ =	sdelay $0x1  }
0xa7: {  	s23 =	simm.s32 $0x1B8B  }
0xa8: {  	_ =	swait.ge [sflag:s23], $0x1  }
0xa9: {  	[sflag:s23] =	ssyncset.done $0x0  }
0xaa: {  	s25 =	simm.s32 $0x1B8E;
	s24 =	sld [smem:$0x3FFE];
	[sflag:s23] =	ssyncadd.s32 $0xFFFFFFFF  }
0xab: {  	s26 =	simm.s32 $execute0_lowered;
	[smem:$0x3FD2] =	sst s25  }
0xac: {  	s5 =	sshll.u32 s26, $0x1;
	_ =	strace $0x80000046;
	[dreg:$0x1] =	wrdreg $0xFFFFFFFF  }
0xad: {  	s28 =	simm.s32 $_size_execute0_lowered;
	s3 =	sadd.s32 s3, s5;
	[dreg:$0x0] =	wrdreg $0x0  }
0xae: {  	s5 =	sshll.u32 s28, $0x1;
	[dreg:$0x2] =	wrdreg s3  }
0xaf: {  	[dreg:$0x3] =	wrdreg s5  }
0xb0: {  	[dreg:$0x4] =	wrdreg $0xC0  }
0xb1: {  	_ =	task [dreg:s7], $0x5FFFF  }
0xb2: {  	[dreg:$0x1] =	wrdreg $0xFFFFFFFF  }
0xb3: {  	[dreg:$0x0] =	wrdreg $0x60  }
0xb4: {  	[dreg:$0x2] =	wrdreg s24  }
0xb5: {  	[dreg:$0x3] =	wrdreg s16  }
0xb6: {  	[dreg:$0x4] =	wrdreg $0x9  }
0xb7: {  	_ =	task.clear_ibuf [dreg:s7], $0x5FFFF;
	_ =	strace $0x90000046  }
0xb8: {  	s29 =	simm.s32 $0x9;
	_ =	strace $0x80000048  }
0xb9: {  	_ =	swait.ge [sflag:s29], $0x1  }
0xba: {  	[sflag:s29] =	ssyncadd.s32 $0xFFFFFFFF  }
0xbb: {  	_ =	strace $0x90000048  }
0xbc: {  	_ =	sfence  }
0xbd: {  	s30 =	sld [smem:$0x0];
	_ =	sdelay $0x2  }
0xbe: {  	s31 =	sshll.u32 s1, $0xD;
	s1 =	sshrl.u32 s1, $0x2  }
0xbf: {  	s3 =	sand.u32 $0x4000, s31;
	s1 =	sadd.s32 s1, s30  }
0xc0: {  	s0 =	sor.u32 s3, s0;
	s1 =	sshll.u32 s1, $0x11  }
0xc1: {  	s0 =	sor.u32 s1, s0  }
0xc2: {  	s0 =	sadd.s32 $0x8F2B, s0  }
0xc3: {  	[sflag:s0] =	ssyncadd.remote.s32 $0x1  }
0xc4: {  	_ =	sfence.sel $0xFFFF  }
0xc5: {  	[dreg:$0x0] =	wrdreg $0xFFFFFFFF;
	(pc) =	sbr.abs _section_cstart, $3  }
0xc6: {  	[dreg:$0x1] =	wrdreg $0xFFFFFFFF  }
0xc7: {  	_ =	task.clear_ibuf [dreg:s7], $0x2FFFF;
	_ =	strace $0x9FFFFFFF  }
0xc8: {  	(tm) =	ssettm $0x7FFFFFFF  }
0xc9: {  	_ =	shalt  }
tec
execute0_lowered:
.L_overlay_start_1:
0x0: {  	(tag) =	ssettag $0x1  }
0x1: {  	s1 =	srdreg.scid;
	s0 =	stileid.u32  }
0x2: {  	s2 =	rddreg [dreg:$0x0];
	s6 =	sand.u32 $0x1, s1;
	s31 =	sshll.u32 s0, $0x1  }
0x3: {  	s4 =	rddreg [dreg:$0x1];
	s3 =	simm.s32 $0x0;
	s7 =	sor.u32 s6, s31  }
0x4: {  	[smem:$0x7FF] =	sst s3;
	s5 =	smul.u32 $0x14, s7  }
0x5: {  	s8 =	simm.s32 $0x1;
	s1 =	rddreg [dreg:$0x2];
	_ =	strace $0x80000047  }
0x6: {  	s10 =	ssub.s32 $0x2, s6;
	s5 =	sadd.s32 s4, s5;
	s4 =	simm.s32 $0x2  }
0x7: {  	[tilespmem:s3], [sflag:$0x2] =	stream.linear.gather [hbm4b:s5+s3], $0xA0, $0x38;
	[tilespmem:$0x5100] =	vst v63  }
0x8: {  	s6 =	simm.s32 $0xA0;
	s11 =	sshrl.u32 s10, $0x1;
	_ =	swait.ge [sflag:s4], $0xA0  }
0x9: {  	s9 =	smul.u32 $0xA00, s7;
	s10 =	ssub.s32 s10, s11;
	[sflag:s4] =	ssyncset.done $0x0  }
0xa: {  	s7 =	simm.s32 $0x100;
	s10 =	smax.u32 s10, $0x1;
	[sflag:s4] =	ssyncadd.s32 $0xFFFFFF60  }
0xb: {  	[tilespmem:s7], [sflag:$0x1] =	stream.indirect.gather [hbm4b:s2+s6], $0x80, s3, s6, $0xb8;
	[tilespmem:$0x5100] =	vst v63  }
0xc: {  	p0 =	sne.s32 s10, $0x1;
	_ =	swait.ge [sflag:s8], $0x5000  }
.Ltmp0:
0xd: {  	s9 =	sadd.s32 s9, s2;
	[sflag:s8] =	ssyncset.done $0x0;
	(pc) =	sbr.rel @!p0 .LBB2_2-.Ltmp0, $4  }
0xe: {  	s9 =	sadd.s32 $0x14000, s9;
	[sflag:s8] =	ssyncadd.s32 $0xFFFFB000  }
0xf: {  	[hbm4b:s9+s3] =	stream.linear.scatter [tilespmem:s7], [sflag:$0x2], $0x5000, $0x38;
	[tilespmem:$0x5100] =	vst v63  }
0x10: {  	_ =	swait.ge [sflag:s4], $0x5000  }
0x11: {  	s10 =	sadd.s32 $0xFFFFFFFF, s10;
	[sflag:s4] =	ssyncset.done $0x0  }
.LBB2_1:
0x12: {  	p0 =	sne.s32 s10, $0x1;
	s10 =	sadd.s32 $0xFFFFFFFF, s10;
	[sflag:s4] =	ssyncadd.s32 $0xFFFFB000  }
0x13: {  	[tilespmem:s3], [sflag:$0x2] =	stream.linear.gather [hbm4b:s5+s3], $0xA0, $0x38;
	[tilespmem:$0x5100] =	vst v63  }
0x14: {  	_ =	swait.ge [sflag:s4], $0xA0  }
0x15: {  	[sflag:s4] =	ssyncset.done $0x0  }
0x16: {  	[sflag:s4] =	ssyncadd.s32 $0xFFFFFF60  }
0x17: {  	[tilespmem:s7], [sflag:$0x1] =	stream.indirect.gather [hbm4b:s2+s6], $0x80, s3, s6, $0xb8;
	[tilespmem:$0x5100] =	vst v63  }
0x18: {  	_ =	swait.ge [sflag:s8], $0x5000  }
.Ltmp1:
0x19: {  	[sflag:s8] =	ssyncset.done $0x0;
	(pc) =	sbr.rel @p0 .LBB2_1-.Ltmp1, $4  }
0x1a: {  	[sflag:s8] =	ssyncadd.s32 $0xFFFFB000  }
0x1b: {  	[hbm4b:s9+s3] =	stream.linear.scatter [tilespmem:s7], [sflag:$0x2], $0x5000, $0x38;
	[tilespmem:$0x5100] =	vst v63  }
0x1c: {  	_ =	swait.ge [sflag:s4], $0x5000  }
0x1d: {  	[sflag:s4] =	ssyncset.done $0x0  }
.LBB2_2:
0x1e: {  	[sflag:s4] =	ssyncadd.s32 $0xFFFFB000  }
0x1f: {  	_ =	sfence.sel $0x180000  }
0x20: {  	[bflag:$0x0] =	sbarrier.arrive $0xFFFF  }
0x21: {  	p0 =	sne.s32 s0, $0x0;
	_ =	strace $0x90000047  }
0x22: {  	s0 =	sadd.s32 @!p0 $0x100000, s1;
	[bflag:$0x2] =	sbarrier.arrive $0xFFFF  }
0x23: {  	[sflag:s0] =	ssyncadd.tile.s32 @!p0 $0x1;
	_ =	shalt  }
.Lfunc_end2:
_tile_overlayer_lowered:
.L_overlay_start_2:
0x24: {  	(tag) =	ssettag $0x2  }
0x25: {  	s0 =	rddreg [dreg:$0x0];
	s2 =	stileid.u32  }
0x26: {  	s1 =	rddreg [dreg:$0x1];
	p0 =	sne.s32 s2, $0x0  }
0x27: {  	s3 =	rddreg [dreg:$0x2];
	[bflag:$0x3] =	sbarrier.arrive $0xFFFF;
	s2 =	simm.s32 @!p0 $0x1C02  }
0x28: {  	[timem:s3], [sflag:s2] =	dma.local @!p0 [hbm:s0], s1  }
0x29: {  	s0 =	simm.s32 @!p0 $0x2  }
0x2a: {  	_ =	swait.ge @!p0 [sflag:s0], s1  }
0x2b: {  	s1 =	ssub.s32 @!p0 $0x0, s1;
	[sflag:s0] =	ssyncset.done @!p0 $0x0  }
0x2c: {  	[sflag:s0] =	ssyncadd.s32 @!p0 s1  }
0x2d: {  	[bflag:$0x3] =	sbarrier.arrive $0xFFFF  }
0x2e: {  	_ =	shalt  }

</sc_bundles>
